<compile_context>
chip_gen: v7x
topology: tpu7x:2x2x1
jax: 0.10.2.dev20260603
libtpu: 0.0.44.dev20260713+nightly
codegen_flags: <defaults>
</compile_context>

<pallas_src>
import jax
import jax.numpy as jnp
from jax import lax
from jax.experimental import pallas as pl
from jax.experimental.pallas import tpu as pltpu
from jax.experimental.pallas import tpu_sc as plsc

_N = 4_194_304
_G = 1000
_GPAD = 1024
_NC = 2
_NS = 16
_NW = _NC * _NS
_PER_TILE = _N // _NW
_CHUNK = 8192
_STEPS = _PER_TILE // _CHUNK
_NBUF = 3
_L = 16


def _body(x_hbm, g_hbm, means_hbm, sds_hbm, out_hbm,
          tbl_m, tbl_s, tbl_p,
          x_v0, x_v1, x_v2, g_v0, g_v1, g_v2, o_v0, o_v1, o_v2,
          semld0, semld1, semld2, semst0, semst1, semst2, semtb):
    wid = lax.axis_index("s") * _NC + lax.axis_index("c")
    base = wid * _PER_TILE
    x_v = (x_v0, x_v1, x_v2)
    g_v = (g_v0, g_v1, g_v2)
    o_v = (o_v0, o_v1, o_v2)
    semld = (semld0, semld1, semld2)
    semst = (semst0, semst1, semst2)

    def load(c):
        b = c % _NBUF
        off = base + c * _CHUNK
        cx = pltpu.make_async_copy(
            x_hbm.at[pl.ds(off, _CHUNK)], x_v[b], semld[b])
        cg = pltpu.make_async_copy(
            g_hbm.at[pl.ds(off, _CHUNK)], g_v[b], semld[b])
        return cx, cg

    def store(c):
        b = c % _NBUF
        off = base + c * _CHUNK
        return pltpu.make_async_copy(
            o_v[b], out_hbm.at[pl.ds(off, _CHUNK)], semst[b])

    for c in range(_NBUF - 1):
        cx, cg = load(c)
        cx.start()
        cg.start()

    cm = pltpu.make_async_copy(means_hbm, tbl_m.at[pl.ds(0, _G)], semtb)
    cs = pltpu.make_async_copy(sds_hbm, tbl_s.at[pl.ds(0, _G)], semtb)
    cm.start()
    cs.start()
    cm.wait()
    cs.wait()

    def init_tbl(i, carry):
        m = tbl_m[pl.ds(i * _L, _L)]
        s = tbl_s[pl.ds(i * _L, _L)]
        a = 1.0 / s
        b = -(m * a)
        ai = plsc.bitcast(a, jnp.int32) + jnp.int32(0x8000)
        bi = plsc.bitcast(b, jnp.int32) + jnp.int32(0x8000)
        packed = (ai & jnp.int32(-65536)) | (
            lax.shift_right_logical(bi, jnp.int32(16)))
        tbl_p[pl.ds(i * _L, _L)] = packed
        return carry

    lax.fori_loop(0, (_G + _L - 1) // _L, init_tbl, 0)

    for c in range(_STEPS):
        b = c % _NBUF
        if c + _NBUF - 1 < _STEPS:
            nx, ng = load(c + _NBUF - 1)
            nx.start()
            ng.start()
        lx, lg = load(c)
        lx.wait()
        lg.wait()
        if c >= _NBUF:
            store(c - _NBUF).wait()
        gr = g_v[b]
        xr = x_v[b]
        orf = o_v[b]

        @plsc.parallel_loop(0, _CHUNK, step=_L, unroll=4)
        def _inner(e):
            idx = gr[pl.ds(e, _L)] - 1
            p = plsc.load_gather(tbl_p, [idx])
            a = plsc.bitcast(p & jnp.int32(-65536), jnp.float32)
            bb = plsc.bitcast(lax.shift_left(p, jnp.int32(16)), jnp.float32)
            orf[pl.ds(e, _L)] = xr[pl.ds(e, _L)] * a + bb

        store(c).start()

    for c in range(_STEPS - _NBUF, _STEPS):
        store(c).wait()


def kernel(x, group, means, sds):
    g32 = group.astype(jnp.int32)
    mesh = plsc.VectorSubcoreMesh(core_axis_name="c", subcore_axis_name="s")
    run = pl.kernel(
        _body,
        mesh=mesh,
        compiler_params=pltpu.CompilerParams(needs_layout_passes=False),
        out_type=jax.ShapeDtypeStruct((_N,), jnp.float32),
        scratch_types=[
            pltpu.VMEM((_GPAD,), jnp.float32),
            pltpu.VMEM((_GPAD,), jnp.float32),
            pltpu.VMEM((_GPAD,), jnp.int32),
            pltpu.VMEM((_CHUNK,), jnp.float32),
            pltpu.VMEM((_CHUNK,), jnp.float32),
            pltpu.VMEM((_CHUNK,), jnp.float32),
            pltpu.VMEM((_CHUNK,), jnp.int32),
            pltpu.VMEM((_CHUNK,), jnp.int32),
            pltpu.VMEM((_CHUNK,), jnp.int32),
            pltpu.VMEM((_CHUNK,), jnp.float32),
            pltpu.VMEM((_CHUNK,), jnp.float32),
            pltpu.VMEM((_CHUNK,), jnp.float32),
            pltpu.SemaphoreType.DMA,
            pltpu.SemaphoreType.DMA,
            pltpu.SemaphoreType.DMA,
            pltpu.SemaphoreType.DMA,
            pltpu.SemaphoreType.DMA,
            pltpu.SemaphoreType.DMA,
            pltpu.SemaphoreType.DMA,
        ],
    )
    return run(x, g32, means, sds)

# --- scband reference (transcript-rebuilt; emitter-appended) ---
"""Pipeline reference for scband-cont-transformer-standardize-grouped-87376814670083 (READ-ONLY COPY).

The authoritative reference and input builder live on the scoring server;
editing this copy changes nothing except your own understanding.
"""

import jax, jax.numpy as jnp
import numpy as np

N = 4_194_304
G = 1000

def setup_inputs(seed: int = 0) -> dict:
    key = jax.random.key(seed)
    k1, k2, k3, k4 = jax.random.split(key, 4)
    x = jax.random.normal(k1, (N,), dtype=jnp.float32) * 2.0 + 0.5
    # group ids are 1-based in the original module (indexed via group - 1)
    group = jax.random.randint(k2, (N,), 1, G + 1, dtype=jnp.int64)
    # learned/fit statistics (buffers computed at fit time in the torch module)
    means = jax.random.normal(k3, (G,), dtype=jnp.float32)
    # sds must be strictly positive (module raises on sd <= 1e-12)
    sds = jax.random.uniform(k4, (G,), dtype=jnp.float32, minval=0.5, maxval=2.0)
    return {"x": x, "group": group, "means": means, "sds": sds}

def reference(x, group, means, sds):
    # index_select(dim=0, index=group - 1) -> gather
    m = jnp.take(means, group - 1, axis=0)
    s = jnp.take(sds, group - 1, axis=0)
    out = (x - m) / s
    return out.astype(jnp.float32)

if __name__ == "__main__":
    import jax
    _d = setup_inputs()
    print(jax.jit(kernel)(*tuple(_d.values())))

</pallas_src>

<mosaic_0001>
#map = affine_map<(d0, d1) -> (0)>
module attributes {stable_mosaic.version = 14 : i64} {
  func.func @_body(%arg0: i32, %arg1: i32, %arg2: memref<4194304xf32, #tpu.memory_space<hbm>>, %arg3: memref<4194304xi32, #tpu.memory_space<hbm>>, %arg4: memref<1000xf32, #tpu.memory_space<hbm>>, %arg5: memref<1000xf32, #tpu.memory_space<hbm>>, %arg6: memref<4194304xf32, #tpu.memory_space<hbm>>, %arg7: memref<1024xf32, #tpu.memory_space<vmem>>, %arg8: memref<1024xf32, #tpu.memory_space<vmem>>, %arg9: memref<1024xi32, #tpu.memory_space<vmem>>, %arg10: memref<8192xf32, #tpu.memory_space<vmem>>, %arg11: memref<8192xf32, #tpu.memory_space<vmem>>, %arg12: memref<8192xf32, #tpu.memory_space<vmem>>, %arg13: memref<8192xi32, #tpu.memory_space<vmem>>, %arg14: memref<8192xi32, #tpu.memory_space<vmem>>, %arg15: memref<8192xi32, #tpu.memory_space<vmem>>, %arg16: memref<8192xf32, #tpu.memory_space<vmem>>, %arg17: memref<8192xf32, #tpu.memory_space<vmem>>, %arg18: memref<8192xf32, #tpu.memory_space<vmem>>, %arg19: memref<!tpu.dma_semaphore, #tpu.memory_space<semaphore_mem>>, %arg20: memref<!tpu.dma_semaphore, #tpu.memory_space<semaphore_mem>>, %arg21: memref<!tpu.dma_semaphore, #tpu.memory_space<semaphore_mem>>, %arg22: memref<!tpu.dma_semaphore, #tpu.memory_space<semaphore_mem>>, %arg23: memref<!tpu.dma_semaphore, #tpu.memory_space<semaphore_mem>>, %arg24: memref<!tpu.dma_semaphore, #tpu.memory_space<semaphore_mem>>, %arg25: memref<!tpu.dma_semaphore, #tpu.memory_space<semaphore_mem>>) attributes {dimension_semantics = [#tpu.dimension_semantics<core_parallel>, #tpu.dimension_semantics<subcore_parallel>], iteration_bounds = array<i64: 2, 16>, scalar_prefetch = 0 : i64, scratch_operands = 19 : i64, tpu.core_type = #tpu.core_type<sc_vector_subcore>, window_params = [{transform_indices = #map}, {transform_indices = #map}, {transform_indices = #map}, {transform_indices = #map}, {transform_indices = #map}]} {
    %mul3A = arith.constant 2 : i32
    %mul3A_0 = arith.muli %arg1, %mul3A : i32
    %add3A = arith.addi %mul3A_0, %arg0 : i32
    %mul3A_1 = arith.constant 131072 : i32
    %mul3A_2 = arith.muli %add3A, %mul3A_1 : i32
    %add3A_3 = arith.constant 0 : i32
    %add3A_4 = arith.addi %mul3A_2, %add3A_3 : i32
    %dma_start3A = tpu.memref_slice %arg2[%add3A_4] : memref<4194304xf32, #tpu.memory_space<hbm>> -> memref<8192xf32, #tpu.memory_space<hbm>>
    %dma_start3A_5 = tpu.memref_slice %arg2[%add3A_4] : memref<4194304xf32, #tpu.memory_space<hbm>> -> memref<8192xf32, #tpu.memory_space<hbm>>
    tpu.enqueue_dma source(%dma_start3A_5 : memref<8192xf32, #tpu.memory_space<hbm>>) target(%arg10 : memref<8192xf32, #tpu.memory_space<vmem>>) target_semaphore(%arg19 : memref<!tpu.dma_semaphore, #tpu.memory_space<semaphore_mem>>)
    %dma_start3A_6 = tpu.memref_slice %arg3[%add3A_4] : memref<4194304xi32, #tpu.memory_space<hbm>> -> memref<8192xi32, #tpu.memory_space<hbm>>
    %dma_start3A_7 = tpu.memref_slice %arg3[%add3A_4] : memref<4194304xi32, #tpu.memory_space<hbm>> -> memref<8192xi32, #tpu.memory_space<hbm>>
    tpu.enqueue_dma source(%dma_start3A_7 : memref<8192xi32, #tpu.memory_space<hbm>>) target(%arg13 : memref<8192xi32, #tpu.memory_space<vmem>>) target_semaphore(%arg19 : memref<!tpu.dma_semaphore, #tpu.memory_space<semaphore_mem>>)
    %add3A_8 = arith.constant 8192 : i32
    %add3A_9 = arith.addi %mul3A_2, %add3A_8 : i32
    %dma_start3A_10 = tpu.memref_slice %arg2[%add3A_9] : memref<4194304xf32, #tpu.memory_space<hbm>> -> memref<8192xf32, #tpu.memory_space<hbm>>
    %dma_start3A_11 = tpu.memref_slice %arg2[%add3A_9] : memref<4194304xf32, #tpu.memory_space<hbm>> -> memref<8192xf32, #tpu.memory_space<hbm>>
    tpu.enqueue_dma source(%dma_start3A_11 : memref<8192xf32, #tpu.memory_space<hbm>>) target(%arg11 : memref<8192xf32, #tpu.memory_space<vmem>>) target_semaphore(%arg20 : memref<!tpu.dma_semaphore, #tpu.memory_space<semaphore_mem>>)
    %dma_start3A_12 = tpu.memref_slice %arg3[%add3A_9] : memref<4194304xi32, #tpu.memory_space<hbm>> -> memref<8192xi32, #tpu.memory_space<hbm>>
    %dma_start3A_13 = tpu.memref_slice %arg3[%add3A_9] : memref<4194304xi32, #tpu.memory_space<hbm>> -> memref<8192xi32, #tpu.memory_space<hbm>>
    tpu.enqueue_dma source(%dma_start3A_13 : memref<8192xi32, #tpu.memory_space<hbm>>) target(%arg14 : memref<8192xi32, #tpu.memory_space<vmem>>) target_semaphore(%arg20 : memref<!tpu.dma_semaphore, #tpu.memory_space<semaphore_mem>>)
    %dma_start3A_14 = arith.constant 0 : i32
    %dma_start3A_15 = tpu.memref_slice %arg7[%dma_start3A_14] : memref<1024xf32, #tpu.memory_space<vmem>> -> memref<1000xf32, #tpu.memory_space<vmem>>
    %dma_start3A_16 = arith.constant 0 : i32
    %dma_start3A_17 = tpu.memref_slice %arg7[%dma_start3A_16] : memref<1024xf32, #tpu.memory_space<vmem>> -> memref<1000xf32, #tpu.memory_space<vmem>>
    tpu.enqueue_dma source(%arg4 : memref<1000xf32, #tpu.memory_space<hbm>>) target(%dma_start3A_17 : memref<1000xf32, #tpu.memory_space<vmem>>) target_semaphore(%arg25 : memref<!tpu.dma_semaphore, #tpu.memory_space<semaphore_mem>>)
    %dma_start3A_18 = arith.constant 0 : i32
    %dma_start3A_19 = tpu.memref_slice %arg8[%dma_start3A_18] : memref<1024xf32, #tpu.memory_space<vmem>> -> memref<1000xf32, #tpu.memory_space<vmem>>
    %dma_start3A_20 = arith.constant 0 : i32
    %dma_start3A_21 = tpu.memref_slice %arg8[%dma_start3A_20] : memref<1024xf32, #tpu.memory_space<vmem>> -> memref<1000xf32, #tpu.memory_space<vmem>>
    tpu.enqueue_dma source(%arg5 : memref<1000xf32, #tpu.memory_space<hbm>>) target(%dma_start3A_21 : memref<1000xf32, #tpu.memory_space<vmem>>) target_semaphore(%arg25 : memref<!tpu.dma_semaphore, #tpu.memory_space<semaphore_mem>>)
    %dma_wait3A = arith.constant 0 : i32
    %dma_wait3A_22 = tpu.memref_slice %arg7[%dma_wait3A] : memref<1024xf32, #tpu.memory_space<vmem>> -> memref<1000xf32, #tpu.memory_space<vmem>>
    %dma_wait3A_23 = arith.constant 0 : i32
    %dma_wait3A_24 = tpu.memref_slice %arg7[%dma_wait3A_23] : memref<1024xf32, #tpu.memory_space<vmem>> -> memref<1000xf32, #tpu.memory_space<vmem>>
    tpu.wait_dma2 semaphore(%arg25 : memref<!tpu.dma_semaphore, #tpu.memory_space<semaphore_mem>>) src(%arg4 : memref<1000xf32, #tpu.memory_space<hbm>>) dst(%dma_wait3A_24 : memref<1000xf32, #tpu.memory_space<vmem>>)
    %dma_wait3A_25 = arith.constant 0 : i32
    %dma_wait3A_26 = tpu.memref_slice %arg8[%dma_wait3A_25] : memref<1024xf32, #tpu.memory_space<vmem>> -> memref<1000xf32, #tpu.memory_space<vmem>>
    %dma_wait3A_27 = arith.constant 0 : i32
    %dma_wait3A_28 = tpu.memref_slice %arg8[%dma_wait3A_27] : memref<1024xf32, #tpu.memory_space<vmem>> -> memref<1000xf32, #tpu.memory_space<vmem>>
    tpu.wait_dma2 semaphore(%arg25 : memref<!tpu.dma_semaphore, #tpu.memory_space<semaphore_mem>>) src(%arg5 : memref<1000xf32, #tpu.memory_space<hbm>>) dst(%dma_wait3A_28 : memref<1000xf32, #tpu.memory_space<vmem>>)
    %scan3A = arith.constant 0 : i32
    %scan3A_29 = arith.constant 0 : i32
    %scan3A_30 = arith.constant 63 : i32
    %scan3A_31 = arith.addi %scan3A_29, %scan3A_30 : i32
    %scan3A_32 = arith.constant 1 : i32
    scf.for %scan3A_389 = %scan3A_29 to %scan3A_31 step %scan3A_32  : i32 {
      %mul3A_390 = arith.constant 16 : i32
      %mul3A_391 = arith.muli %scan3A_389, %mul3A_390 : i32
      %get3A = arith.index_cast %mul3A_391 : i32 to index
      %get3A_392 = tpu.vector_load %arg7[%get3A] {strides = array<i32>} : memref<1024xf32, #tpu.memory_space<vmem>>, vector<16xf32>,
      %mul3A_393 = arith.constant 16 : i32
      %mul3A_394 = arith.muli %scan3A_389, %mul3A_393 : i32
      %get3A_395 = arith.index_cast %mul3A_394 : i32 to index
      %get3A_396 = tpu.vector_load %arg8[%get3A_395] {strides = array<i32>} : memref<1024xf32, #tpu.memory_space<vmem>>, vector<16xf32>,
      %div3A = arith.constant 1.000000e+00 : f32
      %div3A_397 = vector.broadcast %div3A : f32 to vector<16xf32>
      %div3A_398 = arith.divf %div3A_397, %get3A_396 : vector<16xf32>
      %mul3A_399 = arith.mulf %get3A_392, %div3A_398 : vector<16xf32>
      %neg3A = arith.constant 0.000000e+00 : f32
      %neg3A_400 = vector.broadcast %neg3A : f32 to vector<16xf32>
      %neg3A_401 = arith.subf %neg3A_400, %mul3A_399 : vector<16xf32>
      %bitcast3A = vector.bitcast %div3A_398 : vector<16xf32> to vector<16xi32>
      %add3A_402 = arith.constant 32768 : i32
      %add3A_403 = vector.broadcast %add3A_402 : i32 to vector<16xi32>
      %add3A_404 = arith.addi %bitcast3A, %add3A_403 : vector<16xi32>
      %bitcast3A_405 = vector.bitcast %neg3A_401 : vector<16xf32> to vector<16xi32>
      %add3A_406 = arith.constant 32768 : i32
      %add3A_407 = vector.broadcast %add3A_406 : i32 to vector<16xi32>
      %add3A_408 = arith.addi %bitcast3A_405, %add3A_407 : vector<16xi32>
      %and3A = arith.constant -65536 : i32
      %and3A_409 = vector.broadcast %and3A : i32 to vector<16xi32>
      %and3A_410 = arith.andi %add3A_404, %and3A_409 : vector<16xi32>
      %shift_right_logical3A = arith.constant 16 : i32
      %shift_right_logical3A_411 = vector.broadcast %shift_right_logical3A : i32 to vector<16xi32>
      %shift_right_logical3A_412 = arith.shrui %add3A_408, %shift_right_logical3A_411 : vector<16xi32>
      %or3A = arith.ori %and3A_410, %shift_right_logical3A_412 : vector<16xi32>
      %mul3A_413 = arith.constant 16 : i32
      %mul3A_414 = arith.muli %scan3A_389, %mul3A_413 : i32
      %swap3A = arith.index_cast %mul3A_414 : i32 to index
      %swap3A_415 = tpu.vector_load %arg9[%swap3A] {strides = array<i32>} : memref<1024xi32, #tpu.memory_space<vmem>>, vector<16xi32>,
      tpu.vector_store %arg9[%swap3A], %or3A {strides = array<i32>} : memref<1024xi32, #tpu.memory_space<vmem>>, vector<16xi32>,
    }
    %scan3A_33 = arith.constant 63 : i32
    %add3A_34 = arith.constant 16384 : i32
    %add3A_35 = arith.addi %mul3A_2, %add3A_34 : i32
    %dma_start3A_36 = tpu.memref_slice %arg2[%add3A_35] : memref<4194304xf32, #tpu.memory_space<hbm>> -> memref<8192xf32, #tpu.memory_space<hbm>>
    %dma_start3A_37 = tpu.memref_slice %arg2[%add3A_35] : memref<4194304xf32, #tpu.memory_space<hbm>> -> memref<8192xf32, #tpu.memory_space<hbm>>
    tpu.enqueue_dma source(%dma_start3A_37 : memref<8192xf32, #tpu.memory_space<hbm>>) target(%arg12 : memref<8192xf32, #tpu.memory_space<vmem>>) target_semaphore(%arg21 : memref<!tpu.dma_semaphore, #tpu.memory_space<semaphore_mem>>)
    %dma_start3A_38 = tpu.memref_slice %arg3[%add3A_35] : memref<4194304xi32, #tpu.memory_space<hbm>> -> memref<8192xi32, #tpu.memory_space<hbm>>
    %dma_start3A_39 = tpu.memref_slice %arg3[%add3A_35] : memref<4194304xi32, #tpu.memory_space<hbm>> -> memref<8192xi32, #tpu.memory_space<hbm>>
    tpu.enqueue_dma source(%dma_start3A_39 : memref<8192xi32, #tpu.memory_space<hbm>>) target(%arg15 : memref<8192xi32, #tpu.memory_space<vmem>>) target_semaphore(%arg21 : memref<!tpu.dma_semaphore, #tpu.memory_space<semaphore_mem>>)
    %add3A_40 = arith.constant 0 : i32
    %add3A_41 = arith.addi %mul3A_2, %add3A_40 : i32
    %dma_wait3A_42 = tpu.memref_slice %arg2[%add3A_41] : memref<4194304xf32, #tpu.memory_space<hbm>> -> memref<8192xf32, #tpu.memory_space<hbm>>
    %dma_wait3A_43 = tpu.memref_slice %arg2[%add3A_41] : memref<4194304xf32, #tpu.memory_space<hbm>> -> memref<8192xf32, #tpu.memory_space<hbm>>
    tpu.wait_dma2 semaphore(%arg19 : memref<!tpu.dma_semaphore, #tpu.memory_space<semaphore_mem>>) src(%dma_wait3A_43 : memref<8192xf32, #tpu.memory_space<hbm>>) dst(%arg10 : memref<8192xf32, #tpu.memory_space<vmem>>)
    %dma_wait3A_44 = tpu.memref_slice %arg3[%add3A_41] : memref<4194304xi32, #tpu.memory_space<hbm>> -> memref<8192xi32, #tpu.memory_space<hbm>>
    %dma_wait3A_45 = tpu.memref_slice %arg3[%add3A_41] : memref<4194304xi32, #tpu.memory_space<hbm>> -> memref<8192xi32, #tpu.memory_space<hbm>>
    tpu.wait_dma2 semaphore(%arg19 : memref<!tpu.dma_semaphore, #tpu.memory_space<semaphore_mem>>) src(%dma_wait3A_45 : memref<8192xi32, #tpu.memory_space<hbm>>) dst(%arg13 : memref<8192xi32, #tpu.memory_space<vmem>>)
    %parallel_loop3A = arith.constant 0 : i32
    %parallel_loop3A_46 = arith.constant 8192 : i32
    %parallel_loop3A_47 = arith.constant 16 : i32
    scf.for %parallel_loop3A_389 = %parallel_loop3A to %parallel_loop3A_46 step %parallel_loop3A_47  : i32 {
      %parallel_loop3A_390 = arith.index_cast %parallel_loop3A_389 : i32 to index
      %parallel_loop3A_391 = tpu.vector_load %arg13[%parallel_loop3A_390] {strides = array<i32>} : memref<8192xi32, #tpu.memory_space<vmem>>, vector<16xi32>,
      %parallel_loop3A_392 = arith.constant 1 : i32
      %parallel_loop3A_393 = vector.broadcast %parallel_loop3A_392 : i32 to vector<16xi32>
      %parallel_loop3A_394 = arith.subi %parallel_loop3A_391, %parallel_loop3A_393 : vector<16xi32>
      %parallel_loop3A_395 = tpu.vector_load_idx %arg9[%parallel_loop3A_394] : memref<1024xi32, #tpu.memory_space<vmem>>[vector<16xi32>], vector<16xi32>,
      %parallel_loop3A_396 = arith.constant -65536 : i32
      %parallel_loop3A_397 = vector.broadcast %parallel_loop3A_396 : i32 to vector<16xi32>
      %parallel_loop3A_398 = arith.andi %parallel_loop3A_395, %parallel_loop3A_397 : vector<16xi32>
      %parallel_loop3A_399 = vector.bitcast %parallel_loop3A_398 : vector<16xi32> to vector<16xf32>
      %parallel_loop3A_400 = arith.constant 16 : i32
      %parallel_loop3A_401 = vector.broadcast %parallel_loop3A_400 : i32 to vector<16xi32>
      %parallel_loop3A_402 = arith.shli %parallel_loop3A_395, %parallel_loop3A_401 : vector<16xi32>
      %parallel_loop3A_403 = vector.bitcast %parallel_loop3A_402 : vector<16xi32> to vector<16xf32>
      %parallel_loop3A_404 = arith.index_cast %parallel_loop3A_389 : i32 to index
      %parallel_loop3A_405 = tpu.vector_load %arg10[%parallel_loop3A_404] {strides = array<i32>} : memref<8192xf32, #tpu.memory_space<vmem>>, vector<16xf32>,
      %parallel_loop3A_406 = arith.mulf %parallel_loop3A_405, %parallel_loop3A_399 : vector<16xf32>
      %parallel_loop3A_407 = arith.addf %parallel_loop3A_406, %parallel_loop3A_403 : vector<16xf32>
      %parallel_loop3A_408 = arith.index_cast %parallel_loop3A_389 : i32 to index
      %parallel_loop3A_409 = tpu.vector_load %arg16[%parallel_loop3A_408] {strides = array<i32>} : memref<8192xf32, #tpu.memory_space<vmem>>, vector<16xf32>,
      tpu.vector_store %arg16[%parallel_loop3A_408], %parallel_loop3A_407 {strides = array<i32>} : memref<8192xf32, #tpu.memory_space<vmem>>, vector<16xf32>,
    } {sc.loop_unroll_factor = 4 : i64, sc.parallel_access}
    %add3A_48 = arith.constant 0 : i32
    %add3A_49 = arith.addi %mul3A_2, %add3A_48 : i32
    %dma_start3A_50 = tpu.memref_slice %arg6[%add3A_49] : memref<4194304xf32, #tpu.memory_space<hbm>> -> memref<8192xf32, #tpu.memory_space<hbm>>
    %dma_start3A_51 = tpu.memref_slice %arg6[%add3A_49] : memref<4194304xf32, #tpu.memory_space<hbm>> -> memref<8192xf32, #tpu.memory_space<hbm>>
    tpu.enqueue_dma source(%arg16 : memref<8192xf32, #tpu.memory_space<vmem>>) target(%dma_start3A_51 : memref<8192xf32, #tpu.memory_space<hbm>>) target_semaphore(%arg22 : memref<!tpu.dma_semaphore, #tpu.memory_space<semaphore_mem>>)
    %add3A_52 = arith.constant 24576 : i32
    %add3A_53 = arith.addi %mul3A_2, %add3A_52 : i32
    %dma_start3A_54 = tpu.memref_slice %arg2[%add3A_53] : memref<4194304xf32, #tpu.memory_space<hbm>> -> memref<8192xf32, #tpu.memory_space<hbm>>
    %dma_start3A_55 = tpu.memref_slice %arg2[%add3A_53] : memref<4194304xf32, #tpu.memory_space<hbm>> -> memref<8192xf32, #tpu.memory_space<hbm>>
    tpu.enqueue_dma source(%dma_start3A_55 : memref<8192xf32, #tpu.memory_space<hbm>>) target(%arg10 : memref<8192xf32, #tpu.memory_space<vmem>>) target_semaphore(%arg19 : memref<!tpu.dma_semaphore, #tpu.memory_space<semaphore_mem>>)
    %dma_start3A_56 = tpu.memref_slice %arg3[%add3A_53] : memref<4194304xi32, #tpu.memory_space<hbm>> -> memref<8192xi32, #tpu.memory_space<hbm>>
    %dma_start3A_57 = tpu.memref_slice %arg3[%add3A_53] : memref<4194304xi32, #tpu.memory_space<hbm>> -> memref<8192xi32, #tpu.memory_space<hbm>>
    tpu.enqueue_dma source(%dma_start3A_57 : memref<8192xi32, #tpu.memory_space<hbm>>) target(%arg13 : memref<8192xi32, #tpu.memory_space<vmem>>) target_semaphore(%arg19 : memref<!tpu.dma_semaphore, #tpu.memory_space<semaphore_mem>>)
    %add3A_58 = arith.constant 8192 : i32
    %add3A_59 = arith.addi %mul3A_2, %add3A_58 : i32
    %dma_wait3A_60 = tpu.memref_slice %arg2[%add3A_59] : memref<4194304xf32, #tpu.memory_space<hbm>> -> memref<8192xf32, #tpu.memory_space<hbm>>
    %dma_wait3A_61 = tpu.memref_slice %arg2[%add3A_59] : memref<4194304xf32, #tpu.memory_space<hbm>> -> memref<8192xf32, #tpu.memory_space<hbm>>
    tpu.wait_dma2 semaphore(%arg20 : memref<!tpu.dma_semaphore, #tpu.memory_space<semaphore_mem>>) src(%dma_wait3A_61 : memref<8192xf32, #tpu.memory_space<hbm>>) dst(%arg11 : memref<8192xf32, #tpu.memory_space<vmem>>)
    %dma_wait3A_62 = tpu.memref_slice %arg3[%add3A_59] : memref<4194304xi32, #tpu.memory_space<hbm>> -> memref<8192xi32, #tpu.memory_space<hbm>>
    %dma_wait3A_63 = tpu.memref_slice %arg3[%add3A_59] : memref<4194304xi32, #tpu.memory_space<hbm>> -> memref<8192xi32, #tpu.memory_space<hbm>>
    tpu.wait_dma2 semaphore(%arg20 : memref<!tpu.dma_semaphore, #tpu.memory_space<semaphore_mem>>) src(%dma_wait3A_63 : memref<8192xi32, #tpu.memory_space<hbm>>) dst(%arg14 : memref<8192xi32, #tpu.memory_space<vmem>>)
    %parallel_loop3A_64 = arith.constant 0 : i32
    %parallel_loop3A_65 = arith.constant 8192 : i32
    %parallel_loop3A_66 = arith.constant 16 : i32
    scf.for %parallel_loop3A_389 = %parallel_loop3A_64 to %parallel_loop3A_65 step %parallel_loop3A_66  : i32 {
      %parallel_loop3A_390 = arith.index_cast %parallel_loop3A_389 : i32 to index
      %parallel_loop3A_391 = tpu.vector_load %arg14[%parallel_loop3A_390] {strides = array<i32>} : memref<8192xi32, #tpu.memory_space<vmem>>, vector<16xi32>,
      %parallel_loop3A_392 = arith.constant 1 : i32
      %parallel_loop3A_393 = vector.broadcast %parallel_loop3A_392 : i32 to vector<16xi32>
      %parallel_loop3A_394 = arith.subi %parallel_loop3A_391, %parallel_loop3A_393 : vector<16xi32>
      %parallel_loop3A_395 = tpu.vector_load_idx %arg9[%parallel_loop3A_394] : memref<1024xi32, #tpu.memory_space<vmem>>[vector<16xi32>], vector<16xi32>,
      %parallel_loop3A_396 = arith.constant -65536 : i32
      %parallel_loop3A_397 = vector.broadcast %parallel_loop3A_396 : i32 to vector<16xi32>
      %parallel_loop3A_398 = arith.andi %parallel_loop3A_395, %parallel_loop3A_397 : vector<16xi32>
      %parallel_loop3A_399 = vector.bitcast %parallel_loop3A_398 : vector<16xi32> to vector<16xf32>
      %parallel_loop3A_400 = arith.constant 16 : i32
      %parallel_loop3A_401 = vector.broadcast %parallel_loop3A_400 : i32 to vector<16xi32>
      %parallel_loop3A_402 = arith.shli %parallel_loop3A_395, %parallel_loop3A_401 : vector<16xi32>
      %parallel_loop3A_403 = vector.bitcast %parallel_loop3A_402 : vector<16xi32> to vector<16xf32>
      %parallel_loop3A_404 = arith.index_cast %parallel_loop3A_389 : i32 to index
      %parallel_loop3A_405 = tpu.vector_load %arg11[%parallel_loop3A_404] {strides = array<i32>} : memref<8192xf32, #tpu.memory_space<vmem>>, vector<16xf32>,
      %parallel_loop3A_406 = arith.mulf %parallel_loop3A_405, %parallel_loop3A_399 : vector<16xf32>
      %parallel_loop3A_407 = arith.addf %parallel_loop3A_406, %parallel_loop3A_403 : vector<16xf32>
      %parallel_loop3A_408 = arith.index_cast %parallel_loop3A_389 : i32 to index
      %parallel_loop3A_409 = tpu.vector_load %arg17[%parallel_loop3A_408] {strides = array<i32>} : memref<8192xf32, #tpu.memory_space<vmem>>, vector<16xf32>,
      tpu.vector_store %arg17[%parallel_loop3A_408], %parallel_loop3A_407 {strides = array<i32>} : memref<8192xf32, #tpu.memory_space<vmem>>, vector<16xf32>,
    } {sc.loop_unroll_factor = 4 : i64, sc.parallel_access}
    %add3A_67 = arith.constant 8192 : i32
    %add3A_68 = arith.addi %mul3A_2, %add3A_67 : i32
    %dma_start3A_69 = tpu.memref_slice %arg6[%add3A_68] : memref<4194304xf32, #tpu.memory_space<hbm>> -> memref<8192xf32, #tpu.memory_space<hbm>>
    %dma_start3A_70 = tpu.memref_slice %arg6[%add3A_68] : memref<4194304xf32, #tpu.memory_space<hbm>> -> memref<8192xf32, #tpu.memory_space<hbm>>
    tpu.enqueue_dma source(%arg17 : memref<8192xf32, #tpu.memory_space<vmem>>) target(%dma_start3A_70 : memref<8192xf32, #tpu.memory_space<hbm>>) target_semaphore(%arg23 : memref<!tpu.dma_semaphore, #tpu.memory_space<semaphore_mem>>)
    %add3A_71 = arith.constant 32768 : i32
    %add3A_72 = arith.addi %mul3A_2, %add3A_71 : i32
    %dma_start3A_73 = tpu.memref_slice %arg2[%add3A_72] : memref<4194304xf32, #tpu.memory_space<hbm>> -> memref<8192xf32, #tpu.memory_space<hbm>>
    %dma_start3A_74 = tpu.memref_slice %arg2[%add3A_72] : memref<4194304xf32, #tpu.memory_space<hbm>> -> memref<8192xf32, #tpu.memory_space<hbm>>
    tpu.enqueue_dma source(%dma_start3A_74 : memref<8192xf32, #tpu.memory_space<hbm>>) target(%arg11 : memref<8192xf32, #tpu.memory_space<vmem>>) target_semaphore(%arg20 : memref<!tpu.dma_semaphore, #tpu.memory_space<semaphore_mem>>)
    %dma_start3A_75 = tpu.memref_slice %arg3[%add3A_72] : memref<4194304xi32, #tpu.memory_space<hbm>> -> memref<8192xi32, #tpu.memory_space<hbm>>
    %dma_start3A_76 = tpu.memref_slice %arg3[%add3A_72] : memref<4194304xi32, #tpu.memory_space<hbm>> -> memref<8192xi32, #tpu.memory_space<hbm>>
    tpu.enqueue_dma source(%dma_start3A_76 : memref<8192xi32, #tpu.memory_space<hbm>>) target(%arg14 : memref<8192xi32, #tpu.memory_space<vmem>>) target_semaphore(%arg20 : memref<!tpu.dma_semaphore, #tpu.memory_space<semaphore_mem>>)
    %add3A_77 = arith.constant 16384 : i32
    %add3A_78 = arith.addi %mul3A_2, %add3A_77 : i32
    %dma_wait3A_79 = tpu.memref_slice %arg2[%add3A_78] : memref<4194304xf32, #tpu.memory_space<hbm>> -> memref<8192xf32, #tpu.memory_space<hbm>>
    %dma_wait3A_80 = tpu.memref_slice %arg2[%add3A_78] : memref<4194304xf32, #tpu.memory_space<hbm>> -> memref<8192xf32, #tpu.memory_space<hbm>>
    tpu.wait_dma2 semaphore(%arg21 : memref<!tpu.dma_semaphore, #tpu.memory_space<semaphore_mem>>) src(%dma_wait3A_80 : memref<8192xf32, #tpu.memory_space<hbm>>) dst(%arg12 : memref<8192xf32, #tpu.memory_space<vmem>>)
    %dma_wait3A_81 = tpu.memref_slice %arg3[%add3A_78] : memref<4194304xi32, #tpu.memory_space<hbm>> -> memref<8192xi32, #tpu.memory_space<hbm>>
    %dma_wait3A_82 = tpu.memref_slice %arg3[%add3A_78] : memref<4194304xi32, #tpu.memory_space<hbm>> -> memref<8192xi32, #tpu.memory_space<hbm>>
    tpu.wait_dma2 semaphore(%arg21 : memref<!tpu.dma_semaphore, #tpu.memory_space<semaphore_mem>>) src(%dma_wait3A_82 : memref<8192xi32, #tpu.memory_space<hbm>>) dst(%arg15 : memref<8192xi32, #tpu.memory_space<vmem>>)
    %parallel_loop3A_83 = arith.constant 0 : i32
    %parallel_loop3A_84 = arith.constant 8192 : i32
    %parallel_loop3A_85 = arith.constant 16 : i32
    scf.for %parallel_loop3A_389 = %parallel_loop3A_83 to %parallel_loop3A_84 step %parallel_loop3A_85  : i32 {
      %parallel_loop3A_390 = arith.index_cast %parallel_loop3A_389 : i32 to index
      %parallel_loop3A_391 = tpu.vector_load %arg15[%parallel_loop3A_390] {strides = array<i32>} : memref<8192xi32, #tpu.memory_space<vmem>>, vector<16xi32>,
      %parallel_loop3A_392 = arith.constant 1 : i32
      %parallel_loop3A_393 = vector.broadcast %parallel_loop3A_392 : i32 to vector<16xi32>
      %parallel_loop3A_394 = arith.subi %parallel_loop3A_391, %parallel_loop3A_393 : vector<16xi32>
      %parallel_loop3A_395 = tpu.vector_load_idx %arg9[%parallel_loop3A_394] : memref<1024xi32, #tpu.memory_space<vmem>>[vector<16xi32>], vector<16xi32>,
      %parallel_loop3A_396 = arith.constant -65536 : i32
      %parallel_loop3A_397 = vector.broadcast %parallel_loop3A_396 : i32 to vector<16xi32>
      %parallel_loop3A_398 = arith.andi %parallel_loop3A_395, %parallel_loop3A_397 : vector<16xi32>
      %parallel_loop3A_399 = vector.bitcast %parallel_loop3A_398 : vector<16xi32> to vector<16xf32>
      %parallel_loop3A_400 = arith.constant 16 : i32
      %parallel_loop3A_401 = vector.broadcast %parallel_loop3A_400 : i32 to vector<16xi32>
      %parallel_loop3A_402 = arith.shli %parallel_loop3A_395, %parallel_loop3A_401 : vector<16xi32>
      %parallel_loop3A_403 = vector.bitcast %parallel_loop3A_402 : vector<16xi32> to vector<16xf32>
      %parallel_loop3A_404 = arith.index_cast %parallel_loop3A_389 : i32 to index
      %parallel_loop3A_405 = tpu.vector_load %arg12[%parallel_loop3A_404] {strides = array<i32>} : memref<8192xf32, #tpu.memory_space<vmem>>, vector<16xf32>,
      %parallel_loop3A_406 = arith.mulf %parallel_loop3A_405, %parallel_loop3A_399 : vector<16xf32>
      %parallel_loop3A_407 = arith.addf %parallel_loop3A_406, %parallel_loop3A_403 : vector<16xf32>
      %parallel_loop3A_408 = arith.index_cast %parallel_loop3A_389 : i32 to index
      %parallel_loop3A_409 = tpu.vector_load %arg18[%parallel_loop3A_408] {strides = array<i32>} : memref<8192xf32, #tpu.memory_space<vmem>>, vector<16xf32>,
      tpu.vector_store %arg18[%parallel_loop3A_408], %parallel_loop3A_407 {strides = array<i32>} : memref<8192xf32, #tpu.memory_space<vmem>>, vector<16xf32>,
    } {sc.loop_unroll_factor = 4 : i64, sc.parallel_access}
    %add3A_86 = arith.constant 16384 : i32
    %add3A_87 = arith.addi %mul3A_2, %add3A_86 : i32
    %dma_start3A_88 = tpu.memref_slice %arg6[%add3A_87] : memref<4194304xf32, #tpu.memory_space<hbm>> -> memref<8192xf32, #tpu.memory_space<hbm>>
    %dma_start3A_89 = tpu.memref_slice %arg6[%add3A_87] : memref<4194304xf32, #tpu.memory_space<hbm>> -> memref<8192xf32, #tpu.memory_space<hbm>>
    tpu.enqueue_dma source(%arg18 : memref<8192xf32, #tpu.memory_space<vmem>>) target(%dma_start3A_89 : memref<8192xf32, #tpu.memory_space<hbm>>) target_semaphore(%arg24 : memref<!tpu.dma_semaphore, #tpu.memory_space<semaphore_mem>>)
    %add3A_90 = arith.constant 40960 : i32
    %add3A_91 = arith.addi %mul3A_2, %add3A_90 : i32
    %dma_start3A_92 = tpu.memref_slice %arg2[%add3A_91] : memref<4194304xf32, #tpu.memory_space<hbm>> -> memref<8192xf32, #tpu.memory_space<hbm>>
    %dma_start3A_93 = tpu.memref_slice %arg2[%add3A_91] : memref<4194304xf32, #tpu.memory_space<hbm>> -> memref<8192xf32, #tpu.memory_space<hbm>>
    tpu.enqueue_dma source(%dma_start3A_93 : memref<8192xf32, #tpu.memory_space<hbm>>) target(%arg12 : memref<8192xf32, #tpu.memory_space<vmem>>) target_semaphore(%arg21 : memref<!tpu.dma_semaphore, #tpu.memory_space<semaphore_mem>>)
    %dma_start3A_94 = tpu.memref_slice %arg3[%add3A_91] : memref<4194304xi32, #tpu.memory_space<hbm>> -> memref<8192xi32, #tpu.memory_space<hbm>>
    %dma_start3A_95 = tpu.memref_slice %arg3[%add3A_91] : memref<4194304xi32, #tpu.memory_space<hbm>> -> memref<8192xi32, #tpu.memory_space<hbm>>
    tpu.enqueue_dma source(%dma_start3A_95 : memref<8192xi32, #tpu.memory_space<hbm>>) target(%arg15 : memref<8192xi32, #tpu.memory_space<vmem>>) target_semaphore(%arg21 : memref<!tpu.dma_semaphore, #tpu.memory_space<semaphore_mem>>)
    %add3A_96 = arith.constant 24576 : i32
    %add3A_97 = arith.addi %mul3A_2, %add3A_96 : i32
    %dma_wait3A_98 = tpu.memref_slice %arg2[%add3A_97] : memref<4194304xf32, #tpu.memory_space<hbm>> -> memref<8192xf32, #tpu.memory_space<hbm>>
    %dma_wait3A_99 = tpu.memref_slice %arg2[%add3A_97] : memref<4194304xf32, #tpu.memory_space<hbm>> -> memref<8192xf32, #tpu.memory_space<hbm>>
    tpu.wait_dma2 semaphore(%arg19 : memref<!tpu.dma_semaphore, #tpu.memory_space<semaphore_mem>>) src(%dma_wait3A_99 : memref<8192xf32, #tpu.memory_space<hbm>>) dst(%arg10 : memref<8192xf32, #tpu.memory_space<vmem>>)
    %dma_wait3A_100 = tpu.memref_slice %arg3[%add3A_97] : memref<4194304xi32, #tpu.memory_space<hbm>> -> memref<8192xi32, #tpu.memory_space<hbm>>
    %dma_wait3A_101 = tpu.memref_slice %arg3[%add3A_97] : memref<4194304xi32, #tpu.memory_space<hbm>> -> memref<8192xi32, #tpu.memory_space<hbm>>
    tpu.wait_dma2 semaphore(%arg19 : memref<!tpu.dma_semaphore, #tpu.memory_space<semaphore_mem>>) src(%dma_wait3A_101 : memref<8192xi32, #tpu.memory_space<hbm>>) dst(%arg13 : memref<8192xi32, #tpu.memory_space<vmem>>)
    %add3A_102 = arith.constant 0 : i32
    %add3A_103 = arith.addi %mul3A_2, %add3A_102 : i32
    %dma_wait3A_104 = tpu.memref_slice %arg6[%add3A_103] : memref<4194304xf32, #tpu.memory_space<hbm>> -> memref<8192xf32, #tpu.memory_space<hbm>>
    %dma_wait3A_105 = tpu.memref_slice %arg6[%add3A_103] : memref<4194304xf32, #tpu.memory_space<hbm>> -> memref<8192xf32, #tpu.memory_space<hbm>>
    tpu.wait_dma2 semaphore(%arg22 : memref<!tpu.dma_semaphore, #tpu.memory_space<semaphore_mem>>) src(%arg16 : memref<8192xf32, #tpu.memory_space<vmem>>) dst(%dma_wait3A_105 : memref<8192xf32, #tpu.memory_space<hbm>>)
    %parallel_loop3A_106 = arith.constant 0 : i32
    %parallel_loop3A_107 = arith.constant 8192 : i32
    %parallel_loop3A_108 = arith.constant 16 : i32
    scf.for %parallel_loop3A_389 = %parallel_loop3A_106 to %parallel_loop3A_107 step %parallel_loop3A_108  : i32 {
      %parallel_loop3A_390 = arith.index_cast %parallel_loop3A_389 : i32 to index
      %parallel_loop3A_391 = tpu.vector_load %arg13[%parallel_loop3A_390] {strides = array<i32>} : memref<8192xi32, #tpu.memory_space<vmem>>, vector<16xi32>,
      %parallel_loop3A_392 = arith.constant 1 : i32
      %parallel_loop3A_393 = vector.broadcast %parallel_loop3A_392 : i32 to vector<16xi32>
      %parallel_loop3A_394 = arith.subi %parallel_loop3A_391, %parallel_loop3A_393 : vector<16xi32>
      %parallel_loop3A_395 = tpu.vector_load_idx %arg9[%parallel_loop3A_394] : memref<1024xi32, #tpu.memory_space<vmem>>[vector<16xi32>], vector<16xi32>,
      %parallel_loop3A_396 = arith.constant -65536 : i32
      %parallel_loop3A_397 = vector.broadcast %parallel_loop3A_396 : i32 to vector<16xi32>
      %parallel_loop3A_398 = arith.andi %parallel_loop3A_395, %parallel_loop3A_397 : vector<16xi32>
      %parallel_loop3A_399 = vector.bitcast %parallel_loop3A_398 : vector<16xi32> to vector<16xf32>
      %parallel_loop3A_400 = arith.constant 16 : i32
      %parallel_loop3A_401 = vector.broadcast %parallel_loop3A_400 : i32 to vector<16xi32>
      %parallel_loop3A_402 = arith.shli %parallel_loop3A_395, %parallel_loop3A_401 : vector<16xi32>
      %parallel_loop3A_403 = vector.bitcast %parallel_loop3A_402 : vector<16xi32> to vector<16xf32>
      %parallel_loop3A_404 = arith.index_cast %parallel_loop3A_389 : i32 to index
      %parallel_loop3A_405 = tpu.vector_load %arg10[%parallel_loop3A_404] {strides = array<i32>} : memref<8192xf32, #tpu.memory_space<vmem>>, vector<16xf32>,
      %parallel_loop3A_406 = arith.mulf %parallel_loop3A_405, %parallel_loop3A_399 : vector<16xf32>
      %parallel_loop3A_407 = arith.addf %parallel_loop3A_406, %parallel_loop3A_403 : vector<16xf32>
      %parallel_loop3A_408 = arith.index_cast %parallel_loop3A_389 : i32 to index
      %parallel_loop3A_409 = tpu.vector_load %arg16[%parallel_loop3A_408] {strides = array<i32>} : memref<8192xf32, #tpu.memory_space<vmem>>, vector<16xf32>,
      tpu.vector_store %arg16[%parallel_loop3A_408], %parallel_loop3A_407 {strides = array<i32>} : memref<8192xf32, #tpu.memory_space<vmem>>, vector<16xf32>,
    } {sc.loop_unroll_factor = 4 : i64, sc.parallel_access}
    %add3A_109 = arith.constant 24576 : i32
    %add3A_110 = arith.addi %mul3A_2, %add3A_109 : i32
    %dma_start3A_111 = tpu.memref_slice %arg6[%add3A_110] : memref<4194304xf32, #tpu.memory_space<hbm>> -> memref<8192xf32, #tpu.memory_space<hbm>>
    %dma_start3A_112 = tpu.memref_slice %arg6[%add3A_110] : memref<4194304xf32, #tpu.memory_space<hbm>> -> memref<8192xf32, #tpu.memory_space<hbm>>
    tpu.enqueue_dma source(%arg16 : memref<8192xf32, #tpu.memory_space<vmem>>) target(%dma_start3A_112 : memref<8192xf32, #tpu.memory_space<hbm>>) target_semaphore(%arg22 : memref<!tpu.dma_semaphore, #tpu.memory_space<semaphore_mem>>)
    %add3A_113 = arith.constant 49152 : i32
    %add3A_114 = arith.addi %mul3A_2, %add3A_113 : i32
    %dma_start3A_115 = tpu.memref_slice %arg2[%add3A_114] : memref<4194304xf32, #tpu.memory_space<hbm>> -> memref<8192xf32, #tpu.memory_space<hbm>>
    %dma_start3A_116 = tpu.memref_slice %arg2[%add3A_114] : memref<4194304xf32, #tpu.memory_space<hbm>> -> memref<8192xf32, #tpu.memory_space<hbm>>
    tpu.enqueue_dma source(%dma_start3A_116 : memref<8192xf32, #tpu.memory_space<hbm>>) target(%arg10 : memref<8192xf32, #tpu.memory_space<vmem>>) target_semaphore(%arg19 : memref<!tpu.dma_semaphore, #tpu.memory_space<semaphore_mem>>)
    %dma_start3A_117 = tpu.memref_slice %arg3[%add3A_114] : memref<4194304xi32, #tpu.memory_space<hbm>> -> memref<8192xi32, #tpu.memory_space<hbm>>
    %dma_start3A_118 = tpu.memref_slice %arg3[%add3A_114] : memref<4194304xi32, #tpu.memory_space<hbm>> -> memref<8192xi32, #tpu.memory_space<hbm>>
    tpu.enqueue_dma source(%dma_start3A_118 : memref<8192xi32, #tpu.memory_space<hbm>>) target(%arg13 : memref<8192xi32, #tpu.memory_space<vmem>>) target_semaphore(%arg19 : memref<!tpu.dma_semaphore, #tpu.memory_space<semaphore_mem>>)
    %add3A_119 = arith.constant 32768 : i32
    %add3A_120 = arith.addi %mul3A_2, %add3A_119 : i32
    %dma_wait3A_121 = tpu.memref_slice %arg2[%add3A_120] : memref<4194304xf32, #tpu.memory_space<hbm>> -> memref<8192xf32, #tpu.memory_space<hbm>>
    %dma_wait3A_122 = tpu.memref_slice %arg2[%add3A_120] : memref<4194304xf32, #tpu.memory_space<hbm>> -> memref<8192xf32, #tpu.memory_space<hbm>>
    tpu.wait_dma2 semaphore(%arg20 : memref<!tpu.dma_semaphore, #tpu.memory_space<semaphore_mem>>) src(%dma_wait3A_122 : memref<8192xf32, #tpu.memory_space<hbm>>) dst(%arg11 : memref<8192xf32, #tpu.memory_space<vmem>>)
    %dma_wait3A_123 = tpu.memref_slice %arg3[%add3A_120] : memref<4194304xi32, #tpu.memory_space<hbm>> -> memref<8192xi32, #tpu.memory_space<hbm>>
    %dma_wait3A_124 = tpu.memref_slice %arg3[%add3A_120] : memref<4194304xi32, #tpu.memory_space<hbm>> -> memref<8192xi32, #tpu.memory_space<hbm>>
    tpu.wait_dma2 semaphore(%arg20 : memref<!tpu.dma_semaphore, #tpu.memory_space<semaphore_mem>>) src(%dma_wait3A_124 : memref<8192xi32, #tpu.memory_space<hbm>>) dst(%arg14 : memref<8192xi32, #tpu.memory_space<vmem>>)
    %add3A_125 = arith.constant 8192 : i32
    %add3A_126 = arith.addi %mul3A_2, %add3A_125 : i32
    %dma_wait3A_127 = tpu.memref_slice %arg6[%add3A_126] : memref<4194304xf32, #tpu.memory_space<hbm>> -> memref<8192xf32, #tpu.memory_space<hbm>>
    %dma_wait3A_128 = tpu.memref_slice %arg6[%add3A_126] : memref<4194304xf32, #tpu.memory_space<hbm>> -> memref<8192xf32, #tpu.memory_space<hbm>>
    tpu.wait_dma2 semaphore(%arg23 : memref<!tpu.dma_semaphore, #tpu.memory_space<semaphore_mem>>) src(%arg17 : memref<8192xf32, #tpu.memory_space<vmem>>) dst(%dma_wait3A_128 : memref<8192xf32, #tpu.memory_space<hbm>>)
    %parallel_loop3A_129 = arith.constant 0 : i32
    %parallel_loop3A_130 = arith.constant 8192 : i32
    %parallel_loop3A_131 = arith.constant 16 : i32
    scf.for %parallel_loop3A_389 = %parallel_loop3A_129 to %parallel_loop3A_130 step %parallel_loop3A_131  : i32 {
      %parallel_loop3A_390 = arith.index_cast %parallel_loop3A_389 : i32 to index
      %parallel_loop3A_391 = tpu.vector_load %arg14[%parallel_loop3A_390] {strides = array<i32>} : memref<8192xi32, #tpu.memory_space<vmem>>, vector<16xi32>,
      %parallel_loop3A_392 = arith.constant 1 : i32
      %parallel_loop3A_393 = vector.broadcast %parallel_loop3A_392 : i32 to vector<16xi32>
      %parallel_loop3A_394 = arith.subi %parallel_loop3A_391, %parallel_loop3A_393 : vector<16xi32>
      %parallel_loop3A_395 = tpu.vector_load_idx %arg9[%parallel_loop3A_394] : memref<1024xi32, #tpu.memory_space<vmem>>[vector<16xi32>], vector<16xi32>,
      %parallel_loop3A_396 = arith.constant -65536 : i32
      %parallel_loop3A_397 = vector.broadcast %parallel_loop3A_396 : i32 to vector<16xi32>
      %parallel_loop3A_398 = arith.andi %parallel_loop3A_395, %parallel_loop3A_397 : vector<16xi32>
      %parallel_loop3A_399 = vector.bitcast %parallel_loop3A_398 : vector<16xi32> to vector<16xf32>
      %parallel_loop3A_400 = arith.constant 16 : i32
      %parallel_loop3A_401 = vector.broadcast %parallel_loop3A_400 : i32 to vector<16xi32>
      %parallel_loop3A_402 = arith.shli %parallel_loop3A_395, %parallel_loop3A_401 : vector<16xi32>
      %parallel_loop3A_403 = vector.bitcast %parallel_loop3A_402 : vector<16xi32> to vector<16xf32>
      %parallel_loop3A_404 = arith.index_cast %parallel_loop3A_389 : i32 to index
      %parallel_loop3A_405 = tpu.vector_load %arg11[%parallel_loop3A_404] {strides = array<i32>} : memref<8192xf32, #tpu.memory_space<vmem>>, vector<16xf32>,
      %parallel_loop3A_406 = arith.mulf %parallel_loop3A_405, %parallel_loop3A_399 : vector<16xf32>
      %parallel_loop3A_407 = arith.addf %parallel_loop3A_406, %parallel_loop3A_403 : vector<16xf32>
      %parallel_loop3A_408 = arith.index_cast %parallel_loop3A_389 : i32 to index
      %parallel_loop3A_409 = tpu.vector_load %arg17[%parallel_loop3A_408] {strides = array<i32>} : memref<8192xf32, #tpu.memory_space<vmem>>, vector<16xf32>,
      tpu.vector_store %arg17[%parallel_loop3A_408], %parallel_loop3A_407 {strides = array<i32>} : memref<8192xf32, #tpu.memory_space<vmem>>, vector<16xf32>,
    } {sc.loop_unroll_factor = 4 : i64, sc.parallel_access}
    %add3A_132 = arith.constant 32768 : i32
    %add3A_133 = arith.addi %mul3A_2, %add3A_132 : i32
    %dma_start3A_134 = tpu.memref_slice %arg6[%add3A_133] : memref<4194304xf32, #tpu.memory_space<hbm>> -> memref<8192xf32, #tpu.memory_space<hbm>>
    %dma_start3A_135 = tpu.memref_slice %arg6[%add3A_133] : memref<4194304xf32, #tpu.memory_space<hbm>> -> memref<8192xf32, #tpu.memory_space<hbm>>
    tpu.enqueue_dma source(%arg17 : memref<8192xf32, #tpu.memory_space<vmem>>) target(%dma_start3A_135 : memref<8192xf32, #tpu.memory_space<hbm>>) target_semaphore(%arg23 : memref<!tpu.dma_semaphore, #tpu.memory_space<semaphore_mem>>)
    %add3A_136 = arith.constant 57344 : i32
    %add3A_137 = arith.addi %mul3A_2, %add3A_136 : i32
    %dma_start3A_138 = tpu.memref_slice %arg2[%add3A_137] : memref<4194304xf32, #tpu.memory_space<hbm>> -> memref<8192xf32, #tpu.memory_space<hbm>>
    %dma_start3A_139 = tpu.memref_slice %arg2[%add3A_137] : memref<4194304xf32, #tpu.memory_space<hbm>> -> memref<8192xf32, #tpu.memory_space<hbm>>
    tpu.enqueue_dma source(%dma_start3A_139 : memref<8192xf32, #tpu.memory_space<hbm>>) target(%arg11 : memref<8192xf32, #tpu.memory_space<vmem>>) target_semaphore(%arg20 : memref<!tpu.dma_semaphore, #tpu.memory_space<semaphore_mem>>)
    %dma_start3A_140 = tpu.memref_slice %arg3[%add3A_137] : memref<4194304xi32, #tpu.memory_space<hbm>> -> memref<8192xi32, #tpu.memory_space<hbm>>
    %dma_start3A_141 = tpu.memref_slice %arg3[%add3A_137] : memref<4194304xi32, #tpu.memory_space<hbm>> -> memref<8192xi32, #tpu.memory_space<hbm>>
    tpu.enqueue_dma source(%dma_start3A_141 : memref<8192xi32, #tpu.memory_space<hbm>>) target(%arg14 : memref<8192xi32, #tpu.memory_space<vmem>>) target_semaphore(%arg20 : memref<!tpu.dma_semaphore, #tpu.memory_space<semaphore_mem>>)
    %add3A_142 = arith.constant 40960 : i32
    %add3A_143 = arith.addi %mul3A_2, %add3A_142 : i32
    %dma_wait3A_144 = tpu.memref_slice %arg2[%add3A_143] : memref<4194304xf32, #tpu.memory_space<hbm>> -> memref<8192xf32, #tpu.memory_space<hbm>>
    %dma_wait3A_145 = tpu.memref_slice %arg2[%add3A_143] : memref<4194304xf32, #tpu.memory_space<hbm>> -> memref<8192xf32, #tpu.memory_space<hbm>>
    tpu.wait_dma2 semaphore(%arg21 : memref<!tpu.dma_semaphore, #tpu.memory_space<semaphore_mem>>) src(%dma_wait3A_145 : memref<8192xf32, #tpu.memory_space<hbm>>) dst(%arg12 : memref<8192xf32, #tpu.memory_space<vmem>>)
    %dma_wait3A_146 = tpu.memref_slice %arg3[%add3A_143] : memref<4194304xi32, #tpu.memory_space<hbm>> -> memref<8192xi32, #tpu.memory_space<hbm>>
    %dma_wait3A_147 = tpu.memref_slice %arg3[%add3A_143] : memref<4194304xi32, #tpu.memory_space<hbm>> -> memref<8192xi32, #tpu.memory_space<hbm>>
    tpu.wait_dma2 semaphore(%arg21 : memref<!tpu.dma_semaphore, #tpu.memory_space<semaphore_mem>>) src(%dma_wait3A_147 : memref<8192xi32, #tpu.memory_space<hbm>>) dst(%arg15 : memref<8192xi32, #tpu.memory_space<vmem>>)
    %add3A_148 = arith.constant 16384 : i32
    %add3A_149 = arith.addi %mul3A_2, %add3A_148 : i32
    %dma_wait3A_150 = tpu.memref_slice %arg6[%add3A_149] : memref<4194304xf32, #tpu.memory_space<hbm>> -> memref<8192xf32, #tpu.memory_space<hbm>>
    %dma_wait3A_151 = tpu.memref_slice %arg6[%add3A_149] : memref<4194304xf32, #tpu.memory_space<hbm>> -> memref<8192xf32, #tpu.memory_space<hbm>>
    tpu.wait_dma2 semaphore(%arg24 : memref<!tpu.dma_semaphore, #tpu.memory_space<semaphore_mem>>) src(%arg18 : memref<8192xf32, #tpu.memory_space<vmem>>) dst(%dma_wait3A_151 : memref<8192xf32, #tpu.memory_space<hbm>>)
    %parallel_loop3A_152 = arith.constant 0 : i32
    %parallel_loop3A_153 = arith.constant 8192 : i32
    %parallel_loop3A_154 = arith.constant 16 : i32
    scf.for %parallel_loop3A_389 = %parallel_loop3A_152 to %parallel_loop3A_153 step %parallel_loop3A_154  : i32 {
      %parallel_loop3A_390 = arith.index_cast %parallel_loop3A_389 : i32 to index
      %parallel_loop3A_391 = tpu.vector_load %arg15[%parallel_loop3A_390] {strides = array<i32>} : memref<8192xi32, #tpu.memory_space<vmem>>, vector<16xi32>,
      %parallel_loop3A_392 = arith.constant 1 : i32
      %parallel_loop3A_393 = vector.broadcast %parallel_loop3A_392 : i32 to vector<16xi32>
      %parallel_loop3A_394 = arith.subi %parallel_loop3A_391, %parallel_loop3A_393 : vector<16xi32>
      %parallel_loop3A_395 = tpu.vector_load_idx %arg9[%parallel_loop3A_394] : memref<1024xi32, #tpu.memory_space<vmem>>[vector<16xi32>], vector<16xi32>,
      %parallel_loop3A_396 = arith.constant -65536 : i32
      %parallel_loop3A_397 = vector.broadcast %parallel_loop3A_396 : i32 to vector<16xi32>
      %parallel_loop3A_398 = arith.andi %parallel_loop3A_395, %parallel_loop3A_397 : vector<16xi32>
      %parallel_loop3A_399 = vector.bitcast %parallel_loop3A_398 : vector<16xi32> to vector<16xf32>
      %parallel_loop3A_400 = arith.constant 16 : i32
      %parallel_loop3A_401 = vector.broadcast %parallel_loop3A_400 : i32 to vector<16xi32>
      %parallel_loop3A_402 = arith.shli %parallel_loop3A_395, %parallel_loop3A_401 : vector<16xi32>
      %parallel_loop3A_403 = vector.bitcast %parallel_loop3A_402 : vector<16xi32> to vector<16xf32>
      %parallel_loop3A_404 = arith.index_cast %parallel_loop3A_389 : i32 to index
      %parallel_loop3A_405 = tpu.vector_load %arg12[%parallel_loop3A_404] {strides = array<i32>} : memref<8192xf32, #tpu.memory_space<vmem>>, vector<16xf32>,
      %parallel_loop3A_406 = arith.mulf %parallel_loop3A_405, %parallel_loop3A_399 : vector<16xf32>
      %parallel_loop3A_407 = arith.addf %parallel_loop3A_406, %parallel_loop3A_403 : vector<16xf32>
      %parallel_loop3A_408 = arith.index_cast %parallel_loop3A_389 : i32 to index
      %parallel_loop3A_409 = tpu.vector_load %arg18[%parallel_loop3A_408] {strides = array<i32>} : memref<8192xf32, #tpu.memory_space<vmem>>, vector<16xf32>,
      tpu.vector_store %arg18[%parallel_loop3A_408], %parallel_loop3A_407 {strides = array<i32>} : memref<8192xf32, #tpu.memory_space<vmem>>, vector<16xf32>,
    } {sc.loop_unroll_factor = 4 : i64, sc.parallel_access}
    %add3A_155 = arith.constant 40960 : i32
    %add3A_156 = arith.addi %mul3A_2, %add3A_155 : i32
    %dma_start3A_157 = tpu.memref_slice %arg6[%add3A_156] : memref<4194304xf32, #tpu.memory_space<hbm>> -> memref<8192xf32, #tpu.memory_space<hbm>>
    %dma_start3A_158 = tpu.memref_slice %arg6[%add3A_156] : memref<4194304xf32, #tpu.memory_space<hbm>> -> memref<8192xf32, #tpu.memory_space<hbm>>
    tpu.enqueue_dma source(%arg18 : memref<8192xf32, #tpu.memory_space<vmem>>) target(%dma_start3A_158 : memref<8192xf32, #tpu.memory_space<hbm>>) target_semaphore(%arg24 : memref<!tpu.dma_semaphore, #tpu.memory_space<semaphore_mem>>)
    %add3A_159 = arith.constant 65536 : i32
    %add3A_160 = arith.addi %mul3A_2, %add3A_159 : i32
    %dma_start3A_161 = tpu.memref_slice %arg2[%add3A_160] : memref<4194304xf32, #tpu.memory_space<hbm>> -> memref<8192xf32, #tpu.memory_space<hbm>>
    %dma_start3A_162 = tpu.memref_slice %arg2[%add3A_160] : memref<4194304xf32, #tpu.memory_space<hbm>> -> memref<8192xf32, #tpu.memory_space<hbm>>
    tpu.enqueue_dma source(%dma_start3A_162 : memref<8192xf32, #tpu.memory_space<hbm>>) target(%arg12 : memref<8192xf32, #tpu.memory_space<vmem>>) target_semaphore(%arg21 : memref<!tpu.dma_semaphore, #tpu.memory_space<semaphore_mem>>)
    %dma_start3A_163 = tpu.memref_slice %arg3[%add3A_160] : memref<4194304xi32, #tpu.memory_space<hbm>> -> memref<8192xi32, #tpu.memory_space<hbm>>
    %dma_start3A_164 = tpu.memref_slice %arg3[%add3A_160] : memref<4194304xi32, #tpu.memory_space<hbm>> -> memref<8192xi32, #tpu.memory_space<hbm>>
    tpu.enqueue_dma source(%dma_start3A_164 : memref<8192xi32, #tpu.memory_space<hbm>>) target(%arg15 : memref<8192xi32, #tpu.memory_space<vmem>>) target_semaphore(%arg21 : memref<!tpu.dma_semaphore, #tpu.memory_space<semaphore_mem>>)
    %add3A_165 = arith.constant 49152 : i32
    %add3A_166 = arith.addi %mul3A_2, %add3A_165 : i32
    %dma_wait3A_167 = tpu.memref_slice %arg2[%add3A_166] : memref<4194304xf32, #tpu.memory_space<hbm>> -> memref<8192xf32, #tpu.memory_space<hbm>>
    %dma_wait3A_168 = tpu.memref_slice %arg2[%add3A_166] : memref<4194304xf32, #tpu.memory_space<hbm>> -> memref<8192xf32, #tpu.memory_space<hbm>>
    tpu.wait_dma2 semaphore(%arg19 : memref<!tpu.dma_semaphore, #tpu.memory_space<semaphore_mem>>) src(%dma_wait3A_168 : memref<8192xf32, #tpu.memory_space<hbm>>) dst(%arg10 : memref<8192xf32, #tpu.memory_space<vmem>>)
    %dma_wait3A_169 = tpu.memref_slice %arg3[%add3A_166] : memref<4194304xi32, #tpu.memory_space<hbm>> -> memref<8192xi32, #tpu.memory_space<hbm>>
    %dma_wait3A_170 = tpu.memref_slice %arg3[%add3A_166] : memref<4194304xi32, #tpu.memory_space<hbm>> -> memref<8192xi32, #tpu.memory_space<hbm>>
    tpu.wait_dma2 semaphore(%arg19 : memref<!tpu.dma_semaphore, #tpu.memory_space<semaphore_mem>>) src(%dma_wait3A_170 : memref<8192xi32, #tpu.memory_space<hbm>>) dst(%arg13 : memref<8192xi32, #tpu.memory_space<vmem>>)
    %add3A_171 = arith.constant 24576 : i32
    %add3A_172 = arith.addi %mul3A_2, %add3A_171 : i32
    %dma_wait3A_173 = tpu.memref_slice %arg6[%add3A_172] : memref<4194304xf32, #tpu.memory_space<hbm>> -> memref<8192xf32, #tpu.memory_space<hbm>>
    %dma_wait3A_174 = tpu.memref_slice %arg6[%add3A_172] : memref<4194304xf32, #tpu.memory_space<hbm>> -> memref<8192xf32, #tpu.memory_space<hbm>>
    tpu.wait_dma2 semaphore(%arg22 : memref<!tpu.dma_semaphore, #tpu.memory_space<semaphore_mem>>) src(%arg16 : memref<8192xf32, #tpu.memory_space<vmem>>) dst(%dma_wait3A_174 : memref<8192xf32, #tpu.memory_space<hbm>>)
    %parallel_loop3A_175 = arith.constant 0 : i32
    %parallel_loop3A_176 = arith.constant 8192 : i32
    %parallel_loop3A_177 = arith.constant 16 : i32
    scf.for %parallel_loop3A_389 = %parallel_loop3A_175 to %parallel_loop3A_176 step %parallel_loop3A_177  : i32 {
      %parallel_loop3A_390 = arith.index_cast %parallel_loop3A_389 : i32 to index
      %parallel_loop3A_391 = tpu.vector_load %arg13[%parallel_loop3A_390] {strides = array<i32>} : memref<8192xi32, #tpu.memory_space<vmem>>, vector<16xi32>,
      %parallel_loop3A_392 = arith.constant 1 : i32
      %parallel_loop3A_393 = vector.broadcast %parallel_loop3A_392 : i32 to vector<16xi32>
      %parallel_loop3A_394 = arith.subi %parallel_loop3A_391, %parallel_loop3A_393 : vector<16xi32>
      %parallel_loop3A_395 = tpu.vector_load_idx %arg9[%parallel_loop3A_394] : memref<1024xi32, #tpu.memory_space<vmem>>[vector<16xi32>], vector<16xi32>,
      %parallel_loop3A_396 = arith.constant -65536 : i32
      %parallel_loop3A_397 = vector.broadcast %parallel_loop3A_396 : i32 to vector<16xi32>
      %parallel_loop3A_398 = arith.andi %parallel_loop3A_395, %parallel_loop3A_397 : vector<16xi32>
      %parallel_loop3A_399 = vector.bitcast %parallel_loop3A_398 : vector<16xi32> to vector<16xf32>
      %parallel_loop3A_400 = arith.constant 16 : i32
      %parallel_loop3A_401 = vector.broadcast %parallel_loop3A_400 : i32 to vector<16xi32>
      %parallel_loop3A_402 = arith.shli %parallel_loop3A_395, %parallel_loop3A_401 : vector<16xi32>
      %parallel_loop3A_403 = vector.bitcast %parallel_loop3A_402 : vector<16xi32> to vector<16xf32>
      %parallel_loop3A_404 = arith.index_cast %parallel_loop3A_389 : i32 to index
      %parallel_loop3A_405 = tpu.vector_load %arg10[%parallel_loop3A_404] {strides = array<i32>} : memref<8192xf32, #tpu.memory_space<vmem>>, vector<16xf32>,
      %parallel_loop3A_406 = arith.mulf %parallel_loop3A_405, %parallel_loop3A_399 : vector<16xf32>
      %parallel_loop3A_407 = arith.addf %parallel_loop3A_406, %parallel_loop3A_403 : vector<16xf32>
      %parallel_loop3A_408 = arith.index_cast %parallel_loop3A_389 : i32 to index
      %parallel_loop3A_409 = tpu.vector_load %arg16[%parallel_loop3A_408] {strides = array<i32>} : memref<8192xf32, #tpu.memory_space<vmem>>, vector<16xf32>,
      tpu.vector_store %arg16[%parallel_loop3A_408], %parallel_loop3A_407 {strides = array<i32>} : memref<8192xf32, #tpu.memory_space<vmem>>, vector<16xf32>,
    } {sc.loop_unroll_factor = 4 : i64, sc.parallel_access}
    %add3A_178 = arith.constant 49152 : i32
    %add3A_179 = arith.addi %mul3A_2, %add3A_178 : i32
    %dma_start3A_180 = tpu.memref_slice %arg6[%add3A_179] : memref<4194304xf32, #tpu.memory_space<hbm>> -> memref<8192xf32, #tpu.memory_space<hbm>>
    %dma_start3A_181 = tpu.memref_slice %arg6[%add3A_179] : memref<4194304xf32, #tpu.memory_space<hbm>> -> memref<8192xf32, #tpu.memory_space<hbm>>
    tpu.enqueue_dma source(%arg16 : memref<8192xf32, #tpu.memory_space<vmem>>) target(%dma_start3A_181 : memref<8192xf32, #tpu.memory_space<hbm>>) target_semaphore(%arg22 : memref<!tpu.dma_semaphore, #tpu.memory_space<semaphore_mem>>)
    %add3A_182 = arith.constant 73728 : i32
    %add3A_183 = arith.addi %mul3A_2, %add3A_182 : i32
    %dma_start3A_184 = tpu.memref_slice %arg2[%add3A_183] : memref<4194304xf32, #tpu.memory_space<hbm>> -> memref<8192xf32, #tpu.memory_space<hbm>>
    %dma_start3A_185 = tpu.memref_slice %arg2[%add3A_183] : memref<4194304xf32, #tpu.memory_space<hbm>> -> memref<8192xf32, #tpu.memory_space<hbm>>
    tpu.enqueue_dma source(%dma_start3A_185 : memref<8192xf32, #tpu.memory_space<hbm>>) target(%arg10 : memref<8192xf32, #tpu.memory_space<vmem>>) target_semaphore(%arg19 : memref<!tpu.dma_semaphore, #tpu.memory_space<semaphore_mem>>)
    %dma_start3A_186 = tpu.memref_slice %arg3[%add3A_183] : memref<4194304xi32, #tpu.memory_space<hbm>> -> memref<8192xi32, #tpu.memory_space<hbm>>
    %dma_start3A_187 = tpu.memref_slice %arg3[%add3A_183] : memref<4194304xi32, #tpu.memory_space<hbm>> -> memref<8192xi32, #tpu.memory_space<hbm>>
    tpu.enqueue_dma source(%dma_start3A_187 : memref<8192xi32, #tpu.memory_space<hbm>>) target(%arg13 : memref<8192xi32, #tpu.memory_space<vmem>>) target_semaphore(%arg19 : memref<!tpu.dma_semaphore, #tpu.memory_space<semaphore_mem>>)
    %add3A_188 = arith.constant 57344 : i32
    %add3A_189 = arith.addi %mul3A_2, %add3A_188 : i32
    %dma_wait3A_190 = tpu.memref_slice %arg2[%add3A_189] : memref<4194304xf32, #tpu.memory_space<hbm>> -> memref<8192xf32, #tpu.memory_space<hbm>>
    %dma_wait3A_191 = tpu.memref_slice %arg2[%add3A_189] : memref<4194304xf32, #tpu.memory_space<hbm>> -> memref<8192xf32, #tpu.memory_space<hbm>>
    tpu.wait_dma2 semaphore(%arg20 : memref<!tpu.dma_semaphore, #tpu.memory_space<semaphore_mem>>) src(%dma_wait3A_191 : memref<8192xf32, #tpu.memory_space<hbm>>) dst(%arg11 : memref<8192xf32, #tpu.memory_space<vmem>>)
    %dma_wait3A_192 = tpu.memref_slice %arg3[%add3A_189] : memref<4194304xi32, #tpu.memory_space<hbm>> -> memref<8192xi32, #tpu.memory_space<hbm>>
    %dma_wait3A_193 = tpu.memref_slice %arg3[%add3A_189] : memref<4194304xi32, #tpu.memory_space<hbm>> -> memref<8192xi32, #tpu.memory_space<hbm>>
    tpu.wait_dma2 semaphore(%arg20 : memref<!tpu.dma_semaphore, #tpu.memory_space<semaphore_mem>>) src(%dma_wait3A_193 : memref<8192xi32, #tpu.memory_space<hbm>>) dst(%arg14 : memref<8192xi32, #tpu.memory_space<vmem>>)
    %add3A_194 = arith.constant 32768 : i32
    %add3A_195 = arith.addi %mul3A_2, %add3A_194 : i32
    %dma_wait3A_196 = tpu.memref_slice %arg6[%add3A_195] : memref<4194304xf32, #tpu.memory_space<hbm>> -> memref<8192xf32, #tpu.memory_space<hbm>>
    %dma_wait3A_197 = tpu.memref_slice %arg6[%add3A_195] : memref<4194304xf32, #tpu.memory_space<hbm>> -> memref<8192xf32, #tpu.memory_space<hbm>>
    tpu.wait_dma2 semaphore(%arg23 : memref<!tpu.dma_semaphore, #tpu.memory_space<semaphore_mem>>) src(%arg17 : memref<8192xf32, #tpu.memory_space<vmem>>) dst(%dma_wait3A_197 : memref<8192xf32, #tpu.memory_space<hbm>>)
    %parallel_loop3A_198 = arith.constant 0 : i32
    %parallel_loop3A_199 = arith.constant 8192 : i32
    %parallel_loop3A_200 = arith.constant 16 : i32
    scf.for %parallel_loop3A_389 = %parallel_loop3A_198 to %parallel_loop3A_199 step %parallel_loop3A_200  : i32 {
      %parallel_loop3A_390 = arith.index_cast %parallel_loop3A_389 : i32 to index
      %parallel_loop3A_391 = tpu.vector_load %arg14[%parallel_loop3A_390] {strides = array<i32>} : memref<8192xi32, #tpu.memory_space<vmem>>, vector<16xi32>,
      %parallel_loop3A_392 = arith.constant 1 : i32
      %parallel_loop3A_393 = vector.broadcast %parallel_loop3A_392 : i32 to vector<16xi32>
      %parallel_loop3A_394 = arith.subi %parallel_loop3A_391, %parallel_loop3A_393 : vector<16xi32>
      %parallel_loop3A_395 = tpu.vector_load_idx %arg9[%parallel_loop3A_394] : memref<1024xi32, #tpu.memory_space<vmem>>[vector<16xi32>], vector<16xi32>,
      %parallel_loop3A_396 = arith.constant -65536 : i32
      %parallel_loop3A_397 = vector.broadcast %parallel_loop3A_396 : i32 to vector<16xi32>
      %parallel_loop3A_398 = arith.andi %parallel_loop3A_395, %parallel_loop3A_397 : vector<16xi32>
      %parallel_loop3A_399 = vector.bitcast %parallel_loop3A_398 : vector<16xi32> to vector<16xf32>
      %parallel_loop3A_400 = arith.constant 16 : i32
      %parallel_loop3A_401 = vector.broadcast %parallel_loop3A_400 : i32 to vector<16xi32>
      %parallel_loop3A_402 = arith.shli %parallel_loop3A_395, %parallel_loop3A_401 : vector<16xi32>
      %parallel_loop3A_403 = vector.bitcast %parallel_loop3A_402 : vector<16xi32> to vector<16xf32>
      %parallel_loop3A_404 = arith.index_cast %parallel_loop3A_389 : i32 to index
      %parallel_loop3A_405 = tpu.vector_load %arg11[%parallel_loop3A_404] {strides = array<i32>} : memref<8192xf32, #tpu.memory_space<vmem>>, vector<16xf32>,
      %parallel_loop3A_406 = arith.mulf %parallel_loop3A_405, %parallel_loop3A_399 : vector<16xf32>
      %parallel_loop3A_407 = arith.addf %parallel_loop3A_406, %parallel_loop3A_403 : vector<16xf32>
      %parallel_loop3A_408 = arith.index_cast %parallel_loop3A_389 : i32 to index
      %parallel_loop3A_409 = tpu.vector_load %arg17[%parallel_loop3A_408] {strides = array<i32>} : memref<8192xf32, #tpu.memory_space<vmem>>, vector<16xf32>,
      tpu.vector_store %arg17[%parallel_loop3A_408], %parallel_loop3A_407 {strides = array<i32>} : memref<8192xf32, #tpu.memory_space<vmem>>, vector<16xf32>,
    } {sc.loop_unroll_factor = 4 : i64, sc.parallel_access}
    %add3A_201 = arith.constant 57344 : i32
    %add3A_202 = arith.addi %mul3A_2, %add3A_201 : i32
    %dma_start3A_203 = tpu.memref_slice %arg6[%add3A_202] : memref<4194304xf32, #tpu.memory_space<hbm>> -> memref<8192xf32, #tpu.memory_space<hbm>>
    %dma_start3A_204 = tpu.memref_slice %arg6[%add3A_202] : memref<4194304xf32, #tpu.memory_space<hbm>> -> memref<8192xf32, #tpu.memory_space<hbm>>
    tpu.enqueue_dma source(%arg17 : memref<8192xf32, #tpu.memory_space<vmem>>) target(%dma_start3A_204 : memref<8192xf32, #tpu.memory_space<hbm>>) target_semaphore(%arg23 : memref<!tpu.dma_semaphore, #tpu.memory_space<semaphore_mem>>)
    %add3A_205 = arith.constant 81920 : i32
    %add3A_206 = arith.addi %mul3A_2, %add3A_205 : i32
    %dma_start3A_207 = tpu.memref_slice %arg2[%add3A_206] : memref<4194304xf32, #tpu.memory_space<hbm>> -> memref<8192xf32, #tpu.memory_space<hbm>>
    %dma_start3A_208 = tpu.memref_slice %arg2[%add3A_206] : memref<4194304xf32, #tpu.memory_space<hbm>> -> memref<8192xf32, #tpu.memory_space<hbm>>
    tpu.enqueue_dma source(%dma_start3A_208 : memref<8192xf32, #tpu.memory_space<hbm>>) target(%arg11 : memref<8192xf32, #tpu.memory_space<vmem>>) target_semaphore(%arg20 : memref<!tpu.dma_semaphore, #tpu.memory_space<semaphore_mem>>)
    %dma_start3A_209 = tpu.memref_slice %arg3[%add3A_206] : memref<4194304xi32, #tpu.memory_space<hbm>> -> memref<8192xi32, #tpu.memory_space<hbm>>
    %dma_start3A_210 = tpu.memref_slice %arg3[%add3A_206] : memref<4194304xi32, #tpu.memory_space<hbm>> -> memref<8192xi32, #tpu.memory_space<hbm>>
    tpu.enqueue_dma source(%dma_start3A_210 : memref<8192xi32, #tpu.memory_space<hbm>>) target(%arg14 : memref<8192xi32, #tpu.memory_space<vmem>>) target_semaphore(%arg20 : memref<!tpu.dma_semaphore, #tpu.memory_space<semaphore_mem>>)
    %add3A_211 = arith.constant 65536 : i32
    %add3A_212 = arith.addi %mul3A_2, %add3A_211 : i32
    %dma_wait3A_213 = tpu.memref_slice %arg2[%add3A_212] : memref<4194304xf32, #tpu.memory_space<hbm>> -> memref<8192xf32, #tpu.memory_space<hbm>>
    %dma_wait3A_214 = tpu.memref_slice %arg2[%add3A_212] : memref<4194304xf32, #tpu.memory_space<hbm>> -> memref<8192xf32, #tpu.memory_space<hbm>>
    tpu.wait_dma2 semaphore(%arg21 : memref<!tpu.dma_semaphore, #tpu.memory_space<semaphore_mem>>) src(%dma_wait3A_214 : memref<8192xf32, #tpu.memory_space<hbm>>) dst(%arg12 : memref<8192xf32, #tpu.memory_space<vmem>>)
    %dma_wait3A_215 = tpu.memref_slice %arg3[%add3A_212] : memref<4194304xi32, #tpu.memory_space<hbm>> -> memref<8192xi32, #tpu.memory_space<hbm>>
    %dma_wait3A_216 = tpu.memref_slice %arg3[%add3A_212] : memref<4194304xi32, #tpu.memory_space<hbm>> -> memref<8192xi32, #tpu.memory_space<hbm>>
    tpu.wait_dma2 semaphore(%arg21 : memref<!tpu.dma_semaphore, #tpu.memory_space<semaphore_mem>>) src(%dma_wait3A_216 : memref<8192xi32, #tpu.memory_space<hbm>>) dst(%arg15 : memref<8192xi32, #tpu.memory_space<vmem>>)
    %add3A_217 = arith.constant 40960 : i32
    %add3A_218 = arith.addi %mul3A_2, %add3A_217 : i32
    %dma_wait3A_219 = tpu.memref_slice %arg6[%add3A_218] : memref<4194304xf32, #tpu.memory_space<hbm>> -> memref<8192xf32, #tpu.memory_space<hbm>>
    %dma_wait3A_220 = tpu.memref_slice %arg6[%add3A_218] : memref<4194304xf32, #tpu.memory_space<hbm>> -> memref<8192xf32, #tpu.memory_space<hbm>>
    tpu.wait_dma2 semaphore(%arg24 : memref<!tpu.dma_semaphore, #tpu.memory_space<semaphore_mem>>) src(%arg18 : memref<8192xf32, #tpu.memory_space<vmem>>) dst(%dma_wait3A_220 : memref<8192xf32, #tpu.memory_space<hbm>>)
    %parallel_loop3A_221 = arith.constant 0 : i32
    %parallel_loop3A_222 = arith.constant 8192 : i32
    %parallel_loop3A_223 = arith.constant 16 : i32
    scf.for %parallel_loop3A_389 = %parallel_loop3A_221 to %parallel_loop3A_222 step %parallel_loop3A_223  : i32 {
      %parallel_loop3A_390 = arith.index_cast %parallel_loop3A_389 : i32 to index
      %parallel_loop3A_391 = tpu.vector_load %arg15[%parallel_loop3A_390] {strides = array<i32>} : memref<8192xi32, #tpu.memory_space<vmem>>, vector<16xi32>,
      %parallel_loop3A_392 = arith.constant 1 : i32
      %parallel_loop3A_393 = vector.broadcast %parallel_loop3A_392 : i32 to vector<16xi32>
      %parallel_loop3A_394 = arith.subi %parallel_loop3A_391, %parallel_loop3A_393 : vector<16xi32>
      %parallel_loop3A_395 = tpu.vector_load_idx %arg9[%parallel_loop3A_394] : memref<1024xi32, #tpu.memory_space<vmem>>[vector<16xi32>], vector<16xi32>,
      %parallel_loop3A_396 = arith.constant -65536 : i32
      %parallel_loop3A_397 = vector.broadcast %parallel_loop3A_396 : i32 to vector<16xi32>
      %parallel_loop3A_398 = arith.andi %parallel_loop3A_395, %parallel_loop3A_397 : vector<16xi32>
      %parallel_loop3A_399 = vector.bitcast %parallel_loop3A_398 : vector<16xi32> to vector<16xf32>
      %parallel_loop3A_400 = arith.constant 16 : i32
      %parallel_loop3A_401 = vector.broadcast %parallel_loop3A_400 : i32 to vector<16xi32>
      %parallel_loop3A_402 = arith.shli %parallel_loop3A_395, %parallel_loop3A_401 : vector<16xi32>
      %parallel_loop3A_403 = vector.bitcast %parallel_loop3A_402 : vector<16xi32> to vector<16xf32>
      %parallel_loop3A_404 = arith.index_cast %parallel_loop3A_389 : i32 to index
      %parallel_loop3A_405 = tpu.vector_load %arg12[%parallel_loop3A_404] {strides = array<i32>} : memref<8192xf32, #tpu.memory_space<vmem>>, vector<16xf32>,
      %parallel_loop3A_406 = arith.mulf %parallel_loop3A_405, %parallel_loop3A_399 : vector<16xf32>
      %parallel_loop3A_407 = arith.addf %parallel_loop3A_406, %parallel_loop3A_403 : vector<16xf32>
      %parallel_loop3A_408 = arith.index_cast %parallel_loop3A_389 : i32 to index
      %parallel_loop3A_409 = tpu.vector_load %arg18[%parallel_loop3A_408] {strides = array<i32>} : memref<8192xf32, #tpu.memory_space<vmem>>, vector<16xf32>,
      tpu.vector_store %arg18[%parallel_loop3A_408], %parallel_loop3A_407 {strides = array<i32>} : memref<8192xf32, #tpu.memory_space<vmem>>, vector<16xf32>,
    } {sc.loop_unroll_factor = 4 : i64, sc.parallel_access}
    %add3A_224 = arith.constant 65536 : i32
    %add3A_225 = arith.addi %mul3A_2, %add3A_224 : i32
    %dma_start3A_226 = tpu.memref_slice %arg6[%add3A_225] : memref<4194304xf32, #tpu.memory_space<hbm>> -> memref<8192xf32, #tpu.memory_space<hbm>>
    %dma_start3A_227 = tpu.memref_slice %arg6[%add3A_225] : memref<4194304xf32, #tpu.memory_space<hbm>> -> memref<8192xf32, #tpu.memory_space<hbm>>
    tpu.enqueue_dma source(%arg18 : memref<8192xf32, #tpu.memory_space<vmem>>) target(%dma_start3A_227 : memref<8192xf32, #tpu.memory_space<hbm>>) target_semaphore(%arg24 : memref<!tpu.dma_semaphore, #tpu.memory_space<semaphore_mem>>)
    %add3A_228 = arith.constant 90112 : i32
    %add3A_229 = arith.addi %mul3A_2, %add3A_228 : i32
    %dma_start3A_230 = tpu.memref_slice %arg2[%add3A_229] : memref<4194304xf32, #tpu.memory_space<hbm>> -> memref<8192xf32, #tpu.memory_space<hbm>>
    %dma_start3A_231 = tpu.memref_slice %arg2[%add3A_229] : memref<4194304xf32, #tpu.memory_space<hbm>> -> memref<8192xf32, #tpu.memory_space<hbm>>
    tpu.enqueue_dma source(%dma_start3A_231 : memref<8192xf32, #tpu.memory_space<hbm>>) target(%arg12 : memref<8192xf32, #tpu.memory_space<vmem>>) target_semaphore(%arg21 : memref<!tpu.dma_semaphore, #tpu.memory_space<semaphore_mem>>)
    %dma_start3A_232 = tpu.memref_slice %arg3[%add3A_229] : memref<4194304xi32, #tpu.memory_space<hbm>> -> memref<8192xi32, #tpu.memory_space<hbm>>
    %dma_start3A_233 = tpu.memref_slice %arg3[%add3A_229] : memref<4194304xi32, #tpu.memory_space<hbm>> -> memref<8192xi32, #tpu.memory_space<hbm>>
    tpu.enqueue_dma source(%dma_start3A_233 : memref<8192xi32, #tpu.memory_space<hbm>>) target(%arg15 : memref<8192xi32, #tpu.memory_space<vmem>>) target_semaphore(%arg21 : memref<!tpu.dma_semaphore, #tpu.memory_space<semaphore_mem>>)
    %add3A_234 = arith.constant 73728 : i32
    %add3A_235 = arith.addi %mul3A_2, %add3A_234 : i32
    %dma_wait3A_236 = tpu.memref_slice %arg2[%add3A_235] : memref<4194304xf32, #tpu.memory_space<hbm>> -> memref<8192xf32, #tpu.memory_space<hbm>>
    %dma_wait3A_237 = tpu.memref_slice %arg2[%add3A_235] : memref<4194304xf32, #tpu.memory_space<hbm>> -> memref<8192xf32, #tpu.memory_space<hbm>>
    tpu.wait_dma2 semaphore(%arg19 : memref<!tpu.dma_semaphore, #tpu.memory_space<semaphore_mem>>) src(%dma_wait3A_237 : memref<8192xf32, #tpu.memory_space<hbm>>) dst(%arg10 : memref<8192xf32, #tpu.memory_space<vmem>>)
    %dma_wait3A_238 = tpu.memref_slice %arg3[%add3A_235] : memref<4194304xi32, #tpu.memory_space<hbm>> -> memref<8192xi32, #tpu.memory_space<hbm>>
    %dma_wait3A_239 = tpu.memref_slice %arg3[%add3A_235] : memref<4194304xi32, #tpu.memory_space<hbm>> -> memref<8192xi32, #tpu.memory_space<hbm>>
    tpu.wait_dma2 semaphore(%arg19 : memref<!tpu.dma_semaphore, #tpu.memory_space<semaphore_mem>>) src(%dma_wait3A_239 : memref<8192xi32, #tpu.memory_space<hbm>>) dst(%arg13 : memref<8192xi32, #tpu.memory_space<vmem>>)
    %add3A_240 = arith.constant 49152 : i32
    %add3A_241 = arith.addi %mul3A_2, %add3A_240 : i32
    %dma_wait3A_242 = tpu.memref_slice %arg6[%add3A_241] : memref<4194304xf32, #tpu.memory_space<hbm>> -> memref<8192xf32, #tpu.memory_space<hbm>>
    %dma_wait3A_243 = tpu.memref_slice %arg6[%add3A_241] : memref<4194304xf32, #tpu.memory_space<hbm>> -> memref<8192xf32, #tpu.memory_space<hbm>>
    tpu.wait_dma2 semaphore(%arg22 : memref<!tpu.dma_semaphore, #tpu.memory_space<semaphore_mem>>) src(%arg16 : memref<8192xf32, #tpu.memory_space<vmem>>) dst(%dma_wait3A_243 : memref<8192xf32, #tpu.memory_space<hbm>>)
    %parallel_loop3A_244 = arith.constant 0 : i32
    %parallel_loop3A_245 = arith.constant 8192 : i32
    %parallel_loop3A_246 = arith.constant 16 : i32
    scf.for %parallel_loop3A_389 = %parallel_loop3A_244 to %parallel_loop3A_245 step %parallel_loop3A_246  : i32 {
      %parallel_loop3A_390 = arith.index_cast %parallel_loop3A_389 : i32 to index
      %parallel_loop3A_391 = tpu.vector_load %arg13[%parallel_loop3A_390] {strides = array<i32>} : memref<8192xi32, #tpu.memory_space<vmem>>, vector<16xi32>,
      %parallel_loop3A_392 = arith.constant 1 : i32
      %parallel_loop3A_393 = vector.broadcast %parallel_loop3A_392 : i32 to vector<16xi32>
      %parallel_loop3A_394 = arith.subi %parallel_loop3A_391, %parallel_loop3A_393 : vector<16xi32>
      %parallel_loop3A_395 = tpu.vector_load_idx %arg9[%parallel_loop3A_394] : memref<1024xi32, #tpu.memory_space<vmem>>[vector<16xi32>], vector<16xi32>,
      %parallel_loop3A_396 = arith.constant -65536 : i32
      %parallel_loop3A_397 = vector.broadcast %parallel_loop3A_396 : i32 to vector<16xi32>
      %parallel_loop3A_398 = arith.andi %parallel_loop3A_395, %parallel_loop3A_397 : vector<16xi32>
      %parallel_loop3A_399 = vector.bitcast %parallel_loop3A_398 : vector<16xi32> to vector<16xf32>
      %parallel_loop3A_400 = arith.constant 16 : i32
      %parallel_loop3A_401 = vector.broadcast %parallel_loop3A_400 : i32 to vector<16xi32>
      %parallel_loop3A_402 = arith.shli %parallel_loop3A_395, %parallel_loop3A_401 : vector<16xi32>
      %parallel_loop3A_403 = vector.bitcast %parallel_loop3A_402 : vector<16xi32> to vector<16xf32>
      %parallel_loop3A_404 = arith.index_cast %parallel_loop3A_389 : i32 to index
      %parallel_loop3A_405 = tpu.vector_load %arg10[%parallel_loop3A_404] {strides = array<i32>} : memref<8192xf32, #tpu.memory_space<vmem>>, vector<16xf32>,
      %parallel_loop3A_406 = arith.mulf %parallel_loop3A_405, %parallel_loop3A_399 : vector<16xf32>
      %parallel_loop3A_407 = arith.addf %parallel_loop3A_406, %parallel_loop3A_403 : vector<16xf32>
      %parallel_loop3A_408 = arith.index_cast %parallel_loop3A_389 : i32 to index
      %parallel_loop3A_409 = tpu.vector_load %arg16[%parallel_loop3A_408] {strides = array<i32>} : memref<8192xf32, #tpu.memory_space<vmem>>, vector<16xf32>,
      tpu.vector_store %arg16[%parallel_loop3A_408], %parallel_loop3A_407 {strides = array<i32>} : memref<8192xf32, #tpu.memory_space<vmem>>, vector<16xf32>,
    } {sc.loop_unroll_factor = 4 : i64, sc.parallel_access}
    %add3A_247 = arith.constant 73728 : i32
    %add3A_248 = arith.addi %mul3A_2, %add3A_247 : i32
    %dma_start3A_249 = tpu.memref_slice %arg6[%add3A_248] : memref<4194304xf32, #tpu.memory_space<hbm>> -> memref<8192xf32, #tpu.memory_space<hbm>>
    %dma_start3A_250 = tpu.memref_slice %arg6[%add3A_248] : memref<4194304xf32, #tpu.memory_space<hbm>> -> memref<8192xf32, #tpu.memory_space<hbm>>
    tpu.enqueue_dma source(%arg16 : memref<8192xf32, #tpu.memory_space<vmem>>) target(%dma_start3A_250 : memref<8192xf32, #tpu.memory_space<hbm>>) target_semaphore(%arg22 : memref<!tpu.dma_semaphore, #tpu.memory_space<semaphore_mem>>)
    %add3A_251 = arith.constant 98304 : i32
    %add3A_252 = arith.addi %mul3A_2, %add3A_251 : i32
    %dma_start3A_253 = tpu.memref_slice %arg2[%add3A_252] : memref<4194304xf32, #tpu.memory_space<hbm>> -> memref<8192xf32, #tpu.memory_space<hbm>>
    %dma_start3A_254 = tpu.memref_slice %arg2[%add3A_252] : memref<4194304xf32, #tpu.memory_space<hbm>> -> memref<8192xf32, #tpu.memory_space<hbm>>
    tpu.enqueue_dma source(%dma_start3A_254 : memref<8192xf32, #tpu.memory_space<hbm>>) target(%arg10 : memref<8192xf32, #tpu.memory_space<vmem>>) target_semaphore(%arg19 : memref<!tpu.dma_semaphore, #tpu.memory_space<semaphore_mem>>)
    %dma_start3A_255 = tpu.memref_slice %arg3[%add3A_252] : memref<4194304xi32, #tpu.memory_space<hbm>> -> memref<8192xi32, #tpu.memory_space<hbm>>
    %dma_start3A_256 = tpu.memref_slice %arg3[%add3A_252] : memref<4194304xi32, #tpu.memory_space<hbm>> -> memref<8192xi32, #tpu.memory_space<hbm>>
    tpu.enqueue_dma source(%dma_start3A_256 : memref<8192xi32, #tpu.memory_space<hbm>>) target(%arg13 : memref<8192xi32, #tpu.memory_space<vmem>>) target_semaphore(%arg19 : memref<!tpu.dma_semaphore, #tpu.memory_space<semaphore_mem>>)
    %add3A_257 = arith.constant 81920 : i32
    %add3A_258 = arith.addi %mul3A_2, %add3A_257 : i32
    %dma_wait3A_259 = tpu.memref_slice %arg2[%add3A_258] : memref<4194304xf32, #tpu.memory_space<hbm>> -> memref<8192xf32, #tpu.memory_space<hbm>>
    %dma_wait3A_260 = tpu.memref_slice %arg2[%add3A_258] : memref<4194304xf32, #tpu.memory_space<hbm>> -> memref<8192xf32, #tpu.memory_space<hbm>>
    tpu.wait_dma2 semaphore(%arg20 : memref<!tpu.dma_semaphore, #tpu.memory_space<semaphore_mem>>) src(%dma_wait3A_260 : memref<8192xf32, #tpu.memory_space<hbm>>) dst(%arg11 : memref<8192xf32, #tpu.memory_space<vmem>>)
    %dma_wait3A_261 = tpu.memref_slice %arg3[%add3A_258] : memref<4194304xi32, #tpu.memory_space<hbm>> -> memref<8192xi32, #tpu.memory_space<hbm>>
    %dma_wait3A_262 = tpu.memref_slice %arg3[%add3A_258] : memref<4194304xi32, #tpu.memory_space<hbm>> -> memref<8192xi32, #tpu.memory_space<hbm>>
    tpu.wait_dma2 semaphore(%arg20 : memref<!tpu.dma_semaphore, #tpu.memory_space<semaphore_mem>>) src(%dma_wait3A_262 : memref<8192xi32, #tpu.memory_space<hbm>>) dst(%arg14 : memref<8192xi32, #tpu.memory_space<vmem>>)
    %add3A_263 = arith.constant 57344 : i32
    %add3A_264 = arith.addi %mul3A_2, %add3A_263 : i32
    %dma_wait3A_265 = tpu.memref_slice %arg6[%add3A_264] : memref<4194304xf32, #tpu.memory_space<hbm>> -> memref<8192xf32, #tpu.memory_space<hbm>>
    %dma_wait3A_266 = tpu.memref_slice %arg6[%add3A_264] : memref<4194304xf32, #tpu.memory_space<hbm>> -> memref<8192xf32, #tpu.memory_space<hbm>>
    tpu.wait_dma2 semaphore(%arg23 : memref<!tpu.dma_semaphore, #tpu.memory_space<semaphore_mem>>) src(%arg17 : memref<8192xf32, #tpu.memory_space<vmem>>) dst(%dma_wait3A_266 : memref<8192xf32, #tpu.memory_space<hbm>>)
    %parallel_loop3A_267 = arith.constant 0 : i32
    %parallel_loop3A_268 = arith.constant 8192 : i32
    %parallel_loop3A_269 = arith.constant 16 : i32
    scf.for %parallel_loop3A_389 = %parallel_loop3A_267 to %parallel_loop3A_268 step %parallel_loop3A_269  : i32 {
      %parallel_loop3A_390 = arith.index_cast %parallel_loop3A_389 : i32 to index
      %parallel_loop3A_391 = tpu.vector_load %arg14[%parallel_loop3A_390] {strides = array<i32>} : memref<8192xi32, #tpu.memory_space<vmem>>, vector<16xi32>,
      %parallel_loop3A_392 = arith.constant 1 : i32
      %parallel_loop3A_393 = vector.broadcast %parallel_loop3A_392 : i32 to vector<16xi32>
      %parallel_loop3A_394 = arith.subi %parallel_loop3A_391, %parallel_loop3A_393 : vector<16xi32>
      %parallel_loop3A_395 = tpu.vector_load_idx %arg9[%parallel_loop3A_394] : memref<1024xi32, #tpu.memory_space<vmem>>[vector<16xi32>], vector<16xi32>,
      %parallel_loop3A_396 = arith.constant -65536 : i32
      %parallel_loop3A_397 = vector.broadcast %parallel_loop3A_396 : i32 to vector<16xi32>
      %parallel_loop3A_398 = arith.andi %parallel_loop3A_395, %parallel_loop3A_397 : vector<16xi32>
      %parallel_loop3A_399 = vector.bitcast %parallel_loop3A_398 : vector<16xi32> to vector<16xf32>
      %parallel_loop3A_400 = arith.constant 16 : i32
      %parallel_loop3A_401 = vector.broadcast %parallel_loop3A_400 : i32 to vector<16xi32>
      %parallel_loop3A_402 = arith.shli %parallel_loop3A_395, %parallel_loop3A_401 : vector<16xi32>
      %parallel_loop3A_403 = vector.bitcast %parallel_loop3A_402 : vector<16xi32> to vector<16xf32>
      %parallel_loop3A_404 = arith.index_cast %parallel_loop3A_389 : i32 to index
      %parallel_loop3A_405 = tpu.vector_load %arg11[%parallel_loop3A_404] {strides = array<i32>} : memref<8192xf32, #tpu.memory_space<vmem>>, vector<16xf32>,
      %parallel_loop3A_406 = arith.mulf %parallel_loop3A_405, %parallel_loop3A_399 : vector<16xf32>
      %parallel_loop3A_407 = arith.addf %parallel_loop3A_406, %parallel_loop3A_403 : vector<16xf32>
      %parallel_loop3A_408 = arith.index_cast %parallel_loop3A_389 : i32 to index
      %parallel_loop3A_409 = tpu.vector_load %arg17[%parallel_loop3A_408] {strides = array<i32>} : memref<8192xf32, #tpu.memory_space<vmem>>, vector<16xf32>,
      tpu.vector_store %arg17[%parallel_loop3A_408], %parallel_loop3A_407 {strides = array<i32>} : memref<8192xf32, #tpu.memory_space<vmem>>, vector<16xf32>,
    } {sc.loop_unroll_factor = 4 : i64, sc.parallel_access}
    %add3A_270 = arith.constant 81920 : i32
    %add3A_271 = arith.addi %mul3A_2, %add3A_270 : i32
    %dma_start3A_272 = tpu.memref_slice %arg6[%add3A_271] : memref<4194304xf32, #tpu.memory_space<hbm>> -> memref<8192xf32, #tpu.memory_space<hbm>>
    %dma_start3A_273 = tpu.memref_slice %arg6[%add3A_271] : memref<4194304xf32, #tpu.memory_space<hbm>> -> memref<8192xf32, #tpu.memory_space<hbm>>
    tpu.enqueue_dma source(%arg17 : memref<8192xf32, #tpu.memory_space<vmem>>) target(%dma_start3A_273 : memref<8192xf32, #tpu.memory_space<hbm>>) target_semaphore(%arg23 : memref<!tpu.dma_semaphore, #tpu.memory_space<semaphore_mem>>)
    %add3A_274 = arith.constant 106496 : i32
    %add3A_275 = arith.addi %mul3A_2, %add3A_274 : i32
    %dma_start3A_276 = tpu.memref_slice %arg2[%add3A_275] : memref<4194304xf32, #tpu.memory_space<hbm>> -> memref<8192xf32, #tpu.memory_space<hbm>>
    %dma_start3A_277 = tpu.memref_slice %arg2[%add3A_275] : memref<4194304xf32, #tpu.memory_space<hbm>> -> memref<8192xf32, #tpu.memory_space<hbm>>
    tpu.enqueue_dma source(%dma_start3A_277 : memref<8192xf32, #tpu.memory_space<hbm>>) target(%arg11 : memref<8192xf32, #tpu.memory_space<vmem>>) target_semaphore(%arg20 : memref<!tpu.dma_semaphore, #tpu.memory_space<semaphore_mem>>)
    %dma_start3A_278 = tpu.memref_slice %arg3[%add3A_275] : memref<4194304xi32, #tpu.memory_space<hbm>> -> memref<8192xi32, #tpu.memory_space<hbm>>
    %dma_start3A_279 = tpu.memref_slice %arg3[%add3A_275] : memref<4194304xi32, #tpu.memory_space<hbm>> -> memref<8192xi32, #tpu.memory_space<hbm>>
    tpu.enqueue_dma source(%dma_start3A_279 : memref<8192xi32, #tpu.memory_space<hbm>>) target(%arg14 : memref<8192xi32, #tpu.memory_space<vmem>>) target_semaphore(%arg20 : memref<!tpu.dma_semaphore, #tpu.memory_space<semaphore_mem>>)
    %add3A_280 = arith.constant 90112 : i32
    %add3A_281 = arith.addi %mul3A_2, %add3A_280 : i32
    %dma_wait3A_282 = tpu.memref_slice %arg2[%add3A_281] : memref<4194304xf32, #tpu.memory_space<hbm>> -> memref<8192xf32, #tpu.memory_space<hbm>>
    %dma_wait3A_283 = tpu.memref_slice %arg2[%add3A_281] : memref<4194304xf32, #tpu.memory_space<hbm>> -> memref<8192xf32, #tpu.memory_space<hbm>>
    tpu.wait_dma2 semaphore(%arg21 : memref<!tpu.dma_semaphore, #tpu.memory_space<semaphore_mem>>) src(%dma_wait3A_283 : memref<8192xf32, #tpu.memory_space<hbm>>) dst(%arg12 : memref<8192xf32, #tpu.memory_space<vmem>>)
    %dma_wait3A_284 = tpu.memref_slice %arg3[%add3A_281] : memref<4194304xi32, #tpu.memory_space<hbm>> -> memref<8192xi32, #tpu.memory_space<hbm>>
    %dma_wait3A_285 = tpu.memref_slice %arg3[%add3A_281] : memref<4194304xi32, #tpu.memory_space<hbm>> -> memref<8192xi32, #tpu.memory_space<hbm>>
    tpu.wait_dma2 semaphore(%arg21 : memref<!tpu.dma_semaphore, #tpu.memory_space<semaphore_mem>>) src(%dma_wait3A_285 : memref<8192xi32, #tpu.memory_space<hbm>>) dst(%arg15 : memref<8192xi32, #tpu.memory_space<vmem>>)
    %add3A_286 = arith.constant 65536 : i32
    %add3A_287 = arith.addi %mul3A_2, %add3A_286 : i32
    %dma_wait3A_288 = tpu.memref_slice %arg6[%add3A_287] : memref<4194304xf32, #tpu.memory_space<hbm>> -> memref<8192xf32, #tpu.memory_space<hbm>>
    %dma_wait3A_289 = tpu.memref_slice %arg6[%add3A_287] : memref<4194304xf32, #tpu.memory_space<hbm>> -> memref<8192xf32, #tpu.memory_space<hbm>>
    tpu.wait_dma2 semaphore(%arg24 : memref<!tpu.dma_semaphore, #tpu.memory_space<semaphore_mem>>) src(%arg18 : memref<8192xf32, #tpu.memory_space<vmem>>) dst(%dma_wait3A_289 : memref<8192xf32, #tpu.memory_space<hbm>>)
    %parallel_loop3A_290 = arith.constant 0 : i32
    %parallel_loop3A_291 = arith.constant 8192 : i32
    %parallel_loop3A_292 = arith.constant 16 : i32
    scf.for %parallel_loop3A_389 = %parallel_loop3A_290 to %parallel_loop3A_291 step %parallel_loop3A_292  : i32 {
      %parallel_loop3A_390 = arith.index_cast %parallel_loop3A_389 : i32 to index
      %parallel_loop3A_391 = tpu.vector_load %arg15[%parallel_loop3A_390] {strides = array<i32>} : memref<8192xi32, #tpu.memory_space<vmem>>, vector<16xi32>,
      %parallel_loop3A_392 = arith.constant 1 : i32
      %parallel_loop3A_393 = vector.broadcast %parallel_loop3A_392 : i32 to vector<16xi32>
      %parallel_loop3A_394 = arith.subi %parallel_loop3A_391, %parallel_loop3A_393 : vector<16xi32>
      %parallel_loop3A_395 = tpu.vector_load_idx %arg9[%parallel_loop3A_394] : memref<1024xi32, #tpu.memory_space<vmem>>[vector<16xi32>], vector<16xi32>,
      %parallel_loop3A_396 = arith.constant -65536 : i32
      %parallel_loop3A_397 = vector.broadcast %parallel_loop3A_396 : i32 to vector<16xi32>
      %parallel_loop3A_398 = arith.andi %parallel_loop3A_395, %parallel_loop3A_397 : vector<16xi32>
      %parallel_loop3A_399 = vector.bitcast %parallel_loop3A_398 : vector<16xi32> to vector<16xf32>
      %parallel_loop3A_400 = arith.constant 16 : i32
      %parallel_loop3A_401 = vector.broadcast %parallel_loop3A_400 : i32 to vector<16xi32>
      %parallel_loop3A_402 = arith.shli %parallel_loop3A_395, %parallel_loop3A_401 : vector<16xi32>
      %parallel_loop3A_403 = vector.bitcast %parallel_loop3A_402 : vector<16xi32> to vector<16xf32>
      %parallel_loop3A_404 = arith.index_cast %parallel_loop3A_389 : i32 to index
      %parallel_loop3A_405 = tpu.vector_load %arg12[%parallel_loop3A_404] {strides = array<i32>} : memref<8192xf32, #tpu.memory_space<vmem>>, vector<16xf32>,
      %parallel_loop3A_406 = arith.mulf %parallel_loop3A_405, %parallel_loop3A_399 : vector<16xf32>
      %parallel_loop3A_407 = arith.addf %parallel_loop3A_406, %parallel_loop3A_403 : vector<16xf32>
      %parallel_loop3A_408 = arith.index_cast %parallel_loop3A_389 : i32 to index
      %parallel_loop3A_409 = tpu.vector_load %arg18[%parallel_loop3A_408] {strides = array<i32>} : memref<8192xf32, #tpu.memory_space<vmem>>, vector<16xf32>,
      tpu.vector_store %arg18[%parallel_loop3A_408], %parallel_loop3A_407 {strides = array<i32>} : memref<8192xf32, #tpu.memory_space<vmem>>, vector<16xf32>,
    } {sc.loop_unroll_factor = 4 : i64, sc.parallel_access}
    %add3A_293 = arith.constant 90112 : i32
    %add3A_294 = arith.addi %mul3A_2, %add3A_293 : i32
    %dma_start3A_295 = tpu.memref_slice %arg6[%add3A_294] : memref<4194304xf32, #tpu.memory_space<hbm>> -> memref<8192xf32, #tpu.memory_space<hbm>>
    %dma_start3A_296 = tpu.memref_slice %arg6[%add3A_294] : memref<4194304xf32, #tpu.memory_space<hbm>> -> memref<8192xf32, #tpu.memory_space<hbm>>
    tpu.enqueue_dma source(%arg18 : memref<8192xf32, #tpu.memory_space<vmem>>) target(%dma_start3A_296 : memref<8192xf32, #tpu.memory_space<hbm>>) target_semaphore(%arg24 : memref<!tpu.dma_semaphore, #tpu.memory_space<semaphore_mem>>)
    %add3A_297 = arith.constant 114688 : i32
    %add3A_298 = arith.addi %mul3A_2, %add3A_297 : i32
    %dma_start3A_299 = tpu.memref_slice %arg2[%add3A_298] : memref<4194304xf32, #tpu.memory_space<hbm>> -> memref<8192xf32, #tpu.memory_space<hbm>>
    %dma_start3A_300 = tpu.memref_slice %arg2[%add3A_298] : memref<4194304xf32, #tpu.memory_space<hbm>> -> memref<8192xf32, #tpu.memory_space<hbm>>
    tpu.enqueue_dma source(%dma_start3A_300 : memref<8192xf32, #tpu.memory_space<hbm>>) target(%arg12 : memref<8192xf32, #tpu.memory_space<vmem>>) target_semaphore(%arg21 : memref<!tpu.dma_semaphore, #tpu.memory_space<semaphore_mem>>)
    %dma_start3A_301 = tpu.memref_slice %arg3[%add3A_298] : memref<4194304xi32, #tpu.memory_space<hbm>> -> memref<8192xi32, #tpu.memory_space<hbm>>
    %dma_start3A_302 = tpu.memref_slice %arg3[%add3A_298] : memref<4194304xi32, #tpu.memory_space<hbm>> -> memref<8192xi32, #tpu.memory_space<hbm>>
    tpu.enqueue_dma source(%dma_start3A_302 : memref<8192xi32, #tpu.memory_space<hbm>>) target(%arg15 : memref<8192xi32, #tpu.memory_space<vmem>>) target_semaphore(%arg21 : memref<!tpu.dma_semaphore, #tpu.memory_space<semaphore_mem>>)
    %add3A_303 = arith.constant 98304 : i32
    %add3A_304 = arith.addi %mul3A_2, %add3A_303 : i32
    %dma_wait3A_305 = tpu.memref_slice %arg2[%add3A_304] : memref<4194304xf32, #tpu.memory_space<hbm>> -> memref<8192xf32, #tpu.memory_space<hbm>>
    %dma_wait3A_306 = tpu.memref_slice %arg2[%add3A_304] : memref<4194304xf32, #tpu.memory_space<hbm>> -> memref<8192xf32, #tpu.memory_space<hbm>>
    tpu.wait_dma2 semaphore(%arg19 : memref<!tpu.dma_semaphore, #tpu.memory_space<semaphore_mem>>) src(%dma_wait3A_306 : memref<8192xf32, #tpu.memory_space<hbm>>) dst(%arg10 : memref<8192xf32, #tpu.memory_space<vmem>>)
    %dma_wait3A_307 = tpu.memref_slice %arg3[%add3A_304] : memref<4194304xi32, #tpu.memory_space<hbm>> -> memref<8192xi32, #tpu.memory_space<hbm>>
    %dma_wait3A_308 = tpu.memref_slice %arg3[%add3A_304] : memref<4194304xi32, #tpu.memory_space<hbm>> -> memref<8192xi32, #tpu.memory_space<hbm>>
    tpu.wait_dma2 semaphore(%arg19 : memref<!tpu.dma_semaphore, #tpu.memory_space<semaphore_mem>>) src(%dma_wait3A_308 : memref<8192xi32, #tpu.memory_space<hbm>>) dst(%arg13 : memref<8192xi32, #tpu.memory_space<vmem>>)
    %add3A_309 = arith.constant 73728 : i32
    %add3A_310 = arith.addi %mul3A_2, %add3A_309 : i32
    %dma_wait3A_311 = tpu.memref_slice %arg6[%add3A_310] : memref<4194304xf32, #tpu.memory_space<hbm>> -> memref<8192xf32, #tpu.memory_space<hbm>>
    %dma_wait3A_312 = tpu.memref_slice %arg6[%add3A_310] : memref<4194304xf32, #tpu.memory_space<hbm>> -> memref<8192xf32, #tpu.memory_space<hbm>>
    tpu.wait_dma2 semaphore(%arg22 : memref<!tpu.dma_semaphore, #tpu.memory_space<semaphore_mem>>) src(%arg16 : memref<8192xf32, #tpu.memory_space<vmem>>) dst(%dma_wait3A_312 : memref<8192xf32, #tpu.memory_space<hbm>>)
    %parallel_loop3A_313 = arith.constant 0 : i32
    %parallel_loop3A_314 = arith.constant 8192 : i32
    %parallel_loop3A_315 = arith.constant 16 : i32
    scf.for %parallel_loop3A_389 = %parallel_loop3A_313 to %parallel_loop3A_314 step %parallel_loop3A_315  : i32 {
      %parallel_loop3A_390 = arith.index_cast %parallel_loop3A_389 : i32 to index
      %parallel_loop3A_391 = tpu.vector_load %arg13[%parallel_loop3A_390] {strides = array<i32>} : memref<8192xi32, #tpu.memory_space<vmem>>, vector<16xi32>,
      %parallel_loop3A_392 = arith.constant 1 : i32
      %parallel_loop3A_393 = vector.broadcast %parallel_loop3A_392 : i32 to vector<16xi32>
      %parallel_loop3A_394 = arith.subi %parallel_loop3A_391, %parallel_loop3A_393 : vector<16xi32>
      %parallel_loop3A_395 = tpu.vector_load_idx %arg9[%parallel_loop3A_394] : memref<1024xi32, #tpu.memory_space<vmem>>[vector<16xi32>], vector<16xi32>,
      %parallel_loop3A_396 = arith.constant -65536 : i32
      %parallel_loop3A_397 = vector.broadcast %parallel_loop3A_396 : i32 to vector<16xi32>
      %parallel_loop3A_398 = arith.andi %parallel_loop3A_395, %parallel_loop3A_397 : vector<16xi32>
      %parallel_loop3A_399 = vector.bitcast %parallel_loop3A_398 : vector<16xi32> to vector<16xf32>
      %parallel_loop3A_400 = arith.constant 16 : i32
      %parallel_loop3A_401 = vector.broadcast %parallel_loop3A_400 : i32 to vector<16xi32>
      %parallel_loop3A_402 = arith.shli %parallel_loop3A_395, %parallel_loop3A_401 : vector<16xi32>
      %parallel_loop3A_403 = vector.bitcast %parallel_loop3A_402 : vector<16xi32> to vector<16xf32>
      %parallel_loop3A_404 = arith.index_cast %parallel_loop3A_389 : i32 to index
      %parallel_loop3A_405 = tpu.vector_load %arg10[%parallel_loop3A_404] {strides = array<i32>} : memref<8192xf32, #tpu.memory_space<vmem>>, vector<16xf32>,
      %parallel_loop3A_406 = arith.mulf %parallel_loop3A_405, %parallel_loop3A_399 : vector<16xf32>
      %parallel_loop3A_407 = arith.addf %parallel_loop3A_406, %parallel_loop3A_403 : vector<16xf32>
      %parallel_loop3A_408 = arith.index_cast %parallel_loop3A_389 : i32 to index
      %parallel_loop3A_409 = tpu.vector_load %arg16[%parallel_loop3A_408] {strides = array<i32>} : memref<8192xf32, #tpu.memory_space<vmem>>, vector<16xf32>,
      tpu.vector_store %arg16[%parallel_loop3A_408], %parallel_loop3A_407 {strides = array<i32>} : memref<8192xf32, #tpu.memory_space<vmem>>, vector<16xf32>,
    } {sc.loop_unroll_factor = 4 : i64, sc.parallel_access}
    %add3A_316 = arith.constant 98304 : i32
    %add3A_317 = arith.addi %mul3A_2, %add3A_316 : i32
    %dma_start3A_318 = tpu.memref_slice %arg6[%add3A_317] : memref<4194304xf32, #tpu.memory_space<hbm>> -> memref<8192xf32, #tpu.memory_space<hbm>>
    %dma_start3A_319 = tpu.memref_slice %arg6[%add3A_317] : memref<4194304xf32, #tpu.memory_space<hbm>> -> memref<8192xf32, #tpu.memory_space<hbm>>
    tpu.enqueue_dma source(%arg16 : memref<8192xf32, #tpu.memory_space<vmem>>) target(%dma_start3A_319 : memref<8192xf32, #tpu.memory_space<hbm>>) target_semaphore(%arg22 : memref<!tpu.dma_semaphore, #tpu.memory_space<semaphore_mem>>)
    %add3A_320 = arith.constant 122880 : i32
    %add3A_321 = arith.addi %mul3A_2, %add3A_320 : i32
    %dma_start3A_322 = tpu.memref_slice %arg2[%add3A_321] : memref<4194304xf32, #tpu.memory_space<hbm>> -> memref<8192xf32, #tpu.memory_space<hbm>>
    %dma_start3A_323 = tpu.memref_slice %arg2[%add3A_321] : memref<4194304xf32, #tpu.memory_space<hbm>> -> memref<8192xf32, #tpu.memory_space<hbm>>
    tpu.enqueue_dma source(%dma_start3A_323 : memref<8192xf32, #tpu.memory_space<hbm>>) target(%arg10 : memref<8192xf32, #tpu.memory_space<vmem>>) target_semaphore(%arg19 : memref<!tpu.dma_semaphore, #tpu.memory_space<semaphore_mem>>)
    %dma_start3A_324 = tpu.memref_slice %arg3[%add3A_321] : memref<4194304xi32, #tpu.memory_space<hbm>> -> memref<8192xi32, #tpu.memory_space<hbm>>
    %dma_start3A_325 = tpu.memref_slice %arg3[%add3A_321] : memref<4194304xi32, #tpu.memory_space<hbm>> -> memref<8192xi32, #tpu.memory_space<hbm>>
    tpu.enqueue_dma source(%dma_start3A_325 : memref<8192xi32, #tpu.memory_space<hbm>>) target(%arg13 : memref<8192xi32, #tpu.memory_space<vmem>>) target_semaphore(%arg19 : memref<!tpu.dma_semaphore, #tpu.memory_space<semaphore_mem>>)
    %add3A_326 = arith.constant 106496 : i32
    %add3A_327 = arith.addi %mul3A_2, %add3A_326 : i32
    %dma_wait3A_328 = tpu.memref_slice %arg2[%add3A_327] : memref<4194304xf32, #tpu.memory_space<hbm>> -> memref<8192xf32, #tpu.memory_space<hbm>>
    %dma_wait3A_329 = tpu.memref_slice %arg2[%add3A_327] : memref<4194304xf32, #tpu.memory_space<hbm>> -> memref<8192xf32, #tpu.memory_space<hbm>>
    tpu.wait_dma2 semaphore(%arg20 : memref<!tpu.dma_semaphore, #tpu.memory_space<semaphore_mem>>) src(%dma_wait3A_329 : memref<8192xf32, #tpu.memory_space<hbm>>) dst(%arg11 : memref<8192xf32, #tpu.memory_space<vmem>>)
    %dma_wait3A_330 = tpu.memref_slice %arg3[%add3A_327] : memref<4194304xi32, #tpu.memory_space<hbm>> -> memref<8192xi32, #tpu.memory_space<hbm>>
    %dma_wait3A_331 = tpu.memref_slice %arg3[%add3A_327] : memref<4194304xi32, #tpu.memory_space<hbm>> -> memref<8192xi32, #tpu.memory_space<hbm>>
    tpu.wait_dma2 semaphore(%arg20 : memref<!tpu.dma_semaphore, #tpu.memory_space<semaphore_mem>>) src(%dma_wait3A_331 : memref<8192xi32, #tpu.memory_space<hbm>>) dst(%arg14 : memref<8192xi32, #tpu.memory_space<vmem>>)
    %add3A_332 = arith.constant 81920 : i32
    %add3A_333 = arith.addi %mul3A_2, %add3A_332 : i32
    %dma_wait3A_334 = tpu.memref_slice %arg6[%add3A_333] : memref<4194304xf32, #tpu.memory_space<hbm>> -> memref<8192xf32, #tpu.memory_space<hbm>>
    %dma_wait3A_335 = tpu.memref_slice %arg6[%add3A_333] : memref<4194304xf32, #tpu.memory_space<hbm>> -> memref<8192xf32, #tpu.memory_space<hbm>>
    tpu.wait_dma2 semaphore(%arg23 : memref<!tpu.dma_semaphore, #tpu.memory_space<semaphore_mem>>) src(%arg17 : memref<8192xf32, #tpu.memory_space<vmem>>) dst(%dma_wait3A_335 : memref<8192xf32, #tpu.memory_space<hbm>>)
    %parallel_loop3A_336 = arith.constant 0 : i32
    %parallel_loop3A_337 = arith.constant 8192 : i32
    %parallel_loop3A_338 = arith.constant 16 : i32
    scf.for %parallel_loop3A_389 = %parallel_loop3A_336 to %parallel_loop3A_337 step %parallel_loop3A_338  : i32 {
      %parallel_loop3A_390 = arith.index_cast %parallel_loop3A_389 : i32 to index
      %parallel_loop3A_391 = tpu.vector_load %arg14[%parallel_loop3A_390] {strides = array<i32>} : memref<8192xi32, #tpu.memory_space<vmem>>, vector<16xi32>,
      %parallel_loop3A_392 = arith.constant 1 : i32
      %parallel_loop3A_393 = vector.broadcast %parallel_loop3A_392 : i32 to vector<16xi32>
      %parallel_loop3A_394 = arith.subi %parallel_loop3A_391, %parallel_loop3A_393 : vector<16xi32>
      %parallel_loop3A_395 = tpu.vector_load_idx %arg9[%parallel_loop3A_394] : memref<1024xi32, #tpu.memory_space<vmem>>[vector<16xi32>], vector<16xi32>,
      %parallel_loop3A_396 = arith.constant -65536 : i32
      %parallel_loop3A_397 = vector.broadcast %parallel_loop3A_396 : i32 to vector<16xi32>
      %parallel_loop3A_398 = arith.andi %parallel_loop3A_395, %parallel_loop3A_397 : vector<16xi32>
      %parallel_loop3A_399 = vector.bitcast %parallel_loop3A_398 : vector<16xi32> to vector<16xf32>
      %parallel_loop3A_400 = arith.constant 16 : i32
      %parallel_loop3A_401 = vector.broadcast %parallel_loop3A_400 : i32 to vector<16xi32>
      %parallel_loop3A_402 = arith.shli %parallel_loop3A_395, %parallel_loop3A_401 : vector<16xi32>
      %parallel_loop3A_403 = vector.bitcast %parallel_loop3A_402 : vector<16xi32> to vector<16xf32>
      %parallel_loop3A_404 = arith.index_cast %parallel_loop3A_389 : i32 to index
      %parallel_loop3A_405 = tpu.vector_load %arg11[%parallel_loop3A_404] {strides = array<i32>} : memref<8192xf32, #tpu.memory_space<vmem>>, vector<16xf32>,
      %parallel_loop3A_406 = arith.mulf %parallel_loop3A_405, %parallel_loop3A_399 : vector<16xf32>
      %parallel_loop3A_407 = arith.addf %parallel_loop3A_406, %parallel_loop3A_403 : vector<16xf32>
      %parallel_loop3A_408 = arith.index_cast %parallel_loop3A_389 : i32 to index
      %parallel_loop3A_409 = tpu.vector_load %arg17[%parallel_loop3A_408] {strides = array<i32>} : memref<8192xf32, #tpu.memory_space<vmem>>, vector<16xf32>,
      tpu.vector_store %arg17[%parallel_loop3A_408], %parallel_loop3A_407 {strides = array<i32>} : memref<8192xf32, #tpu.memory_space<vmem>>, vector<16xf32>,
    } {sc.loop_unroll_factor = 4 : i64, sc.parallel_access}
    %add3A_339 = arith.constant 106496 : i32
    %add3A_340 = arith.addi %mul3A_2, %add3A_339 : i32
    %dma_start3A_341 = tpu.memref_slice %arg6[%add3A_340] : memref<4194304xf32, #tpu.memory_space<hbm>> -> memref<8192xf32, #tpu.memory_space<hbm>>
    %dma_start3A_342 = tpu.memref_slice %arg6[%add3A_340] : memref<4194304xf32, #tpu.memory_space<hbm>> -> memref<8192xf32, #tpu.memory_space<hbm>>
    tpu.enqueue_dma source(%arg17 : memref<8192xf32, #tpu.memory_space<vmem>>) target(%dma_start3A_342 : memref<8192xf32, #tpu.memory_space<hbm>>) target_semaphore(%arg23 : memref<!tpu.dma_semaphore, #tpu.memory_space<semaphore_mem>>)
    %add3A_343 = arith.constant 114688 : i32
    %add3A_344 = arith.addi %mul3A_2, %add3A_343 : i32
    %dma_wait3A_345 = tpu.memref_slice %arg2[%add3A_344] : memref<4194304xf32, #tpu.memory_space<hbm>> -> memref<8192xf32, #tpu.memory_space<hbm>>
    %dma_wait3A_346 = tpu.memref_slice %arg2[%add3A_344] : memref<4194304xf32, #tpu.memory_space<hbm>> -> memref<8192xf32, #tpu.memory_space<hbm>>
    tpu.wait_dma2 semaphore(%arg21 : memref<!tpu.dma_semaphore, #tpu.memory_space<semaphore_mem>>) src(%dma_wait3A_346 : memref<8192xf32, #tpu.memory_space<hbm>>) dst(%arg12 : memref<8192xf32, #tpu.memory_space<vmem>>)
    %dma_wait3A_347 = tpu.memref_slice %arg3[%add3A_344] : memref<4194304xi32, #tpu.memory_space<hbm>> -> memref<8192xi32, #tpu.memory_space<hbm>>
    %dma_wait3A_348 = tpu.memref_slice %arg3[%add3A_344] : memref<4194304xi32, #tpu.memory_space<hbm>> -> memref<8192xi32, #tpu.memory_space<hbm>>
    tpu.wait_dma2 semaphore(%arg21 : memref<!tpu.dma_semaphore, #tpu.memory_space<semaphore_mem>>) src(%dma_wait3A_348 : memref<8192xi32, #tpu.memory_space<hbm>>) dst(%arg15 : memref<8192xi32, #tpu.memory_space<vmem>>)
    %add3A_349 = arith.constant 90112 : i32
    %add3A_350 = arith.addi %mul3A_2, %add3A_349 : i32
    %dma_wait3A_351 = tpu.memref_slice %arg6[%add3A_350] : memref<4194304xf32, #tpu.memory_space<hbm>> -> memref<8192xf32, #tpu.memory_space<hbm>>
    %dma_wait3A_352 = tpu.memref_slice %arg6[%add3A_350] : memref<4194304xf32, #tpu.memory_space<hbm>> -> memref<8192xf32, #tpu.memory_space<hbm>>
    tpu.wait_dma2 semaphore(%arg24 : memref<!tpu.dma_semaphore, #tpu.memory_space<semaphore_mem>>) src(%arg18 : memref<8192xf32, #tpu.memory_space<vmem>>) dst(%dma_wait3A_352 : memref<8192xf32, #tpu.memory_space<hbm>>)
    %parallel_loop3A_353 = arith.constant 0 : i32
    %parallel_loop3A_354 = arith.constant 8192 : i32
    %parallel_loop3A_355 = arith.constant 16 : i32
    scf.for %parallel_loop3A_389 = %parallel_loop3A_353 to %parallel_loop3A_354 step %parallel_loop3A_355  : i32 {
      %parallel_loop3A_390 = arith.index_cast %parallel_loop3A_389 : i32 to index
      %parallel_loop3A_391 = tpu.vector_load %arg15[%parallel_loop3A_390] {strides = array<i32>} : memref<8192xi32, #tpu.memory_space<vmem>>, vector<16xi32>,
      %parallel_loop3A_392 = arith.constant 1 : i32
      %parallel_loop3A_393 = vector.broadcast %parallel_loop3A_392 : i32 to vector<16xi32>
      %parallel_loop3A_394 = arith.subi %parallel_loop3A_391, %parallel_loop3A_393 : vector<16xi32>
      %parallel_loop3A_395 = tpu.vector_load_idx %arg9[%parallel_loop3A_394] : memref<1024xi32, #tpu.memory_space<vmem>>[vector<16xi32>], vector<16xi32>,
      %parallel_loop3A_396 = arith.constant -65536 : i32
      %parallel_loop3A_397 = vector.broadcast %parallel_loop3A_396 : i32 to vector<16xi32>
      %parallel_loop3A_398 = arith.andi %parallel_loop3A_395, %parallel_loop3A_397 : vector<16xi32>
      %parallel_loop3A_399 = vector.bitcast %parallel_loop3A_398 : vector<16xi32> to vector<16xf32>
      %parallel_loop3A_400 = arith.constant 16 : i32
      %parallel_loop3A_401 = vector.broadcast %parallel_loop3A_400 : i32 to vector<16xi32>
      %parallel_loop3A_402 = arith.shli %parallel_loop3A_395, %parallel_loop3A_401 : vector<16xi32>
      %parallel_loop3A_403 = vector.bitcast %parallel_loop3A_402 : vector<16xi32> to vector<16xf32>
      %parallel_loop3A_404 = arith.index_cast %parallel_loop3A_389 : i32 to index
      %parallel_loop3A_405 = tpu.vector_load %arg12[%parallel_loop3A_404] {strides = array<i32>} : memref<8192xf32, #tpu.memory_space<vmem>>, vector<16xf32>,
      %parallel_loop3A_406 = arith.mulf %parallel_loop3A_405, %parallel_loop3A_399 : vector<16xf32>
      %parallel_loop3A_407 = arith.addf %parallel_loop3A_406, %parallel_loop3A_403 : vector<16xf32>
      %parallel_loop3A_408 = arith.index_cast %parallel_loop3A_389 : i32 to index
      %parallel_loop3A_409 = tpu.vector_load %arg18[%parallel_loop3A_408] {strides = array<i32>} : memref<8192xf32, #tpu.memory_space<vmem>>, vector<16xf32>,
      tpu.vector_store %arg18[%parallel_loop3A_408], %parallel_loop3A_407 {strides = array<i32>} : memref<8192xf32, #tpu.memory_space<vmem>>, vector<16xf32>,
    } {sc.loop_unroll_factor = 4 : i64, sc.parallel_access}
    %add3A_356 = arith.constant 114688 : i32
    %add3A_357 = arith.addi %mul3A_2, %add3A_356 : i32
    %dma_start3A_358 = tpu.memref_slice %arg6[%add3A_357] : memref<4194304xf32, #tpu.memory_space<hbm>> -> memref<8192xf32, #tpu.memory_space<hbm>>
    %dma_start3A_359 = tpu.memref_slice %arg6[%add3A_357] : memref<4194304xf32, #tpu.memory_space<hbm>> -> memref<8192xf32, #tpu.memory_space<hbm>>
    tpu.enqueue_dma source(%arg18 : memref<8192xf32, #tpu.memory_space<vmem>>) target(%dma_start3A_359 : memref<8192xf32, #tpu.memory_space<hbm>>) target_semaphore(%arg24 : memref<!tpu.dma_semaphore, #tpu.memory_space<semaphore_mem>>)
    %add3A_360 = arith.constant 122880 : i32
    %add3A_361 = arith.addi %mul3A_2, %add3A_360 : i32
    %dma_wait3A_362 = tpu.memref_slice %arg2[%add3A_361] : memref<4194304xf32, #tpu.memory_space<hbm>> -> memref<8192xf32, #tpu.memory_space<hbm>>
    %dma_wait3A_363 = tpu.memref_slice %arg2[%add3A_361] : memref<4194304xf32, #tpu.memory_space<hbm>> -> memref<8192xf32, #tpu.memory_space<hbm>>
    tpu.wait_dma2 semaphore(%arg19 : memref<!tpu.dma_semaphore, #tpu.memory_space<semaphore_mem>>) src(%dma_wait3A_363 : memref<8192xf32, #tpu.memory_space<hbm>>) dst(%arg10 : memref<8192xf32, #tpu.memory_space<vmem>>)
    %dma_wait3A_364 = tpu.memref_slice %arg3[%add3A_361] : memref<4194304xi32, #tpu.memory_space<hbm>> -> memref<8192xi32, #tpu.memory_space<hbm>>
    %dma_wait3A_365 = tpu.memref_slice %arg3[%add3A_361] : memref<4194304xi32, #tpu.memory_space<hbm>> -> memref<8192xi32, #tpu.memory_space<hbm>>
    tpu.wait_dma2 semaphore(%arg19 : memref<!tpu.dma_semaphore, #tpu.memory_space<semaphore_mem>>) src(%dma_wait3A_365 : memref<8192xi32, #tpu.memory_space<hbm>>) dst(%arg13 : memref<8192xi32, #tpu.memory_space<vmem>>)
    %add3A_366 = arith.constant 98304 : i32
    %add3A_367 = arith.addi %mul3A_2, %add3A_366 : i32
    %dma_wait3A_368 = tpu.memref_slice %arg6[%add3A_367] : memref<4194304xf32, #tpu.memory_space<hbm>> -> memref<8192xf32, #tpu.memory_space<hbm>>
    %dma_wait3A_369 = tpu.memref_slice %arg6[%add3A_367] : memref<4194304xf32, #tpu.memory_space<hbm>> -> memref<8192xf32, #tpu.memory_space<hbm>>
    tpu.wait_dma2 semaphore(%arg22 : memref<!tpu.dma_semaphore, #tpu.memory_space<semaphore_mem>>) src(%arg16 : memref<8192xf32, #tpu.memory_space<vmem>>) dst(%dma_wait3A_369 : memref<8192xf32, #tpu.memory_space<hbm>>)
    %parallel_loop3A_370 = arith.constant 0 : i32
    %parallel_loop3A_371 = arith.constant 8192 : i32
    %parallel_loop3A_372 = arith.constant 16 : i32
    scf.for %parallel_loop3A_389 = %parallel_loop3A_370 to %parallel_loop3A_371 step %parallel_loop3A_372  : i32 {
      %parallel_loop3A_390 = arith.index_cast %parallel_loop3A_389 : i32 to index
      %parallel_loop3A_391 = tpu.vector_load %arg13[%parallel_loop3A_390] {strides = array<i32>} : memref<8192xi32, #tpu.memory_space<vmem>>, vector<16xi32>,
      %parallel_loop3A_392 = arith.constant 1 : i32
      %parallel_loop3A_393 = vector.broadcast %parallel_loop3A_392 : i32 to vector<16xi32>
      %parallel_loop3A_394 = arith.subi %parallel_loop3A_391, %parallel_loop3A_393 : vector<16xi32>
      %parallel_loop3A_395 = tpu.vector_load_idx %arg9[%parallel_loop3A_394] : memref<1024xi32, #tpu.memory_space<vmem>>[vector<16xi32>], vector<16xi32>,
      %parallel_loop3A_396 = arith.constant -65536 : i32
      %parallel_loop3A_397 = vector.broadcast %parallel_loop3A_396 : i32 to vector<16xi32>
      %parallel_loop3A_398 = arith.andi %parallel_loop3A_395, %parallel_loop3A_397 : vector<16xi32>
      %parallel_loop3A_399 = vector.bitcast %parallel_loop3A_398 : vector<16xi32> to vector<16xf32>
      %parallel_loop3A_400 = arith.constant 16 : i32
      %parallel_loop3A_401 = vector.broadcast %parallel_loop3A_400 : i32 to vector<16xi32>
      %parallel_loop3A_402 = arith.shli %parallel_loop3A_395, %parallel_loop3A_401 : vector<16xi32>
      %parallel_loop3A_403 = vector.bitcast %parallel_loop3A_402 : vector<16xi32> to vector<16xf32>
      %parallel_loop3A_404 = arith.index_cast %parallel_loop3A_389 : i32 to index
      %parallel_loop3A_405 = tpu.vector_load %arg10[%parallel_loop3A_404] {strides = array<i32>} : memref<8192xf32, #tpu.memory_space<vmem>>, vector<16xf32>,
      %parallel_loop3A_406 = arith.mulf %parallel_loop3A_405, %parallel_loop3A_399 : vector<16xf32>
      %parallel_loop3A_407 = arith.addf %parallel_loop3A_406, %parallel_loop3A_403 : vector<16xf32>
      %parallel_loop3A_408 = arith.index_cast %parallel_loop3A_389 : i32 to index
      %parallel_loop3A_409 = tpu.vector_load %arg16[%parallel_loop3A_408] {strides = array<i32>} : memref<8192xf32, #tpu.memory_space<vmem>>, vector<16xf32>,
      tpu.vector_store %arg16[%parallel_loop3A_408], %parallel_loop3A_407 {strides = array<i32>} : memref<8192xf32, #tpu.memory_space<vmem>>, vector<16xf32>,
    } {sc.loop_unroll_factor = 4 : i64, sc.parallel_access}
    %add3A_373 = arith.constant 122880 : i32
    %add3A_374 = arith.addi %mul3A_2, %add3A_373 : i32
    %dma_start3A_375 = tpu.memref_slice %arg6[%add3A_374] : memref<4194304xf32, #tpu.memory_space<hbm>> -> memref<8192xf32, #tpu.memory_space<hbm>>
    %dma_start3A_376 = tpu.memref_slice %arg6[%add3A_374] : memref<4194304xf32, #tpu.memory_space<hbm>> -> memref<8192xf32, #tpu.memory_space<hbm>>
    tpu.enqueue_dma source(%arg16 : memref<8192xf32, #tpu.memory_space<vmem>>) target(%dma_start3A_376 : memref<8192xf32, #tpu.memory_space<hbm>>) target_semaphore(%arg22 : memref<!tpu.dma_semaphore, #tpu.memory_space<semaphore_mem>>)
    %add3A_377 = arith.constant 106496 : i32
    %add3A_378 = arith.addi %mul3A_2, %add3A_377 : i32
    %dma_wait3A_379 = tpu.memref_slice %arg6[%add3A_378] : memref<4194304xf32, #tpu.memory_space<hbm>> -> memref<8192xf32, #tpu.memory_space<hbm>>
    %dma_wait3A_380 = tpu.memref_slice %arg6[%add3A_378] : memref<4194304xf32, #tpu.memory_space<hbm>> -> memref<8192xf32, #tpu.memory_space<hbm>>
    tpu.wait_dma2 semaphore(%arg23 : memref<!tpu.dma_semaphore, #tpu.memory_space<semaphore_mem>>) src(%arg17 : memref<8192xf32, #tpu.memory_space<vmem>>) dst(%dma_wait3A_380 : memref<8192xf32, #tpu.memory_space<hbm>>)
    %add3A_381 = arith.constant 114688 : i32
    %add3A_382 = arith.addi %mul3A_2, %add3A_381 : i32
    %dma_wait3A_383 = tpu.memref_slice %arg6[%add3A_382] : memref<4194304xf32, #tpu.memory_space<hbm>> -> memref<8192xf32, #tpu.memory_space<hbm>>
    %dma_wait3A_384 = tpu.memref_slice %arg6[%add3A_382] : memref<4194304xf32, #tpu.memory_space<hbm>> -> memref<8192xf32, #tpu.memory_space<hbm>>
    tpu.wait_dma2 semaphore(%arg24 : memref<!tpu.dma_semaphore, #tpu.memory_space<semaphore_mem>>) src(%arg18 : memref<8192xf32, #tpu.memory_space<vmem>>) dst(%dma_wait3A_384 : memref<8192xf32, #tpu.memory_space<hbm>>)
    %add3A_385 = arith.constant 122880 : i32
    %add3A_386 = arith.addi %mul3A_2, %add3A_385 : i32
    %dma_wait3A_387 = tpu.memref_slice %arg6[%add3A_386] : memref<4194304xf32, #tpu.memory_space<hbm>> -> memref<8192xf32, #tpu.memory_space<hbm>>
    %dma_wait3A_388 = tpu.memref_slice %arg6[%add3A_386] : memref<4194304xf32, #tpu.memory_space<hbm>> -> memref<8192xf32, #tpu.memory_space<hbm>>
    tpu.wait_dma2 semaphore(%arg22 : memref<!tpu.dma_semaphore, #tpu.memory_space<semaphore_mem>>) src(%arg16 : memref<8192xf32, #tpu.memory_space<vmem>>) dst(%dma_wait3A_388 : memref<8192xf32, #tpu.memory_space<hbm>>)
    return
  }
}

</mosaic_0001>

<sc_bundles>
// kernel: kernel.3.cloned.1.call-start
scs
__scs_entry_jumppad:
0x0: {  	(pc) =	sbr.rel $0x88, $3  }
0x1: {  	(tag) =	ssettag $0x0;
	lr =	simm.s32 $0x1  }
0x2: {  	[smem:$0x3F9D] =	sst lr;
	_ =	strace $0xD0000000  }
0x3: {  	_ = 	snop  }
0x4: {  	_ = 	snop  }
0x5: {  	_ = 	snop  }
0x6: {  	_ = 	snop  }
0x7: {  	_ = 	snop  }
__scs_overlays_trampoline_lowered:
0x8: {  	[smem:$0x3FAC] =	sst s0  }
0x9: {  	[smem:$0x3FAD] =	sst s1  }
0xa: {  	[smem:$0x3FAE] =	sst s2  }
0xb: {  	[smem:$0x3FAF] =	sst s3  }
0xc: {  	[smem:$0x3FB0] =	sst s4  }
0xd: {  	[smem:$0x3FB1] =	sst s5  }
0xe: {  	[smem:$0x3FB2] =	sst s6  }
0xf: {  	[smem:$0x3FB3] =	sst s7  }
0x10: {  	[smem:$0x3FB4] =	sst s8  }
0x11: {  	[smem:$0x3FB5] =	sst s9;
	s0 =	simm.s32 @!p0 $0x0  }
0x12: {  	s1 =	sld [smem:$0x3F9B];
	s0 =	simm.s32 @p0 $0x1  }
0x13: {  	[smem:$0x3FB6] =	sst s0;
	s0 =	simm.s32 @!p1 $0x0  }
0x14: {  	s2 =	sld [smem:$0x3F9A];
	s0 =	simm.s32 @p1 $0x1  }
0x15: {  	[smem:$0x3FB7] =	sst s0;
	s0 =	simm.s32 @!p2 $0x0  }
0x16: {  	s3 =	sld [smem:$0x3FDB];
	s0 =	simm.s32 @p2 $0x1  }
0x17: {  	s4 =	simm.s32 $0x1BF5;
	[smem:$0x3FB9] =	sst s0  }
0x18: {  	s0 =	sld [smem:$0x3F9C];
	_ =	swait.ge [sflag:s4], $0x0  }
0x19: {  	s7 =	sld [smem:$0x3F9D]  }
0x1a: {  	s8 =	sadd.s32 $0xFFFFE003, lr  }
0x1b: {  	s9 =	sadd.s32 $0xFFFFFEF7, lr;
	s5 =	simm.s32 $0xFFFFFFFF;
	p2 =	slt.u32 s8, $0xFFFFF086  }
0x1c: {  	p1 =	slt.u32 s9, $0xF7A;
	s5 =	simm.s32 @!p2 $0x0  }
0x1d: {  	s5 =	simm.s32 @p1 $0x1;
	p0 =	seq.s32 s7, s2  }
0x1e: {  	s7 =	smul.u32 @!p0 $0xF7A, s2;
	p2 =	seq.s32 @!p0 s5, $0x0  }
0x1f: {  	s9 =	smul.u32 $0xF7A, s1;
	s8 =	simm.s32 @!p0 $0x1BF5;
	p2 =	por !p2, p0  }
0x20: {  	[sflag:s8] =	ssyncset.s32 @!p0 $0xFFFFF086;
	s6 =	sadd.s32 @!p0 s3, s7;
	s7 =	simm.s32 @!p0 $0x108  }
0x21: {  	s3 =	sadd.s32 s3, s9;
	s6 =	sadd.s32 @!p0 $0x88, s6;
	s7 =	simm.s32 @p2 $0x1082  }
0x22: {  	[simem:s7], [sflag:s8] =	dma.local @!p0 [hbm:s6], $0xF7A  }
0x23: {  	s9 =	sor.u32 $0xD0000000, s2;
	s6 =	simm.s32 $0x108;
	_ =	swait.ge @!p0 [sflag:s8], $0x0  }
0x24: {  	s3 =	sadd.s32 $0x88, s3;
	s6 =	simm.s32 @!p1 $0x1082;
	[sflag:s4] =	ssyncset.s32 $0xFFFFF086  }
0x25: {  	[simem:s6], [sflag:s4] =	dma.local [hbm:s3], $0xF7A  }
0x26: {  	[smem:$0x3F9D] =	sst s1;
	(tag) =	ssettag s2;
	_ =	strace s9  }
0x27: {  	s1 =	sld [smem:$0x3FAD]  }
0x28: {  	s2 =	sld [smem:$0x3FAE]  }
0x29: {  	s4 =	sld [smem:$0x3FB0]  }
0x2a: {  	p0 =	seq.s32 s5, $0x0;
	s5 =	sld [smem:$0x3FB1]  }
0x2b: {  	s6 =	sld [smem:$0x3FB2]  }
0x2c: {  	s7 =	sld [smem:$0x3FB3]  }
0x2d: {  	s3 =	simm.s32 $0x108;
	s8 =	sld [smem:$0x3FB4]  }
0x2e: {  	s3 =	simm.s32 @!p0 $0x1082;
	s9 =	sld [smem:$0x3FB5]  }
0x2f: {  	lr =	sadd.s32 s0, s3;
	s0 =	sld [smem:$0x3FAC]  }
0x30: {  	s3 =	sld [smem:$0x3FAF]  }
0x31: {  	[smem:$0x3FB8] =	sst s10  }
0x32: {  	s10 =	sld [smem:$0x3FB6];
	_ =	sdelay $0x3  }
0x33: {  	p0 =	seq.s32 s10, $0x1;
	s10 =	sld [smem:$0x3FB8];
	_ =	sdelay $0x3  }
0x34: {  	[smem:$0x3FB8] =	sst s10  }
0x35: {  	s10 =	sld [smem:$0x3FB7];
	_ =	sdelay $0x3  }
0x36: {  	p1 =	seq.s32 s10, $0x1;
	s10 =	sld [smem:$0x3FB8];
	_ =	sdelay $0x3  }
0x37: {  	[smem:$0x3FB8] =	sst s10  }
0x38: {  	s10 =	sld [smem:$0x3FB9]  }
0x39: {  	_ = 	snop;
	(pc) =	sbr.ind lr, $3  }
0x3a: {  	_ = 	snop  }
0x3b: {  	_ = 	snop  }
0x3c: {  	p2 =	seq.s32 s10, $0x1;
	s10 =	sld [smem:$0x3FB8]  }
0x3d: {  	_ =	shalt  }
0x3e: {  	_ =	shalt  }
0x3f: {  	_ =	shalt  }
0x40: {  	_ =	shalt  }
0x41: {  	_ =	shalt  }
0x42: {  	_ =	shalt  }
0x43: {  	_ =	shalt  }
0x44: {  	_ =	shalt  }
0x45: {  	_ =	shalt  }
0x46: {  	_ =	shalt  }
0x47: {  	_ =	shalt  }
0x48: {  	_ =	shalt  }
0x49: {  	_ =	shalt  }
0x4a: {  	_ =	shalt  }
0x4b: {  	_ =	shalt  }
0x4c: {  	_ =	shalt  }
0x4d: {  	_ =	shalt  }
0x4e: {  	_ =	shalt  }
0x4f: {  	_ =	shalt  }
0x50: {  	_ =	shalt  }
0x51: {  	_ =	shalt  }
0x52: {  	_ =	shalt  }
0x53: {  	_ =	shalt  }
0x54: {  	_ =	shalt  }
0x55: {  	_ =	shalt  }
0x56: {  	_ =	shalt  }
0x57: {  	_ =	shalt  }
0x58: {  	_ =	shalt  }
0x59: {  	_ =	shalt  }
0x5a: {  	_ =	shalt  }
0x5b: {  	_ =	shalt  }
0x5c: {  	_ =	shalt  }
0x5d: {  	_ =	shalt  }
0x5e: {  	_ =	shalt  }
0x5f: {  	_ =	shalt  }
0x60: {  	_ =	shalt  }
0x61: {  	_ =	shalt  }
0x62: {  	_ =	shalt  }
0x63: {  	_ =	shalt  }
0x64: {  	_ =	shalt  }
0x65: {  	_ =	shalt  }
0x66: {  	_ =	shalt  }
0x67: {  	_ =	shalt  }
0x68: {  	_ =	shalt  }
0x69: {  	_ =	shalt  }
0x6a: {  	_ =	shalt  }
0x6b: {  	_ =	shalt  }
0x6c: {  	_ =	shalt  }
0x6d: {  	_ =	shalt  }
0x6e: {  	_ =	shalt  }
0x6f: {  	_ =	shalt  }
0x70: {  	_ =	shalt  }
0x71: {  	_ =	shalt  }
0x72: {  	_ =	shalt  }
0x73: {  	_ =	shalt  }
0x74: {  	_ =	shalt  }
0x75: {  	_ =	shalt  }
0x76: {  	_ =	shalt  }
0x77: {  	_ =	shalt  }
0x78: {  	_ =	shalt  }
0x79: {  	_ =	shalt  }
0x7a: {  	_ =	shalt  }
0x7b: {  	_ =	shalt  }
0x7c: {  	_ =	shalt  }
0x7d: {  	_ =	shalt  }
0x7e: {  	_ =	shalt  }
0x7f: {  	_ =	shalt  }
0x80: {  	_ =	shalt  }
0x81: {  	_ =	shalt  }
0x82: {  	_ =	shalt  }
0x83: {  	_ =	shalt  }
0x84: {  	_ =	shalt  }
0x85: {  	_ =	shalt  }
0x86: {  	_ =	shalt  }
0x87: {  	_ =	shalt  }
.Lfunc_end0:
.L_simem_size_0:
called_computation_lowered:
.L_overlay_start_0:
0x88: {  	s2 =	sld [smem:$0x3FD9]  }
0x89: {  	s3 =	sld [smem:$0x3FFE];
	_ =	sdelay $0x1  }
0x8a: {  	s1 =	srdreg.scid  }
0x8b: {  	s0 =	sand.u32 $0x1, s1  }
0x8c: {  	s18 =	sshll.u32 s0, $0xA;
	s2 =	sadd.s32 s3, s2  }
0x8d: {  	s2 =	sadd.s32 s2, s18  }
0x8e: {  	[smem:$0x3FC4] =	sst s2  }
0x8f: {  	_ = 	snop  }
0x90: {  	s2 =	sld [smem:$0x3FC9]  }
0x91: {  	s19 =	sld [smem:$0x3FC8]  }
0x92: {  	s4 =	sld [smem:$0x3FC7]  }
0x93: {  	s5 =	sld [smem:$0x3FC6]  }
0x94: {  	s6 =	sld [smem:$0x3FD0];
	(tm) =	ssettm $0x1  }
0x95: {  	s7 =	sld [smem:$0x3FFB];
	_ =	sdelay $0x3  }
0x96: {  	_ =	strace s7  }
0x97: {  	s7 =	sld [smem:$0x3FFC];
	_ =	sdelay $0x3  }
0x98: {  	_ =	strace s7  }
0x99: {  	s7 =	sld [smem:$0x3FFD];
	_ =	sdelay $0x3  }
0x9a: {  	_ =	strace s7  }
0x9b: {  	_ =	strace $0x8FFFFFFF  }
0x9c: {  	s20 =	sld [smem:$0x3FDB];
	_ =	sdelay $0x1  }
0x9d: {  	s8 =	simm.s32 $_scs_section_size  }
0x9e: {  	s9 =	simm.s32 $_size__tile_overlayer_lowered;
	s10 =	simm.s32 $_tile_overlayer_lowered  }
0x9f: {  	s23 =	simm.s32 $0x1BFF;
	s22 =	sshll.u32 s10, $0x1;
	s7 =	sadd.s32 s8, s20  }
0xa0: {  	s11 =	simm.s32 $0x0;
	s21 =	sshll.u32 s9, $0x1;
	s9 =	sadd.s32 s22, s7  }
0xa1: {  	[timem:s11], [sflag:s23] =	dma.local [hbm:s9], s21  }
0xa2: {  	_ =	swait.ge [sflag:s23], s21  }
0xa3: {  	s8 =	ssub.s32 $0x0, s21;
	[sflag:s23] =	ssyncset.done $0x0  }
0xa4: {  	[sflag:s23] =	ssyncadd.s32 s8;
	_ =	sdelay $0x1  }
0xa5: {  	s24 =	simm.s32 $0x1B8B  }
0xa6: {  	_ =	swait.ge [sflag:s24], $0x1  }
0xa7: {  	[sflag:s24] =	ssyncset.done $0x0  }
0xa8: {  	s25 =	simm.s32 $0x1B8E;
	[sflag:s24] =	ssyncadd.s32 $0xFFFFFFFF  }
0xa9: {  	s26 =	simm.s32 $execute0_lowered;
	[smem:$0x3FD2] =	sst s25  }
0xaa: {  	s8 =	sshll.u32 s26, $0x1;
	_ =	strace $0x80000046;
	[dreg:$0x1] =	wrdreg $0xFFFFFFFF  }
0xab: {  	s28 =	simm.s32 $_size_execute0_lowered;
	s7 =	sadd.s32 s7, s8;
	[dreg:$0x0] =	wrdreg $0x0  }
0xac: {  	s8 =	sshll.u32 s28, $0x1;
	[dreg:$0x2] =	wrdreg s7  }
0xad: {  	[dreg:$0x3] =	wrdreg s8  }
0xae: {  	[dreg:$0x4] =	wrdreg $0xC0  }
0xaf: {  	_ =	task [dreg:s11], $0x5FFFF  }
0xb0: {  	[dreg:$0x1] =	wrdreg $0xFFFFFFFF  }
0xb1: {  	[dreg:$0x0] =	wrdreg $0x60  }
0xb2: {  	[dreg:$0x2] =	wrdreg s2  }
0xb3: {  	[dreg:$0x3] =	wrdreg s19  }
0xb4: {  	[dreg:$0x4] =	wrdreg s4  }
0xb5: {  	[dreg:$0x5] =	wrdreg s5  }
0xb6: {  	[dreg:$0x6] =	wrdreg s6  }
0xb7: {  	[dreg:$0x7] =	wrdreg $0x9  }
0xb8: {  	_ =	task.clear_ibuf [dreg:s11], $0x8FFFF;
	_ =	strace $0x90000046  }
0xb9: {  	s29 =	simm.s32 $0x9;
	_ =	strace $0x80000048  }
0xba: {  	_ =	swait.ge [sflag:s29], $0x1  }
0xbb: {  	[sflag:s29] =	ssyncadd.s32 $0xFFFFFFFF  }
0xbc: {  	_ =	strace $0x90000048  }
0xbd: {  	_ =	sfence  }
0xbe: {  	s30 =	sld [smem:$0x0];
	_ =	sdelay $0x2  }
0xbf: {  	s31 =	sshll.u32 s1, $0xD;
	s1 =	sshrl.u32 s1, $0x2  }
0xc0: {  	s3 =	sand.u32 $0x4000, s31;
	s1 =	sadd.s32 s1, s30  }
0xc1: {  	s0 =	sor.u32 s3, s0;
	s1 =	sshll.u32 s1, $0x11  }
0xc2: {  	s0 =	sor.u32 s1, s0  }
0xc3: {  	s0 =	sadd.s32 $0x8F2B, s0  }
0xc4: {  	[sflag:s0] =	ssyncadd.remote.s32 $0x1  }
0xc5: {  	_ =	sfence.sel $0xFFFF  }
0xc6: {  	[dreg:$0x0] =	wrdreg $0xFFFFFFFF;
	(pc) =	sbr.abs _section_cstart, $3  }
0xc7: {  	[dreg:$0x1] =	wrdreg $0xFFFFFFFF  }
0xc8: {  	_ =	task.clear_ibuf [dreg:s11], $0x2FFFF;
	_ =	strace $0x9FFFFFFF  }
0xc9: {  	(tm) =	ssettm $0x7FFFFFFF  }
tec
execute0_lowered:
.L_overlay_start_1:
0x0: {  	(tag) =	ssettag $0x1  }
0x1: {  	s0 =	srdreg.scid  }
0x2: {  	s1 =	stileid.u32;
	s4 =	sand.u32 $0x1, s0  }
0x3: {  	s3 =	rddreg [dreg:$0x0];
	s5 =	sshll.u32 s1, $0xF;
	s6 =	sshll.u32 s4, $0xE  }
0x4: {  	s2 =	rddreg [dreg:$0x1];
	s5 =	sor.u32 s6, s5  }
0x5: {  	s0 =	rddreg [dreg:$0x4];
	s1 =	simm.s32 $0x0;
	s7 =	sor.u32 $0x400, s5  }
0x6: {  	[smem:$0x7FF] =	sst s1;
	s21 =	sadd.s32 s3, s7  }
0x7: {  	s22 =	sor.u32 $0x800, s5;
	s8 =	sadd.s32 s2, s7;
	[dreg:$0x6] =	wrdreg s21  }
0x8: {  	s23 =	sadd.s32 s3, s22;
	[dreg:$0x7] =	wrdreg s8  }
0x9: {  	s24 =	sor.u32 $0xC00, s5;
	s9 =	sadd.s32 s2, s22;
	[dreg:$0x8] =	wrdreg s23  }
0xa: {  	s25 =	sadd.s32 s3, s24;
	[dreg:$0x9] =	wrdreg s9  }
0xb: {  	s10 =	sadd.s32 s2, s24;
	[dreg:$0xa] =	wrdreg s25  }
0xc: {  	s26 =	sor.u32 $0x1000, s5;
	s7 =	sadd.s32 s0, s7;
	[dreg:$0xb] =	wrdreg s10  }
0xd: {  	s11 =	sadd.s32 s2, s26;
	[dreg:$0xc] =	wrdreg s7  }
0xe: {  	s12 =	sor.u32 $0x1400, s5;
	s6 =	sadd.s32 s0, s22;
	[dreg:$0xe] =	wrdreg s11  }
0xf: {  	s13 =	sadd.s32 s3, s12;
	[dreg:$0xf] =	wrdreg s6  }
0x10: {  	s15 =	sor.u32 $0x1800, s5;
	s14 =	sadd.s32 s2, s12;
	[dreg:$0x10] =	wrdreg s13  }
0x11: {  	s16 =	sadd.s32 s3, s15;
	[dreg:$0x11] =	wrdreg s14  }
0x12: {  	s4 =	ssub.s32 $0x2, s4;
	s17 =	sadd.s32 s2, s15;
	[dreg:$0x13] =	wrdreg s16  }
0x13: {  	s20 =	sshrl.u32 s4, $0x1;
	s18 =	sadd.s32 s0, s26;
	[dreg:$0x14] =	wrdreg s17  }
0x14: {  	s4 =	ssub.s32 s4, s20;
	s20 =	sadd.s32 s0, s15;
	[dreg:$0x15] =	wrdreg s18  }
0x15: {  	s10 =	sadd.s32 s3, s26;
	[dreg:$0x17] =	wrdreg s20  }
0x16: {  	s8 =	sadd.s32 s0, s24;
	[dreg:$0xd] =	wrdreg s10  }
0x17: {  	s19 =	sor.u32 $0x1C00, s5;
	s6 =	sadd.s32 s0, s12;
	[dreg:$0x12] =	wrdreg s8  }
0x18: {  	s21 =	sadd.s32 s3, s19;
	[dreg:$0x16] =	wrdreg s6  }
0x19: {  	s28 =	simm.s32 $0xAC00;
	s23 =	sadd.s32 s2, s19;
	[dreg:$0x18] =	wrdreg s21  }
0x1a: {  	s22 =	sor.u32 $0x2000, s5;
	s24 =	sadd.s32 s0, s19;
	[dreg:$0x19] =	wrdreg s23  }
0x1b: {  	s29 =	simm.s32 $0x1;
	s25 =	sadd.s32 s3, s22;
	[dreg:$0x1a] =	wrdreg s24  }
0x1c: {  	s30 =	simm.s32 $0x800;
	s26 =	sadd.s32 s2, s22;
	[dreg:$0x1b] =	wrdreg s25  }
0x1d: {  	s31 =	simm.s32 $0xCC00;
	s20 =	sadd.s32 s3, s5;
	[dreg:$0x1c] =	wrdreg s26  }
0x1e: {  	s11 =	sor.u32 $0x2800, s5;
	s6 =	sadd.s32 s0, s22;
	[smem:$0x7F8] =	sst s20  }
0x1f: {  	s13 =	sor.u32 $0x2C00, s5;
	s12 =	sadd.s32 s3, s11;
	[dreg:$0x1d] =	wrdreg s6  }
0x20: {  	s17 =	sor.u32 $0x3000, s5;
	s14 =	sadd.s32 s2, s11;
	[smem:$0x7EF] =	sst s12  }
0x21: {  	s8 =	sor.u32 $0x2400, s5;
	s7 =	sadd.s32 s0, s11;
	[smem:$0x7F0] =	sst s14  }
0x22: {  	s15 =	sadd.s32 s3, s13;
	s16 =	sadd.s32 s2, s13;
	[smem:$0x7F1] =	sst s7  }
0x23: {  	s18 =	sadd.s32 s3, s17;
	s19 =	sadd.s32 s2, s17;
	[smem:$0x7F2] =	sst s15  }
0x24: {  	s21 =	sadd.s32 s2, s5;
	s22 =	sadd.s32 s0, s5;
	[smem:$0x7F3] =	sst s16  }
0x25: {  	s23 =	sor.u32 $0x3400, s5;
	s24 =	sor.u32 $0x3800, s5;
	[smem:$0x7F5] =	sst s18  }
0x26: {  	s5 =	sor.u32 $0x3C00, s5;
	s20 =	smax.u32 s4, $0x1;
	[smem:$0x7F6] =	sst s19  }
0x27: {  	s4 =	simm.s32 $0x10C00;
	s9 =	sadd.s32 s3, s8;
	[smem:$0x7F9] =	sst s21  }
0x28: {  	s10 =	sadd.s32 s2, s8;
	s6 =	sadd.s32 s0, s8;
	[smem:$0x7FA] =	sst s22  }
0x29: {  	s25 =	sadd.s32 s3, s23;
	s26 =	sadd.s32 s3, s24;
	s3 =	sadd.s32 s3, s5  }
0x2a: {  	s14 =	sadd.s32 s2, s23;
	s15 =	sadd.s32 s2, s24;
	s16 =	sadd.s32 s2, s5  }
0x2b: {  	s18 =	sadd.s32 s0, s24;
	s19 =	sadd.s32 s0, s5;
	[dreg:$0x1e] =	wrdreg s9  }
0x2c: {  	s21 =	simm.s32 $0xC00;
	s22 =	simm.s32 $0x6C00;
	[dreg:$0x1f] =	wrdreg s10  }
0x2d: {  	s24 =	simm.s32 $0x8C00;
	s2 =	simm.s32 $0xEC00;
	[smem:$0x7EE] =	sst s6  }
0x2e: {  	s5 =	simm.s32 $0x4;
	s7 =	simm.s32 $0x6;
	[smem:$0x7FB] =	sst s25  }
0x2f: {  	s8 =	simm.s32 $0x0;
	s6 =	sadd.s32 s0, s13;
	[smem:$0x7FC] =	sst s26  }
0x30: {  	[smem:$0x7FD] =	sst s3;
	s25 =	simm.s32 $0x7;
	s26 =	simm.s32 $0x4C00  }
0x31: {  	s3 =	simm.s32 $0x3;
	[smem:$0x7F4] =	sst s6;
	s6 =	sadd.s32 s0, s17  }
0x32: {  	s17 =	sadd.s32 s0, s23;
	s23 =	simm.s32 $0x2C00;
	[smem:$0x7F7] =	sst s6  }
0x33: {  	s0 =	simm.s32 $0x2;
	s6 =	simm.s32 $0x5;
	_ =	strace $0x80000047  }
.LBB2_1:
0x34: {  	s9 =	sld [smem:$0x7F8];
	_ =	sdelay $0x1  }
0x35: {  	s13 =	sld [smem:$0x7F9]  }
0x36: {  	[tilespmem:s21], [sflag:$0x1] =	stream.linear.gather [hbm4b:s9+s1], $0x2000, $0x38;
	[tilespmem:$0x12C00] =	vst v63  }
0x37: {  	_ = 	snop  }
0x38: {  	[tilespmem:s22], [sflag:$0x1] =	stream.linear.gather [hbm4b:s13+s1], $0x2000, $0x38;
	[tilespmem:$0x12C00] =	vst v63  }
0x39: {  	s10 =	rddreg [dreg:$0x6]  }
0x3a: {  	[tilespmem:s23], [sflag:$0x2] =	stream.linear.gather [hbm4b:s10+s1], $0x2000, $0x38;
	[tilespmem:$0x12C00] =	vst v63  }
0x3b: {  	s11 =	rddreg [dreg:$0x7]  }
0x3c: {  	[tilespmem:s24], [sflag:$0x2] =	stream.linear.gather [hbm4b:s11+s1], $0x2000, $0x38;
	[tilespmem:$0x12C00] =	vst v63  }
0x3d: {  	s12 =	rddreg [dreg:$0x2]  }
0x3e: {  	[tilespmem:s1], [sflag:$0x7] =	stream.linear.gather [hbm4b:s12+s1], $0x3E8, $0x38;
	[tilespmem:$0x12C00] =	vst v63  }
0x3f: {  	s13 =	rddreg [dreg:$0x3];
	s10 =	simm.s32 $0x400  }
0x40: {  	[tilespmem:s10], [sflag:$0x7] =	stream.linear.gather [hbm4b:s13+s1], $0x3E8, $0x38;
	[tilespmem:$0x12C00] =	vst v63  }
0x41: {  	_ =	swait.ge [sflag:s25], $0x3E8  }
0x42: {  	[sflag:s25] =	ssyncset.done $0x0  }
0x43: {  	[sflag:s25] =	ssyncadd.s32 $0xFFFFFC18  }
0x44: {  	_ =	swait.ge [sflag:s25], $0x3E8  }
0x45: {  	[sflag:s25] =	ssyncset.done $0x0  }
0x46: {  	s11 =	simm.s32 $0x0;
	[sflag:s25] =	ssyncadd.s32 $0xFFFFFC18  }
0x47: {  	v0 =	vld [tilespmem:s11+$0x400];
	_ =	sdelay $0x4  }
0x48: {  	(erf) = vrcp.f32 v0;
	_ =	sdelay $0x2  }
0x49: {  	s9 =	simm.s32 $0x10  }
0x4a: {  	v2 =	vld [tilespmem:s9+$0x400];
	_ =	sdelay $0x3  }
0x4b: {  	v3 =	vld [tilespmem:s11+$0x0]  }
0x4c: {  	s10 =	simm.s32 $0x20;
	v0 =	vpop (erf);
	(erf) = vrcp.f32 v2  }
0x4d: {  	v1 =	vld [tilespmem:s10+$0x400];
	_ =	sdelay $0x2  }
0x4e: {  	v3 =	vmul.f32 v0, v3  }
0x4f: {  	s12 =	simm.s32 $0xC0;
	v2 =	vld [tilespmem:s9+$0x0]  }
.LBB2_2:
0x50: {  	s13 =	sshra.s32 s12, $0x2;
	p0 =	sne.s32 s12, $0xF80;
	s12 =	sadd.s32 $0x40, s12;
	(erf) = vrcp.f32 v1;
	v3 =	vsub.f32 $0.0e+00, v3  }
.Ltmp0:
0x51: {  	v1 =	vld [tilespmem:s13+$0x400];
	(pc) =	sbr.rel @p0 .LBB2_2-.Ltmp0, $4  }
0x52: {  	v4 =	vadd.s32 $0x8000, v0;
	v3 =	vadd.s32 $0x8000, v3  }
0x53: {  	v4 =	vand.u32 $0xFFFF0000, v4;
	v0 =	vpop (erf);
	v5 =	vshrl.u32 v3, $0x10  }
0x54: {  	v3 =	vmul.f32 v0, v2;
	v4 =	vor.u32 v4, v5  }
0x55: {  	v2 =	vld [tilespmem:s10+$0x0];
	[tilespmem:s11+$0x800] =	vst v4;
	s11 =	smov.u32 s9;
	s9 =	smov.u32 s10;
	s10 =	smov.u32 s13  }
0x56: {  	(erf) = vrcp.f32 v1;
	_ =	sdelay $0x4  }
0x57: {  	v1 =	vld [tilespmem:s10+$0x0];
	_ =	sdelay $0x2  }
0x58: {  	v4 =	vpop (erf)  }
0x59: {  	v3 =	vsub.f32 $0.0e+00, v3;
	v2 =	vmul.f32 v4, v2;
	v5 =	vpop (erf)  }
0x5a: {  	v0 =	vadd.s32 $0x8000, v0;
	v1 =	vmul.f32 v5, v1  }
0x5b: {  	v0 =	vand.u32 $0xFFFF0000, v0;
	v3 =	vadd.s32 $0x8000, v3;
	v2 =	vsub.f32 $0.0e+00, v2  }
0x5c: {  	v3 =	vshrl.u32 v3, $0x10;
	v4 =	vadd.s32 $0x8000, v4;
	v1 =	vsub.f32 $0.0e+00, v1  }
0x5d: {  	v0 =	vor.u32 v0, v3;
	v3 =	vand.u32 $0xFFFF0000, v4;
	v2 =	vadd.s32 $0x8000, v2  }
0x5e: {  	v2 =	vshrl.u32 v2, $0x10;
	v4 =	vadd.s32 $0x8000, v5;
	v1 =	vadd.s32 $0x8000, v1  }
0x5f: {  	[tilespmem:s11+$0x800] =	vst v0;
	v0 =	vor.u32 v3, v2;
	v2 =	vand.u32 $0xFFFF0000, v4;
	v1 =	vshrl.u32 v1, $0x10  }
0x60: {  	[tilespmem:s9+$0x800] =	vst v0;
	v0 =	vor.u32 v2, v1  }
0x61: {  	s13 =	rddreg [dreg:$0x8];
	[tilespmem:s10+$0x800] =	vst v0  }
0x62: {  	[tilespmem:s26], [sflag:$0x3] =	stream.linear.gather [hbm4b:s13+s1], $0x2000, $0x38;
	[tilespmem:$0x12C00] =	vst v63  }
0x63: {  	s10 =	rddreg [dreg:$0x9]  }
0x64: {  	[tilespmem:s28], [sflag:$0x3] =	stream.linear.gather [hbm4b:s10+s1], $0x2000, $0x38;
	[tilespmem:$0x12C00] =	vst v63  }
0x65: {  	_ =	swait.ge [sflag:s29], $0x2000  }
0x66: {  	[sflag:s29] =	ssyncset.done $0x0  }
0x67: {  	[sflag:s29] =	ssyncadd.s32 $0xFFFFE000  }
0x68: {  	_ =	swait.ge [sflag:s29], $0x2000  }
0x69: {  	[sflag:s29] =	ssyncset.done $0x0  }
0x6a: {  	s11 =	simm.s32 $0x6C20;
	[sflag:s29] =	ssyncadd.s32 $0xFFFFE000  }
0x6b: {  	v0 =	vld [tilespmem:s11+$0x10];
	_ =	sdelay $0x2  }
0x6c: {  	v1 =	vld [tilespmem:s11+$0xFFFFFFE0]  }
0x6d: {  	v2 =	vld [tilespmem:s11+$0xFFFFFFF0]  }
0x6e: {  	v0 =	vadd.s32 $0xFFFFFFFF, v0  }
0x6f: {  	s12 =	simm.s32 $0xC20;
	v3 =	vld [tilespmem:s11+$0x0]  }
0x70: {  	s13 =	simm.s32 $0x6C60;
	v4 =	vld [tilespmem:s12+$0x10]  }
0x71: {  	v5 =	vld [tilespmem:s13+$0x10];
	v1 =	vadd.s32 $0xFFFFFFFF, v1  }
0x72: {  	v6 =	vld [tilespmem:s13+$0xFFFFFFF0];
	v2 =	vadd.s32 $0xFFFFFFFF, v2  }
0x73: {  	v0 =	vld.idx.msk [tilespmem:v0+s30+$0x0], $0xffff  }
0x74: {  	v7 =	vld [tilespmem:s13+$0x0];
	v3 =	vadd.s32 $0xFFFFFFFF, v3  }
0x75: {  	v9 =	vld [tilespmem:s13+$0xFFFFFFE0]  }
0x76: {  	v10 =	vld.idx.msk [tilespmem:v1+s30+$0x0], $0xffff  }
0x77: {  	v1 =	vadd.s32 $0xFFFFFFFF, v5;
	v13 =	vld.idx.msk [tilespmem:v2+s30+$0x0], $0xffff  }
0x78: {  	v8 =	vld [tilespmem:s12+$0xFFFFFFE0];
	v5 =	vand.u32 $0xFFFF0000, v0  }
0x79: {  	v2 =	vld.idx.msk [tilespmem:v3+s30+$0x0], $0xffff;
	v3 =	vmul.f32 v5, v4  }
0x7a: {  	v4 =	vshll.u32 v0, $0x10;
	v5 =	vld [tilespmem:s12+$0xFFFFFFF0]  }
0x7b: {  	v0 =	vadd.s32 $0xFFFFFFFF, v6;
	v6 =	vadd.f32 v4, v3;
	v4 =	vld [tilespmem:s12+$0x0]  }
0x7c: {  	s9 =	simm.s32 $0xCC20;
	s10 =	simm.s32 $0xC60;
	v1 =	vld.idx.msk [tilespmem:v1+s30+$0x0], $0xffff;
	v11 =	vand.u32 $0xFFFF0000, v10;
	v12 =	vand.u32 $0xFFFF0000, v13;
	v3 =	vadd.s32 $0xFFFFFFFF, v7  }
0x7d: {  	s11 =	simm.s32 $0x40;
	v7 =	vadd.s32 $0xFFFFFFFF, v9;
	v9 =	vshll.u32 v10, $0x10;
	s12 =	simm.s32 $0x6CA0;
	v10 =	vshll.u32 v13, $0x10;
	[tilespmem:s9+$0x10] =	vst v6;
	v6 =	vld [tilespmem:s10+$0x10]  }
.LBB2_4:
0x7e: {  	v13 =	vld [tilespmem:s12+$0x10];
	s11 =	sadd.s32 $0x40, s11;
	v8 =	vmul.f32 v11, v8;
	v11 =	vand.u32 $0xFFFF0000, v2;
	v2 =	vshll.u32 v2, $0x10  }
0x7f: {  	v14 =	vld [tilespmem:s12+$0xFFFFFFF0];
	p0 =	slt.u32 s11, $0x1FC0;
	v5 =	vmul.f32 v12, v5  }
0x80: {  	v12 =	vld [tilespmem:s12+$0x0];
	v8 =	vadd.f32 v9, v8;
	v4 =	vmul.f32 v11, v4  }
0x81: {  	v9 =	vld [tilespmem:s12+$0xFFFFFFE0];
	v5 =	vadd.f32 v10, v5  }
0x82: {  	v10 =	vld.idx.msk [tilespmem:v7+s30+$0x0], $0xffff;
	v7 =	vand.u32 $0xFFFF0000, v1;
	[tilespmem:s9+$0xFFFFFFE0] =	vst v8;
	v4 =	vadd.f32 v2, v4  }
0x83: {  	v11 =	vadd.s32 $0xFFFFFFFF, v13;
	v13 =	vld.idx.msk [tilespmem:v0+s30+$0x0], $0xffff;
	v6 =	vmul.f32 v7, v6;
	[tilespmem:s9+$0xFFFFFFF0] =	vst v5  }
0x84: {  	v1 =	vshll.u32 v1, $0x10;
	v0 =	vadd.s32 $0xFFFFFFFF, v14;
	v2 =	vld.idx.msk [tilespmem:v3+s30+$0x0], $0xffff;
	[tilespmem:s9+$0x0] =	vst v4  }
.Ltmp1:
0x85: {  	v3 =	vadd.s32 $0xFFFFFFFF, v12;
	v8 =	vld [tilespmem:s10+$0xFFFFFFE0];
	v1 =	vadd.f32 v1, v6;
	(pc) =	sbr.rel @p0 .LBB2_4-.Ltmp1, $4  }
0x86: {  	s9 =	sadd.s32 $0x40, s9;
	v7 =	vadd.s32 $0xFFFFFFFF, v9;
	v5 =	vld [tilespmem:s10+$0xFFFFFFF0]  }
0x87: {  	v4 =	vld [tilespmem:s10+$0x0];
	[tilespmem:s9+$0x10] =	vst v1  }
0x88: {  	v9 =	vshll.u32 v10, $0x10;
	s10 =	sadd.s32 $0x40, s10;
	v1 =	vld.idx.msk [tilespmem:v11+s30+$0x0], $0xffff;
	v11 =	vand.u32 $0xFFFF0000, v10  }
0x89: {  	s12 =	sadd.s32 $0x40, s12;
	v12 =	vand.u32 $0xFFFF0000, v13;
	v10 =	vshll.u32 v13, $0x10;
	v6 =	vld [tilespmem:s10+$0x10]  }
0x8a: {  	_ =	sdelay $0x3  }
0x8b: {  	v7 =	vld.idx.msk [tilespmem:v7+s30+$0x0], $0xffff  }
0x8c: {  	v0 =	vld.idx.msk [tilespmem:v0+s30+$0x0], $0xffff  }
0x8d: {  	v3 =	vld.idx.msk [tilespmem:v3+s30+$0x0], $0xffff  }
0x8e: {  	v8 =	vmul.f32 v11, v8;
	v11 =	vld [tilespmem:s10+$0xFFFFFFE0]  }
0x8f: {  	v13 =	vand.u32 $0xFFFF0000, v2;
	v5 =	vmul.f32 v12, v5;
	v12 =	vld [tilespmem:s10+$0xFFFFFFF0]  }
0x90: {  	v8 =	vadd.f32 v9, v8;
	v4 =	vmul.f32 v13, v4;
	v13 =	vld [tilespmem:s10+$0x0];
	v9 =	vand.u32 $0xFFFF0000, v1  }
0x91: {  	v2 =	vshll.u32 v2, $0x10;
	v5 =	vadd.f32 v10, v5;
	v6 =	vmul.f32 v9, v6  }
0x92: {  	v1 =	vshll.u32 v1, $0x10;
	v2 =	vadd.f32 v2, v4;
	v4 =	vand.u32 $0xFFFF0000, v7  }
0x93: {  	[tilespmem:s9+$0xFFFFFFE0] =	vst v8;
	v1 =	vadd.f32 v1, v6;
	v6 =	vand.u32 $0xFFFF0000, v0;
	v4 =	vmul.f32 v4, v11  }
0x94: {  	[tilespmem:s9+$0xFFFFFFF0] =	vst v5;
	v5 =	vshll.u32 v7, $0x10;
	v7 =	vand.u32 $0xFFFF0000, v3;
	v6 =	vmul.f32 v6, v12  }
0x95: {  	s12 =	sadd.s32 $0x40, s9;
	[tilespmem:s9+$0x0] =	vst v2;
	v0 =	vshll.u32 v0, $0x10;
	v2 =	vadd.f32 v5, v4;
	v4 =	vmul.f32 v7, v13  }
0x96: {  	[tilespmem:s12+$0x10] =	vst v1;
	v1 =	vshll.u32 v3, $0x10;
	v0 =	vadd.f32 v0, v6  }
0x97: {  	[tilespmem:s12+$0xFFFFFFE0] =	vst v2;
	v1 =	vadd.f32 v1, v4  }
0x98: {  	[tilespmem:s12+$0xFFFFFFF0] =	vst v0  }
0x99: {  	[tilespmem:s12+$0x0] =	vst v1  }
0x9a: {  	s9 =	sld [smem:$0x7FA];
	_ =	sdelay $0x2  }
0x9b: {  	[hbm4b:s9+s1] =	stream.linear.scatter [tilespmem:s31], [sflag:$0x4], $0x2000, $0x38;
	[tilespmem:$0x12C00] =	vst v63  }
0x9c: {  	s13 =	rddreg [dreg:$0xa]  }
0x9d: {  	[tilespmem:s21], [sflag:$0x1] =	stream.linear.gather [hbm4b:s13+s1], $0x2000, $0x38;
	[tilespmem:$0x12C00] =	vst v63  }
0x9e: {  	s10 =	rddreg [dreg:$0xb]  }
0x9f: {  	[tilespmem:s22], [sflag:$0x1] =	stream.linear.gather [hbm4b:s10+s1], $0x2000, $0x38;
	[tilespmem:$0x12C00] =	vst v63  }
0xa0: {  	_ =	swait.ge [sflag:s0], $0x2000  }
0xa1: {  	[sflag:s0] =	ssyncset.done $0x0  }
0xa2: {  	[sflag:s0] =	ssyncadd.s32 $0xFFFFE000  }
0xa3: {  	_ =	swait.ge [sflag:s0], $0x2000  }
0xa4: {  	[sflag:s0] =	ssyncset.done $0x0  }
0xa5: {  	s11 =	simm.s32 $0x8C20;
	[sflag:s0] =	ssyncadd.s32 $0xFFFFE000  }
0xa6: {  	v0 =	vld [tilespmem:s11+$0x10];
	_ =	sdelay $0x2  }
0xa7: {  	v1 =	vld [tilespmem:s11+$0xFFFFFFE0]  }
0xa8: {  	v2 =	vld [tilespmem:s11+$0xFFFFFFF0]  }
0xa9: {  	v0 =	vadd.s32 $0xFFFFFFFF, v0  }
0xaa: {  	s12 =	simm.s32 $0x2C20;
	v3 =	vld [tilespmem:s11+$0x0]  }
0xab: {  	s13 =	simm.s32 $0x8C60;
	v4 =	vld [tilespmem:s12+$0x10]  }
0xac: {  	v5 =	vld [tilespmem:s13+$0x10];
	v1 =	vadd.s32 $0xFFFFFFFF, v1  }
0xad: {  	v6 =	vld [tilespmem:s13+$0xFFFFFFF0];
	v2 =	vadd.s32 $0xFFFFFFFF, v2  }
0xae: {  	v0 =	vld.idx.msk [tilespmem:v0+s30+$0x0], $0xffff  }
0xaf: {  	v7 =	vld [tilespmem:s13+$0x0];
	v3 =	vadd.s32 $0xFFFFFFFF, v3  }
0xb0: {  	v9 =	vld [tilespmem:s13+$0xFFFFFFE0]  }
0xb1: {  	v10 =	vld.idx.msk [tilespmem:v1+s30+$0x0], $0xffff  }
0xb2: {  	v1 =	vadd.s32 $0xFFFFFFFF, v5;
	v13 =	vld.idx.msk [tilespmem:v2+s30+$0x0], $0xffff  }
0xb3: {  	v8 =	vld [tilespmem:s12+$0xFFFFFFE0];
	v5 =	vand.u32 $0xFFFF0000, v0  }
0xb4: {  	v2 =	vld.idx.msk [tilespmem:v3+s30+$0x0], $0xffff;
	v3 =	vmul.f32 v5, v4  }
0xb5: {  	v4 =	vshll.u32 v0, $0x10;
	v5 =	vld [tilespmem:s12+$0xFFFFFFF0]  }
0xb6: {  	v0 =	vadd.s32 $0xFFFFFFFF, v6;
	v6 =	vadd.f32 v4, v3;
	v4 =	vld [tilespmem:s12+$0x0]  }
0xb7: {  	s9 =	simm.s32 $0xEC20;
	s10 =	simm.s32 $0x2C60;
	v1 =	vld.idx.msk [tilespmem:v1+s30+$0x0], $0xffff;
	v11 =	vand.u32 $0xFFFF0000, v10;
	v12 =	vand.u32 $0xFFFF0000, v13;
	v3 =	vadd.s32 $0xFFFFFFFF, v7  }
0xb8: {  	s11 =	simm.s32 $0x40;
	v7 =	vadd.s32 $0xFFFFFFFF, v9;
	v9 =	vshll.u32 v10, $0x10;
	s12 =	simm.s32 $0x8CA0;
	v10 =	vshll.u32 v13, $0x10;
	[tilespmem:s9+$0x10] =	vst v6;
	v6 =	vld [tilespmem:s10+$0x10]  }
.LBB2_6:
0xb9: {  	v13 =	vld [tilespmem:s12+$0x10];
	s11 =	sadd.s32 $0x40, s11;
	v8 =	vmul.f32 v11, v8;
	v11 =	vand.u32 $0xFFFF0000, v2;
	v2 =	vshll.u32 v2, $0x10  }
0xba: {  	v14 =	vld [tilespmem:s12+$0xFFFFFFF0];
	p0 =	slt.u32 s11, $0x1FC0;
	v5 =	vmul.f32 v12, v5  }
0xbb: {  	v12 =	vld [tilespmem:s12+$0x0];
	v8 =	vadd.f32 v9, v8;
	v4 =	vmul.f32 v11, v4  }
0xbc: {  	v9 =	vld [tilespmem:s12+$0xFFFFFFE0];
	v5 =	vadd.f32 v10, v5  }
0xbd: {  	v10 =	vld.idx.msk [tilespmem:v7+s30+$0x0], $0xffff;
	v7 =	vand.u32 $0xFFFF0000, v1;
	[tilespmem:s9+$0xFFFFFFE0] =	vst v8;
	v4 =	vadd.f32 v2, v4  }
0xbe: {  	v11 =	vadd.s32 $0xFFFFFFFF, v13;
	v13 =	vld.idx.msk [tilespmem:v0+s30+$0x0], $0xffff;
	v6 =	vmul.f32 v7, v6;
	[tilespmem:s9+$0xFFFFFFF0] =	vst v5  }
0xbf: {  	v1 =	vshll.u32 v1, $0x10;
	v0 =	vadd.s32 $0xFFFFFFFF, v14;
	v2 =	vld.idx.msk [tilespmem:v3+s30+$0x0], $0xffff;
	[tilespmem:s9+$0x0] =	vst v4  }
.Ltmp2:
0xc0: {  	v3 =	vadd.s32 $0xFFFFFFFF, v12;
	v8 =	vld [tilespmem:s10+$0xFFFFFFE0];
	v1 =	vadd.f32 v1, v6;
	(pc) =	sbr.rel @p0 .LBB2_6-.Ltmp2, $4  }
0xc1: {  	s9 =	sadd.s32 $0x40, s9;
	v7 =	vadd.s32 $0xFFFFFFFF, v9;
	v5 =	vld [tilespmem:s10+$0xFFFFFFF0]  }
0xc2: {  	v4 =	vld [tilespmem:s10+$0x0];
	[tilespmem:s9+$0x10] =	vst v1  }
0xc3: {  	v9 =	vshll.u32 v10, $0x10;
	s10 =	sadd.s32 $0x40, s10;
	v1 =	vld.idx.msk [tilespmem:v11+s30+$0x0], $0xffff;
	v11 =	vand.u32 $0xFFFF0000, v10  }
0xc4: {  	s12 =	sadd.s32 $0x40, s12;
	v12 =	vand.u32 $0xFFFF0000, v13;
	v10 =	vshll.u32 v13, $0x10;
	v6 =	vld [tilespmem:s10+$0x10]  }
0xc5: {  	_ =	sdelay $0x3  }
0xc6: {  	v7 =	vld.idx.msk [tilespmem:v7+s30+$0x0], $0xffff  }
0xc7: {  	v0 =	vld.idx.msk [tilespmem:v0+s30+$0x0], $0xffff  }
0xc8: {  	v3 =	vld.idx.msk [tilespmem:v3+s30+$0x0], $0xffff  }
0xc9: {  	v8 =	vmul.f32 v11, v8;
	v11 =	vld [tilespmem:s10+$0xFFFFFFE0]  }
0xca: {  	v13 =	vand.u32 $0xFFFF0000, v2;
	v5 =	vmul.f32 v12, v5;
	v12 =	vld [tilespmem:s10+$0xFFFFFFF0]  }
0xcb: {  	v8 =	vadd.f32 v9, v8;
	v4 =	vmul.f32 v13, v4;
	v13 =	vld [tilespmem:s10+$0x0];
	v9 =	vand.u32 $0xFFFF0000, v1  }
0xcc: {  	v2 =	vshll.u32 v2, $0x10;
	v5 =	vadd.f32 v10, v5;
	v6 =	vmul.f32 v9, v6  }
0xcd: {  	v1 =	vshll.u32 v1, $0x10;
	v2 =	vadd.f32 v2, v4;
	v4 =	vand.u32 $0xFFFF0000, v7  }
0xce: {  	[tilespmem:s9+$0xFFFFFFE0] =	vst v8;
	v1 =	vadd.f32 v1, v6;
	v6 =	vand.u32 $0xFFFF0000, v0;
	v4 =	vmul.f32 v4, v11  }
0xcf: {  	[tilespmem:s9+$0xFFFFFFF0] =	vst v5;
	v5 =	vshll.u32 v7, $0x10;
	v7 =	vand.u32 $0xFFFF0000, v3;
	v6 =	vmul.f32 v6, v12  }
0xd0: {  	s12 =	sadd.s32 $0x40, s9;
	[tilespmem:s9+$0x0] =	vst v2;
	v0 =	vshll.u32 v0, $0x10;
	v2 =	vadd.f32 v5, v4;
	v4 =	vmul.f32 v7, v13  }
0xd1: {  	[tilespmem:s12+$0x10] =	vst v1;
	v1 =	vshll.u32 v3, $0x10;
	v0 =	vadd.f32 v0, v6  }
0xd2: {  	[tilespmem:s12+$0xFFFFFFE0] =	vst v2;
	v1 =	vadd.f32 v1, v4  }
0xd3: {  	[tilespmem:s12+$0xFFFFFFF0] =	vst v0  }
0xd4: {  	[tilespmem:s12+$0x0] =	vst v1  }
0xd5: {  	s9 =	rddreg [dreg:$0xc]  }
0xd6: {  	[hbm4b:s9+s1] =	stream.linear.scatter [tilespmem:s2], [sflag:$0x5], $0x2000, $0x38;
	[tilespmem:$0x12C00] =	vst v63  }
0xd7: {  	s13 =	rddreg [dreg:$0xd]  }
0xd8: {  	[tilespmem:s23], [sflag:$0x2] =	stream.linear.gather [hbm4b:s13+s1], $0x2000, $0x38;
	[tilespmem:$0x12C00] =	vst v63  }
0xd9: {  	s10 =	rddreg [dreg:$0xe]  }
0xda: {  	[tilespmem:s24], [sflag:$0x2] =	stream.linear.gather [hbm4b:s10+s1], $0x2000, $0x38;
	[tilespmem:$0x12C00] =	vst v63  }
0xdb: {  	_ =	swait.ge [sflag:s3], $0x2000  }
0xdc: {  	[sflag:s3] =	ssyncset.done $0x0  }
0xdd: {  	[sflag:s3] =	ssyncadd.s32 $0xFFFFE000  }
0xde: {  	_ =	swait.ge [sflag:s3], $0x2000  }
0xdf: {  	[sflag:s3] =	ssyncset.done $0x0  }
0xe0: {  	s11 =	simm.s32 $0xAC20;
	[sflag:s3] =	ssyncadd.s32 $0xFFFFE000  }
0xe1: {  	v0 =	vld [tilespmem:s11+$0x10];
	_ =	sdelay $0x2  }
0xe2: {  	v1 =	vld [tilespmem:s11+$0xFFFFFFE0]  }
0xe3: {  	v2 =	vld [tilespmem:s11+$0xFFFFFFF0]  }
0xe4: {  	v0 =	vadd.s32 $0xFFFFFFFF, v0  }
0xe5: {  	s12 =	simm.s32 $0x4C20;
	v3 =	vld [tilespmem:s11+$0x0]  }
0xe6: {  	s13 =	simm.s32 $0xAC60;
	v4 =	vld [tilespmem:s12+$0x10]  }
0xe7: {  	v5 =	vld [tilespmem:s13+$0x10];
	v1 =	vadd.s32 $0xFFFFFFFF, v1  }
0xe8: {  	v6 =	vld [tilespmem:s13+$0xFFFFFFF0];
	v2 =	vadd.s32 $0xFFFFFFFF, v2  }
0xe9: {  	v0 =	vld.idx.msk [tilespmem:v0+s30+$0x0], $0xffff  }
0xea: {  	v7 =	vld [tilespmem:s13+$0x0];
	v3 =	vadd.s32 $0xFFFFFFFF, v3  }
0xeb: {  	v9 =	vld [tilespmem:s13+$0xFFFFFFE0]  }
0xec: {  	v10 =	vld.idx.msk [tilespmem:v1+s30+$0x0], $0xffff  }
0xed: {  	v1 =	vadd.s32 $0xFFFFFFFF, v5;
	v13 =	vld.idx.msk [tilespmem:v2+s30+$0x0], $0xffff  }
0xee: {  	v8 =	vld [tilespmem:s12+$0xFFFFFFE0];
	v5 =	vand.u32 $0xFFFF0000, v0  }
0xef: {  	v2 =	vld.idx.msk [tilespmem:v3+s30+$0x0], $0xffff;
	v3 =	vmul.f32 v5, v4  }
0xf0: {  	v4 =	vshll.u32 v0, $0x10;
	v5 =	vld [tilespmem:s12+$0xFFFFFFF0]  }
0xf1: {  	v0 =	vadd.s32 $0xFFFFFFFF, v6;
	v6 =	vadd.f32 v4, v3;
	v4 =	vld [tilespmem:s12+$0x0]  }
0xf2: {  	s9 =	simm.s32 $0x10C20;
	s10 =	simm.s32 $0x4C60;
	v1 =	vld.idx.msk [tilespmem:v1+s30+$0x0], $0xffff;
	v11 =	vand.u32 $0xFFFF0000, v10;
	v12 =	vand.u32 $0xFFFF0000, v13;
	v3 =	vadd.s32 $0xFFFFFFFF, v7  }
0xf3: {  	s11 =	simm.s32 $0x40;
	v7 =	vadd.s32 $0xFFFFFFFF, v9;
	v9 =	vshll.u32 v10, $0x10;
	s12 =	simm.s32 $0xACA0;
	v10 =	vshll.u32 v13, $0x10;
	[tilespmem:s9+$0x10] =	vst v6;
	v6 =	vld [tilespmem:s10+$0x10]  }
.LBB2_8:
0xf4: {  	v13 =	vld [tilespmem:s12+$0x10];
	s11 =	sadd.s32 $0x40, s11;
	v8 =	vmul.f32 v11, v8;
	v11 =	vand.u32 $0xFFFF0000, v2;
	v2 =	vshll.u32 v2, $0x10  }
0xf5: {  	v14 =	vld [tilespmem:s12+$0xFFFFFFF0];
	p0 =	slt.u32 s11, $0x1FC0;
	v5 =	vmul.f32 v12, v5  }
0xf6: {  	v12 =	vld [tilespmem:s12+$0x0];
	v8 =	vadd.f32 v9, v8;
	v4 =	vmul.f32 v11, v4  }
0xf7: {  	v9 =	vld [tilespmem:s12+$0xFFFFFFE0];
	v5 =	vadd.f32 v10, v5  }
0xf8: {  	v10 =	vld.idx.msk [tilespmem:v7+s30+$0x0], $0xffff;
	v7 =	vand.u32 $0xFFFF0000, v1;
	[tilespmem:s9+$0xFFFFFFE0] =	vst v8;
	v4 =	vadd.f32 v2, v4  }
0xf9: {  	v11 =	vadd.s32 $0xFFFFFFFF, v13;
	v13 =	vld.idx.msk [tilespmem:v0+s30+$0x0], $0xffff;
	v6 =	vmul.f32 v7, v6;
	[tilespmem:s9+$0xFFFFFFF0] =	vst v5  }
0xfa: {  	v1 =	vshll.u32 v1, $0x10;
	v0 =	vadd.s32 $0xFFFFFFFF, v14;
	v2 =	vld.idx.msk [tilespmem:v3+s30+$0x0], $0xffff;
	[tilespmem:s9+$0x0] =	vst v4  }
.Ltmp3:
0xfb: {  	v3 =	vadd.s32 $0xFFFFFFFF, v12;
	v8 =	vld [tilespmem:s10+$0xFFFFFFE0];
	v1 =	vadd.f32 v1, v6;
	(pc) =	sbr.rel @p0 .LBB2_8-.Ltmp3, $4  }
0xfc: {  	s9 =	sadd.s32 $0x40, s9;
	v7 =	vadd.s32 $0xFFFFFFFF, v9;
	v5 =	vld [tilespmem:s10+$0xFFFFFFF0]  }
0xfd: {  	v4 =	vld [tilespmem:s10+$0x0];
	[tilespmem:s9+$0x10] =	vst v1  }
0xfe: {  	v9 =	vshll.u32 v10, $0x10;
	s10 =	sadd.s32 $0x40, s10;
	v1 =	vld.idx.msk [tilespmem:v11+s30+$0x0], $0xffff;
	v11 =	vand.u32 $0xFFFF0000, v10  }
0xff: {  	s12 =	sadd.s32 $0x40, s12;
	v12 =	vand.u32 $0xFFFF0000, v13;
	v10 =	vshll.u32 v13, $0x10;
	v6 =	vld [tilespmem:s10+$0x10]  }
0x100: {  	_ =	sdelay $0x3  }
0x101: {  	v7 =	vld.idx.msk [tilespmem:v7+s30+$0x0], $0xffff  }
0x102: {  	v0 =	vld.idx.msk [tilespmem:v0+s30+$0x0], $0xffff  }
0x103: {  	v3 =	vld.idx.msk [tilespmem:v3+s30+$0x0], $0xffff  }
0x104: {  	v8 =	vmul.f32 v11, v8;
	v11 =	vld [tilespmem:s10+$0xFFFFFFE0]  }
0x105: {  	v13 =	vand.u32 $0xFFFF0000, v2;
	v5 =	vmul.f32 v12, v5;
	v12 =	vld [tilespmem:s10+$0xFFFFFFF0]  }
0x106: {  	v8 =	vadd.f32 v9, v8;
	v4 =	vmul.f32 v13, v4;
	v13 =	vld [tilespmem:s10+$0x0];
	v9 =	vand.u32 $0xFFFF0000, v1  }
0x107: {  	v2 =	vshll.u32 v2, $0x10;
	v5 =	vadd.f32 v10, v5;
	v6 =	vmul.f32 v9, v6  }
0x108: {  	v1 =	vshll.u32 v1, $0x10;
	v2 =	vadd.f32 v2, v4;
	v4 =	vand.u32 $0xFFFF0000, v7  }
0x109: {  	[tilespmem:s9+$0xFFFFFFE0] =	vst v8;
	v1 =	vadd.f32 v1, v6;
	v6 =	vand.u32 $0xFFFF0000, v0;
	v4 =	vmul.f32 v4, v11  }
0x10a: {  	[tilespmem:s9+$0xFFFFFFF0] =	vst v5;
	v5 =	vshll.u32 v7, $0x10;
	v7 =	vand.u32 $0xFFFF0000, v3;
	v6 =	vmul.f32 v6, v12  }
0x10b: {  	s12 =	sadd.s32 $0x40, s9;
	[tilespmem:s9+$0x0] =	vst v2;
	v0 =	vshll.u32 v0, $0x10;
	v2 =	vadd.f32 v5, v4;
	v4 =	vmul.f32 v7, v13  }
0x10c: {  	[tilespmem:s12+$0x10] =	vst v1;
	v1 =	vshll.u32 v3, $0x10;
	v0 =	vadd.f32 v0, v6  }
0x10d: {  	[tilespmem:s12+$0xFFFFFFE0] =	vst v2;
	v1 =	vadd.f32 v1, v4  }
0x10e: {  	[tilespmem:s12+$0xFFFFFFF0] =	vst v0  }
0x10f: {  	[tilespmem:s12+$0x0] =	vst v1  }
0x110: {  	s9 =	rddreg [dreg:$0xf]  }
0x111: {  	[hbm4b:s9+s1] =	stream.linear.scatter [tilespmem:s4], [sflag:$0x6], $0x2000, $0x38;
	[tilespmem:$0x12C00] =	vst v63  }
0x112: {  	s13 =	rddreg [dreg:$0x10]  }
0x113: {  	[tilespmem:s26], [sflag:$0x3] =	stream.linear.gather [hbm4b:s13+s1], $0x2000, $0x38;
	[tilespmem:$0x12C00] =	vst v63  }
0x114: {  	s10 =	rddreg [dreg:$0x11]  }
0x115: {  	[tilespmem:s28], [sflag:$0x3] =	stream.linear.gather [hbm4b:s10+s1], $0x2000, $0x38;
	[tilespmem:$0x12C00] =	vst v63  }
0x116: {  	_ =	swait.ge [sflag:s29], $0x2000  }
0x117: {  	[sflag:s29] =	ssyncset.done $0x0  }
0x118: {  	[sflag:s29] =	ssyncadd.s32 $0xFFFFE000  }
0x119: {  	_ =	swait.ge [sflag:s29], $0x2000  }
0x11a: {  	[sflag:s29] =	ssyncset.done $0x0  }
0x11b: {  	[sflag:s29] =	ssyncadd.s32 $0xFFFFE000  }
0x11c: {  	_ =	swait.ge [sflag:s5], $0x2000  }
0x11d: {  	[sflag:s5] =	ssyncset.done $0x0  }
0x11e: {  	s11 =	simm.s32 $0x6C20;
	[sflag:s5] =	ssyncadd.s32 $0xFFFFE000  }
0x11f: {  	v0 =	vld [tilespmem:s11+$0x10];
	_ =	sdelay $0x2  }
0x120: {  	v1 =	vld [tilespmem:s11+$0xFFFFFFE0]  }
0x121: {  	v2 =	vld [tilespmem:s11+$0xFFFFFFF0]  }
0x122: {  	v0 =	vadd.s32 $0xFFFFFFFF, v0  }
0x123: {  	s12 =	simm.s32 $0xC20;
	v3 =	vld [tilespmem:s11+$0x0]  }
0x124: {  	s13 =	simm.s32 $0x6C60;
	v4 =	vld [tilespmem:s12+$0x10]  }
0x125: {  	v5 =	vld [tilespmem:s13+$0x10];
	v1 =	vadd.s32 $0xFFFFFFFF, v1  }
0x126: {  	v6 =	vld [tilespmem:s13+$0xFFFFFFF0];
	v2 =	vadd.s32 $0xFFFFFFFF, v2  }
0x127: {  	v0 =	vld.idx.msk [tilespmem:v0+s30+$0x0], $0xffff  }
0x128: {  	v7 =	vld [tilespmem:s13+$0x0];
	v3 =	vadd.s32 $0xFFFFFFFF, v3  }
0x129: {  	v9 =	vld [tilespmem:s13+$0xFFFFFFE0]  }
0x12a: {  	v10 =	vld.idx.msk [tilespmem:v1+s30+$0x0], $0xffff  }
0x12b: {  	v1 =	vadd.s32 $0xFFFFFFFF, v5;
	v13 =	vld.idx.msk [tilespmem:v2+s30+$0x0], $0xffff  }
0x12c: {  	v8 =	vld [tilespmem:s12+$0xFFFFFFE0];
	v5 =	vand.u32 $0xFFFF0000, v0  }
0x12d: {  	v2 =	vld.idx.msk [tilespmem:v3+s30+$0x0], $0xffff;
	v3 =	vmul.f32 v5, v4  }
0x12e: {  	v4 =	vshll.u32 v0, $0x10;
	v5 =	vld [tilespmem:s12+$0xFFFFFFF0]  }
0x12f: {  	v0 =	vadd.s32 $0xFFFFFFFF, v6;
	v6 =	vadd.f32 v4, v3;
	v4 =	vld [tilespmem:s12+$0x0]  }
0x130: {  	s9 =	simm.s32 $0xCC20;
	s10 =	simm.s32 $0xC60;
	v1 =	vld.idx.msk [tilespmem:v1+s30+$0x0], $0xffff;
	v11 =	vand.u32 $0xFFFF0000, v10;
	v12 =	vand.u32 $0xFFFF0000, v13;
	v3 =	vadd.s32 $0xFFFFFFFF, v7  }
0x131: {  	s11 =	simm.s32 $0x40;
	v7 =	vadd.s32 $0xFFFFFFFF, v9;
	v9 =	vshll.u32 v10, $0x10;
	s12 =	simm.s32 $0x6CA0;
	v10 =	vshll.u32 v13, $0x10;
	[tilespmem:s9+$0x10] =	vst v6;
	v6 =	vld [tilespmem:s10+$0x10]  }
.LBB2_10:
0x132: {  	v13 =	vld [tilespmem:s12+$0x10];
	s11 =	sadd.s32 $0x40, s11;
	v8 =	vmul.f32 v11, v8;
	v11 =	vand.u32 $0xFFFF0000, v2;
	v2 =	vshll.u32 v2, $0x10  }
0x133: {  	v14 =	vld [tilespmem:s12+$0xFFFFFFF0];
	p0 =	slt.u32 s11, $0x1FC0;
	v5 =	vmul.f32 v12, v5  }
0x134: {  	v12 =	vld [tilespmem:s12+$0x0];
	v8 =	vadd.f32 v9, v8;
	v4 =	vmul.f32 v11, v4  }
0x135: {  	v9 =	vld [tilespmem:s12+$0xFFFFFFE0];
	v5 =	vadd.f32 v10, v5  }
0x136: {  	v10 =	vld.idx.msk [tilespmem:v7+s30+$0x0], $0xffff;
	v7 =	vand.u32 $0xFFFF0000, v1;
	[tilespmem:s9+$0xFFFFFFE0] =	vst v8;
	v4 =	vadd.f32 v2, v4  }
0x137: {  	v11 =	vadd.s32 $0xFFFFFFFF, v13;
	v13 =	vld.idx.msk [tilespmem:v0+s30+$0x0], $0xffff;
	v6 =	vmul.f32 v7, v6;
	[tilespmem:s9+$0xFFFFFFF0] =	vst v5  }
0x138: {  	v1 =	vshll.u32 v1, $0x10;
	v0 =	vadd.s32 $0xFFFFFFFF, v14;
	v2 =	vld.idx.msk [tilespmem:v3+s30+$0x0], $0xffff;
	[tilespmem:s9+$0x0] =	vst v4  }
.Ltmp4:
0x139: {  	v3 =	vadd.s32 $0xFFFFFFFF, v12;
	v8 =	vld [tilespmem:s10+$0xFFFFFFE0];
	v1 =	vadd.f32 v1, v6;
	(pc) =	sbr.rel @p0 .LBB2_10-.Ltmp4, $4  }
0x13a: {  	s9 =	sadd.s32 $0x40, s9;
	v7 =	vadd.s32 $0xFFFFFFFF, v9;
	v5 =	vld [tilespmem:s10+$0xFFFFFFF0]  }
0x13b: {  	v4 =	vld [tilespmem:s10+$0x0];
	[tilespmem:s9+$0x10] =	vst v1  }
0x13c: {  	v9 =	vshll.u32 v10, $0x10;
	s10 =	sadd.s32 $0x40, s10;
	v1 =	vld.idx.msk [tilespmem:v11+s30+$0x0], $0xffff;
	v11 =	vand.u32 $0xFFFF0000, v10  }
0x13d: {  	s12 =	sadd.s32 $0x40, s12;
	v12 =	vand.u32 $0xFFFF0000, v13;
	v10 =	vshll.u32 v13, $0x10;
	v6 =	vld [tilespmem:s10+$0x10]  }
0x13e: {  	_ =	sdelay $0x3  }
0x13f: {  	v7 =	vld.idx.msk [tilespmem:v7+s30+$0x0], $0xffff  }
0x140: {  	v0 =	vld.idx.msk [tilespmem:v0+s30+$0x0], $0xffff  }
0x141: {  	v3 =	vld.idx.msk [tilespmem:v3+s30+$0x0], $0xffff  }
0x142: {  	v8 =	vmul.f32 v11, v8;
	v11 =	vld [tilespmem:s10+$0xFFFFFFE0]  }
0x143: {  	v13 =	vand.u32 $0xFFFF0000, v2;
	v5 =	vmul.f32 v12, v5;
	v12 =	vld [tilespmem:s10+$0xFFFFFFF0]  }
0x144: {  	v8 =	vadd.f32 v9, v8;
	v4 =	vmul.f32 v13, v4;
	v13 =	vld [tilespmem:s10+$0x0];
	v9 =	vand.u32 $0xFFFF0000, v1  }
0x145: {  	v2 =	vshll.u32 v2, $0x10;
	v5 =	vadd.f32 v10, v5;
	v6 =	vmul.f32 v9, v6  }
0x146: {  	v1 =	vshll.u32 v1, $0x10;
	v2 =	vadd.f32 v2, v4;
	v4 =	vand.u32 $0xFFFF0000, v7  }
0x147: {  	[tilespmem:s9+$0xFFFFFFE0] =	vst v8;
	v1 =	vadd.f32 v1, v6;
	v6 =	vand.u32 $0xFFFF0000, v0;
	v4 =	vmul.f32 v4, v11  }
0x148: {  	[tilespmem:s9+$0xFFFFFFF0] =	vst v5;
	v5 =	vshll.u32 v7, $0x10;
	v7 =	vand.u32 $0xFFFF0000, v3;
	v6 =	vmul.f32 v6, v12  }
0x149: {  	s12 =	sadd.s32 $0x40, s9;
	[tilespmem:s9+$0x0] =	vst v2;
	v0 =	vshll.u32 v0, $0x10;
	v2 =	vadd.f32 v5, v4;
	v4 =	vmul.f32 v7, v13  }
0x14a: {  	[tilespmem:s12+$0x10] =	vst v1;
	v1 =	vshll.u32 v3, $0x10;
	v0 =	vadd.f32 v0, v6  }
0x14b: {  	[tilespmem:s12+$0xFFFFFFE0] =	vst v2;
	v1 =	vadd.f32 v1, v4  }
0x14c: {  	[tilespmem:s12+$0xFFFFFFF0] =	vst v0  }
0x14d: {  	[tilespmem:s12+$0x0] =	vst v1  }
0x14e: {  	s9 =	rddreg [dreg:$0x12]  }
0x14f: {  	[hbm4b:s9+s1] =	stream.linear.scatter [tilespmem:s31], [sflag:$0x4], $0x2000, $0x38;
	[tilespmem:$0x12C00] =	vst v63  }
0x150: {  	s13 =	rddreg [dreg:$0x13]  }
0x151: {  	[tilespmem:s21], [sflag:$0x1] =	stream.linear.gather [hbm4b:s13+s1], $0x2000, $0x38;
	[tilespmem:$0x12C00] =	vst v63  }
0x152: {  	s10 =	rddreg [dreg:$0x14]  }
0x153: {  	[tilespmem:s22], [sflag:$0x1] =	stream.linear.gather [hbm4b:s10+s1], $0x2000, $0x38;
	[tilespmem:$0x12C00] =	vst v63  }
0x154: {  	_ =	swait.ge [sflag:s0], $0x2000  }
0x155: {  	[sflag:s0] =	ssyncset.done $0x0  }
0x156: {  	[sflag:s0] =	ssyncadd.s32 $0xFFFFE000  }
0x157: {  	_ =	swait.ge [sflag:s0], $0x2000  }
0x158: {  	[sflag:s0] =	ssyncset.done $0x0  }
0x159: {  	[sflag:s0] =	ssyncadd.s32 $0xFFFFE000  }
0x15a: {  	_ =	swait.ge [sflag:s6], $0x2000  }
0x15b: {  	[sflag:s6] =	ssyncset.done $0x0  }
0x15c: {  	s11 =	simm.s32 $0x8C20;
	[sflag:s6] =	ssyncadd.s32 $0xFFFFE000  }
0x15d: {  	v0 =	vld [tilespmem:s11+$0x10];
	_ =	sdelay $0x2  }
0x15e: {  	v1 =	vld [tilespmem:s11+$0xFFFFFFE0]  }
0x15f: {  	v2 =	vld [tilespmem:s11+$0xFFFFFFF0]  }
0x160: {  	v0 =	vadd.s32 $0xFFFFFFFF, v0  }
0x161: {  	s12 =	simm.s32 $0x2C20;
	v3 =	vld [tilespmem:s11+$0x0]  }
0x162: {  	s13 =	simm.s32 $0x8C60;
	v4 =	vld [tilespmem:s12+$0x10]  }
0x163: {  	v5 =	vld [tilespmem:s13+$0x10];
	v1 =	vadd.s32 $0xFFFFFFFF, v1  }
0x164: {  	v6 =	vld [tilespmem:s13+$0xFFFFFFF0];
	v2 =	vadd.s32 $0xFFFFFFFF, v2  }
0x165: {  	v0 =	vld.idx.msk [tilespmem:v0+s30+$0x0], $0xffff  }
0x166: {  	v7 =	vld [tilespmem:s13+$0x0];
	v3 =	vadd.s32 $0xFFFFFFFF, v3  }
0x167: {  	v9 =	vld [tilespmem:s13+$0xFFFFFFE0]  }
0x168: {  	v10 =	vld.idx.msk [tilespmem:v1+s30+$0x0], $0xffff  }
0x169: {  	v1 =	vadd.s32 $0xFFFFFFFF, v5;
	v13 =	vld.idx.msk [tilespmem:v2+s30+$0x0], $0xffff  }
0x16a: {  	v8 =	vld [tilespmem:s12+$0xFFFFFFE0];
	v5 =	vand.u32 $0xFFFF0000, v0  }
0x16b: {  	v2 =	vld.idx.msk [tilespmem:v3+s30+$0x0], $0xffff;
	v3 =	vmul.f32 v5, v4  }
0x16c: {  	v4 =	vshll.u32 v0, $0x10;
	v5 =	vld [tilespmem:s12+$0xFFFFFFF0]  }
0x16d: {  	v0 =	vadd.s32 $0xFFFFFFFF, v6;
	v6 =	vadd.f32 v4, v3;
	v4 =	vld [tilespmem:s12+$0x0]  }
0x16e: {  	s9 =	simm.s32 $0xEC20;
	s10 =	simm.s32 $0x2C60;
	v1 =	vld.idx.msk [tilespmem:v1+s30+$0x0], $0xffff;
	v11 =	vand.u32 $0xFFFF0000, v10;
	v12 =	vand.u32 $0xFFFF0000, v13;
	v3 =	vadd.s32 $0xFFFFFFFF, v7  }
0x16f: {  	s11 =	simm.s32 $0x40;
	v7 =	vadd.s32 $0xFFFFFFFF, v9;
	v9 =	vshll.u32 v10, $0x10;
	s12 =	simm.s32 $0x8CA0;
	v10 =	vshll.u32 v13, $0x10;
	[tilespmem:s9+$0x10] =	vst v6;
	v6 =	vld [tilespmem:s10+$0x10]  }
.LBB2_12:
0x170: {  	v13 =	vld [tilespmem:s12+$0x10];
	s11 =	sadd.s32 $0x40, s11;
	v8 =	vmul.f32 v11, v8;
	v11 =	vand.u32 $0xFFFF0000, v2;
	v2 =	vshll.u32 v2, $0x10  }
0x171: {  	v14 =	vld [tilespmem:s12+$0xFFFFFFF0];
	p0 =	slt.u32 s11, $0x1FC0;
	v5 =	vmul.f32 v12, v5  }
0x172: {  	v12 =	vld [tilespmem:s12+$0x0];
	v8 =	vadd.f32 v9, v8;
	v4 =	vmul.f32 v11, v4  }
0x173: {  	v9 =	vld [tilespmem:s12+$0xFFFFFFE0];
	v5 =	vadd.f32 v10, v5  }
0x174: {  	v10 =	vld.idx.msk [tilespmem:v7+s30+$0x0], $0xffff;
	v7 =	vand.u32 $0xFFFF0000, v1;
	[tilespmem:s9+$0xFFFFFFE0] =	vst v8;
	v4 =	vadd.f32 v2, v4  }
0x175: {  	v11 =	vadd.s32 $0xFFFFFFFF, v13;
	v13 =	vld.idx.msk [tilespmem:v0+s30+$0x0], $0xffff;
	v6 =	vmul.f32 v7, v6;
	[tilespmem:s9+$0xFFFFFFF0] =	vst v5  }
0x176: {  	v1 =	vshll.u32 v1, $0x10;
	v0 =	vadd.s32 $0xFFFFFFFF, v14;
	v2 =	vld.idx.msk [tilespmem:v3+s30+$0x0], $0xffff;
	[tilespmem:s9+$0x0] =	vst v4  }
.Ltmp5:
0x177: {  	v3 =	vadd.s32 $0xFFFFFFFF, v12;
	v8 =	vld [tilespmem:s10+$0xFFFFFFE0];
	v1 =	vadd.f32 v1, v6;
	(pc) =	sbr.rel @p0 .LBB2_12-.Ltmp5, $4  }
0x178: {  	s9 =	sadd.s32 $0x40, s9;
	v7 =	vadd.s32 $0xFFFFFFFF, v9;
	v5 =	vld [tilespmem:s10+$0xFFFFFFF0]  }
0x179: {  	v4 =	vld [tilespmem:s10+$0x0];
	[tilespmem:s9+$0x10] =	vst v1  }
0x17a: {  	v9 =	vshll.u32 v10, $0x10;
	s10 =	sadd.s32 $0x40, s10;
	v1 =	vld.idx.msk [tilespmem:v11+s30+$0x0], $0xffff;
	v11 =	vand.u32 $0xFFFF0000, v10  }
0x17b: {  	s12 =	sadd.s32 $0x40, s12;
	v12 =	vand.u32 $0xFFFF0000, v13;
	v10 =	vshll.u32 v13, $0x10;
	v6 =	vld [tilespmem:s10+$0x10]  }
0x17c: {  	_ =	sdelay $0x3  }
0x17d: {  	v7 =	vld.idx.msk [tilespmem:v7+s30+$0x0], $0xffff  }
0x17e: {  	v0 =	vld.idx.msk [tilespmem:v0+s30+$0x0], $0xffff  }
0x17f: {  	v3 =	vld.idx.msk [tilespmem:v3+s30+$0x0], $0xffff  }
0x180: {  	v8 =	vmul.f32 v11, v8;
	v11 =	vld [tilespmem:s10+$0xFFFFFFE0]  }
0x181: {  	v13 =	vand.u32 $0xFFFF0000, v2;
	v5 =	vmul.f32 v12, v5;
	v12 =	vld [tilespmem:s10+$0xFFFFFFF0]  }
0x182: {  	v8 =	vadd.f32 v9, v8;
	v4 =	vmul.f32 v13, v4;
	v13 =	vld [tilespmem:s10+$0x0];
	v9 =	vand.u32 $0xFFFF0000, v1  }
0x183: {  	v2 =	vshll.u32 v2, $0x10;
	v5 =	vadd.f32 v10, v5;
	v6 =	vmul.f32 v9, v6  }
0x184: {  	v1 =	vshll.u32 v1, $0x10;
	v2 =	vadd.f32 v2, v4;
	v4 =	vand.u32 $0xFFFF0000, v7  }
0x185: {  	[tilespmem:s9+$0xFFFFFFE0] =	vst v8;
	v1 =	vadd.f32 v1, v6;
	v6 =	vand.u32 $0xFFFF0000, v0;
	v4 =	vmul.f32 v4, v11  }
0x186: {  	[tilespmem:s9+$0xFFFFFFF0] =	vst v5;
	v5 =	vshll.u32 v7, $0x10;
	v7 =	vand.u32 $0xFFFF0000, v3;
	v6 =	vmul.f32 v6, v12  }
0x187: {  	s12 =	sadd.s32 $0x40, s9;
	[tilespmem:s9+$0x0] =	vst v2;
	v0 =	vshll.u32 v0, $0x10;
	v2 =	vadd.f32 v5, v4;
	v4 =	vmul.f32 v7, v13  }
0x188: {  	[tilespmem:s12+$0x10] =	vst v1;
	v1 =	vshll.u32 v3, $0x10;
	v0 =	vadd.f32 v0, v6  }
0x189: {  	[tilespmem:s12+$0xFFFFFFE0] =	vst v2;
	v1 =	vadd.f32 v1, v4  }
0x18a: {  	[tilespmem:s12+$0xFFFFFFF0] =	vst v0  }
0x18b: {  	[tilespmem:s12+$0x0] =	vst v1  }
0x18c: {  	s9 =	rddreg [dreg:$0x15]  }
0x18d: {  	[hbm4b:s9+s1] =	stream.linear.scatter [tilespmem:s2], [sflag:$0x5], $0x2000, $0x38;
	[tilespmem:$0x12C00] =	vst v63  }
0x18e: {  	s13 =	rddreg [dreg:$0x18]  }
0x18f: {  	[tilespmem:s23], [sflag:$0x2] =	stream.linear.gather [hbm4b:s13+s1], $0x2000, $0x38;
	[tilespmem:$0x12C00] =	vst v63  }
0x190: {  	s10 =	rddreg [dreg:$0x19]  }
0x191: {  	[tilespmem:s24], [sflag:$0x2] =	stream.linear.gather [hbm4b:s10+s1], $0x2000, $0x38;
	[tilespmem:$0x12C00] =	vst v63  }
0x192: {  	_ =	swait.ge [sflag:s3], $0x2000  }
0x193: {  	[sflag:s3] =	ssyncset.done $0x0  }
0x194: {  	[sflag:s3] =	ssyncadd.s32 $0xFFFFE000  }
0x195: {  	_ =	swait.ge [sflag:s3], $0x2000  }
0x196: {  	[sflag:s3] =	ssyncset.done $0x0  }
0x197: {  	[sflag:s3] =	ssyncadd.s32 $0xFFFFE000  }
0x198: {  	_ =	swait.ge [sflag:s7], $0x2000  }
0x199: {  	[sflag:s7] =	ssyncset.done $0x0  }
0x19a: {  	s11 =	simm.s32 $0xAC20;
	[sflag:s7] =	ssyncadd.s32 $0xFFFFE000  }
0x19b: {  	v0 =	vld [tilespmem:s11+$0x10];
	_ =	sdelay $0x2  }
0x19c: {  	v1 =	vld [tilespmem:s11+$0xFFFFFFE0]  }
0x19d: {  	v2 =	vld [tilespmem:s11+$0xFFFFFFF0]  }
0x19e: {  	v0 =	vadd.s32 $0xFFFFFFFF, v0  }
0x19f: {  	s12 =	simm.s32 $0x4C20;
	v3 =	vld [tilespmem:s11+$0x0]  }
0x1a0: {  	s13 =	simm.s32 $0xAC60;
	v4 =	vld [tilespmem:s12+$0x10]  }
0x1a1: {  	v5 =	vld [tilespmem:s13+$0x10];
	v1 =	vadd.s32 $0xFFFFFFFF, v1  }
0x1a2: {  	v6 =	vld [tilespmem:s13+$0xFFFFFFF0];
	v2 =	vadd.s32 $0xFFFFFFFF, v2  }
0x1a3: {  	v0 =	vld.idx.msk [tilespmem:v0+s30+$0x0], $0xffff  }
0x1a4: {  	v7 =	vld [tilespmem:s13+$0x0];
	v3 =	vadd.s32 $0xFFFFFFFF, v3  }
0x1a5: {  	v9 =	vld [tilespmem:s13+$0xFFFFFFE0]  }
0x1a6: {  	v10 =	vld.idx.msk [tilespmem:v1+s30+$0x0], $0xffff  }
0x1a7: {  	v1 =	vadd.s32 $0xFFFFFFFF, v5;
	v13 =	vld.idx.msk [tilespmem:v2+s30+$0x0], $0xffff  }
0x1a8: {  	v8 =	vld [tilespmem:s12+$0xFFFFFFE0];
	v5 =	vand.u32 $0xFFFF0000, v0  }
0x1a9: {  	v2 =	vld.idx.msk [tilespmem:v3+s30+$0x0], $0xffff;
	v3 =	vmul.f32 v5, v4  }
0x1aa: {  	v4 =	vshll.u32 v0, $0x10;
	v5 =	vld [tilespmem:s12+$0xFFFFFFF0]  }
0x1ab: {  	v0 =	vadd.s32 $0xFFFFFFFF, v6;
	v6 =	vadd.f32 v4, v3;
	v4 =	vld [tilespmem:s12+$0x0]  }
0x1ac: {  	s9 =	simm.s32 $0x10C20;
	s10 =	simm.s32 $0x4C60;
	v1 =	vld.idx.msk [tilespmem:v1+s30+$0x0], $0xffff;
	v11 =	vand.u32 $0xFFFF0000, v10;
	v12 =	vand.u32 $0xFFFF0000, v13;
	v3 =	vadd.s32 $0xFFFFFFFF, v7  }
0x1ad: {  	s11 =	simm.s32 $0x40;
	v7 =	vadd.s32 $0xFFFFFFFF, v9;
	v9 =	vshll.u32 v10, $0x10;
	s12 =	simm.s32 $0xACA0;
	v10 =	vshll.u32 v13, $0x10;
	[tilespmem:s9+$0x10] =	vst v6;
	v6 =	vld [tilespmem:s10+$0x10]  }
.LBB2_14:
0x1ae: {  	v13 =	vld [tilespmem:s12+$0x10];
	s11 =	sadd.s32 $0x40, s11;
	v8 =	vmul.f32 v11, v8;
	v11 =	vand.u32 $0xFFFF0000, v2;
	v2 =	vshll.u32 v2, $0x10  }
0x1af: {  	v14 =	vld [tilespmem:s12+$0xFFFFFFF0];
	p0 =	slt.u32 s11, $0x1FC0;
	v5 =	vmul.f32 v12, v5  }
0x1b0: {  	v12 =	vld [tilespmem:s12+$0x0];
	v8 =	vadd.f32 v9, v8;
	v4 =	vmul.f32 v11, v4  }
0x1b1: {  	v9 =	vld [tilespmem:s12+$0xFFFFFFE0];
	v5 =	vadd.f32 v10, v5  }
0x1b2: {  	v10 =	vld.idx.msk [tilespmem:v7+s30+$0x0], $0xffff;
	v7 =	vand.u32 $0xFFFF0000, v1;
	[tilespmem:s9+$0xFFFFFFE0] =	vst v8;
	v4 =	vadd.f32 v2, v4  }
0x1b3: {  	v11 =	vadd.s32 $0xFFFFFFFF, v13;
	v13 =	vld.idx.msk [tilespmem:v0+s30+$0x0], $0xffff;
	v6 =	vmul.f32 v7, v6;
	[tilespmem:s9+$0xFFFFFFF0] =	vst v5  }
0x1b4: {  	v1 =	vshll.u32 v1, $0x10;
	v0 =	vadd.s32 $0xFFFFFFFF, v14;
	v2 =	vld.idx.msk [tilespmem:v3+s30+$0x0], $0xffff;
	[tilespmem:s9+$0x0] =	vst v4  }
.Ltmp6:
0x1b5: {  	v3 =	vadd.s32 $0xFFFFFFFF, v12;
	v8 =	vld [tilespmem:s10+$0xFFFFFFE0];
	v1 =	vadd.f32 v1, v6;
	(pc) =	sbr.rel @p0 .LBB2_14-.Ltmp6, $4  }
0x1b6: {  	s9 =	sadd.s32 $0x40, s9;
	v7 =	vadd.s32 $0xFFFFFFFF, v9;
	v5 =	vld [tilespmem:s10+$0xFFFFFFF0]  }
0x1b7: {  	v4 =	vld [tilespmem:s10+$0x0];
	[tilespmem:s9+$0x10] =	vst v1  }
0x1b8: {  	v9 =	vshll.u32 v10, $0x10;
	s10 =	sadd.s32 $0x40, s10;
	v1 =	vld.idx.msk [tilespmem:v11+s30+$0x0], $0xffff;
	v11 =	vand.u32 $0xFFFF0000, v10  }
0x1b9: {  	s12 =	sadd.s32 $0x40, s12;
	v12 =	vand.u32 $0xFFFF0000, v13;
	v10 =	vshll.u32 v13, $0x10;
	v6 =	vld [tilespmem:s10+$0x10]  }
0x1ba: {  	_ =	sdelay $0x3  }
0x1bb: {  	v7 =	vld.idx.msk [tilespmem:v7+s30+$0x0], $0xffff  }
0x1bc: {  	v0 =	vld.idx.msk [tilespmem:v0+s30+$0x0], $0xffff  }
0x1bd: {  	v3 =	vld.idx.msk [tilespmem:v3+s30+$0x0], $0xffff  }
0x1be: {  	v8 =	vmul.f32 v11, v8;
	v11 =	vld [tilespmem:s10+$0xFFFFFFE0]  }
0x1bf: {  	v13 =	vand.u32 $0xFFFF0000, v2;
	v5 =	vmul.f32 v12, v5;
	v12 =	vld [tilespmem:s10+$0xFFFFFFF0]  }
0x1c0: {  	v8 =	vadd.f32 v9, v8;
	v4 =	vmul.f32 v13, v4;
	v13 =	vld [tilespmem:s10+$0x0];
	v9 =	vand.u32 $0xFFFF0000, v1  }
0x1c1: {  	v2 =	vshll.u32 v2, $0x10;
	v5 =	vadd.f32 v10, v5;
	v6 =	vmul.f32 v9, v6  }
0x1c2: {  	v1 =	vshll.u32 v1, $0x10;
	v2 =	vadd.f32 v2, v4;
	v4 =	vand.u32 $0xFFFF0000, v7  }
0x1c3: {  	[tilespmem:s9+$0xFFFFFFE0] =	vst v8;
	v1 =	vadd.f32 v1, v6;
	v6 =	vand.u32 $0xFFFF0000, v0;
	v4 =	vmul.f32 v4, v11  }
0x1c4: {  	[tilespmem:s9+$0xFFFFFFF0] =	vst v5;
	v5 =	vshll.u32 v7, $0x10;
	v7 =	vand.u32 $0xFFFF0000, v3;
	v6 =	vmul.f32 v6, v12  }
0x1c5: {  	s12 =	sadd.s32 $0x40, s9;
	[tilespmem:s9+$0x0] =	vst v2;
	v0 =	vshll.u32 v0, $0x10;
	v2 =	vadd.f32 v5, v4;
	v4 =	vmul.f32 v7, v13  }
0x1c6: {  	[tilespmem:s12+$0x10] =	vst v1;
	v1 =	vshll.u32 v3, $0x10;
	v0 =	vadd.f32 v0, v6  }
0x1c7: {  	[tilespmem:s12+$0xFFFFFFE0] =	vst v2;
	v1 =	vadd.f32 v1, v4  }
0x1c8: {  	[tilespmem:s12+$0xFFFFFFF0] =	vst v0  }
0x1c9: {  	[tilespmem:s12+$0x0] =	vst v1  }
0x1ca: {  	s9 =	rddreg [dreg:$0x16]  }
0x1cb: {  	[hbm4b:s9+s1] =	stream.linear.scatter [tilespmem:s4], [sflag:$0x6], $0x2000, $0x38;
	[tilespmem:$0x12C00] =	vst v63  }
0x1cc: {  	s13 =	rddreg [dreg:$0x1b]  }
0x1cd: {  	[tilespmem:s26], [sflag:$0x3] =	stream.linear.gather [hbm4b:s13+s1], $0x2000, $0x38;
	[tilespmem:$0x12C00] =	vst v63  }
0x1ce: {  	s10 =	rddreg [dreg:$0x1c]  }
0x1cf: {  	[tilespmem:s28], [sflag:$0x3] =	stream.linear.gather [hbm4b:s10+s1], $0x2000, $0x38;
	[tilespmem:$0x12C00] =	vst v63  }
0x1d0: {  	_ =	swait.ge [sflag:s29], $0x2000  }
0x1d1: {  	[sflag:s29] =	ssyncset.done $0x0  }
0x1d2: {  	[sflag:s29] =	ssyncadd.s32 $0xFFFFE000  }
0x1d3: {  	_ =	swait.ge [sflag:s29], $0x2000  }
0x1d4: {  	[sflag:s29] =	ssyncset.done $0x0  }
0x1d5: {  	[sflag:s29] =	ssyncadd.s32 $0xFFFFE000  }
0x1d6: {  	_ =	swait.ge [sflag:s5], $0x2000  }
0x1d7: {  	[sflag:s5] =	ssyncset.done $0x0  }
0x1d8: {  	s11 =	simm.s32 $0x6C20;
	[sflag:s5] =	ssyncadd.s32 $0xFFFFE000  }
0x1d9: {  	v0 =	vld [tilespmem:s11+$0x10];
	_ =	sdelay $0x2  }
0x1da: {  	v1 =	vld [tilespmem:s11+$0xFFFFFFE0]  }
0x1db: {  	v2 =	vld [tilespmem:s11+$0xFFFFFFF0]  }
0x1dc: {  	v0 =	vadd.s32 $0xFFFFFFFF, v0  }
0x1dd: {  	s12 =	simm.s32 $0xC20;
	v3 =	vld [tilespmem:s11+$0x0]  }
0x1de: {  	s13 =	simm.s32 $0x6C60;
	v4 =	vld [tilespmem:s12+$0x10]  }
0x1df: {  	v5 =	vld [tilespmem:s13+$0x10];
	v1 =	vadd.s32 $0xFFFFFFFF, v1  }
0x1e0: {  	v6 =	vld [tilespmem:s13+$0xFFFFFFF0];
	v2 =	vadd.s32 $0xFFFFFFFF, v2  }
0x1e1: {  	v0 =	vld.idx.msk [tilespmem:v0+s30+$0x0], $0xffff  }
0x1e2: {  	v7 =	vld [tilespmem:s13+$0x0];
	v3 =	vadd.s32 $0xFFFFFFFF, v3  }
0x1e3: {  	v9 =	vld [tilespmem:s13+$0xFFFFFFE0]  }
0x1e4: {  	v10 =	vld.idx.msk [tilespmem:v1+s30+$0x0], $0xffff  }
0x1e5: {  	v1 =	vadd.s32 $0xFFFFFFFF, v5;
	v13 =	vld.idx.msk [tilespmem:v2+s30+$0x0], $0xffff  }
0x1e6: {  	v8 =	vld [tilespmem:s12+$0xFFFFFFE0];
	v5 =	vand.u32 $0xFFFF0000, v0  }
0x1e7: {  	v2 =	vld.idx.msk [tilespmem:v3+s30+$0x0], $0xffff;
	v3 =	vmul.f32 v5, v4  }
0x1e8: {  	v4 =	vshll.u32 v0, $0x10;
	v5 =	vld [tilespmem:s12+$0xFFFFFFF0]  }
0x1e9: {  	v0 =	vadd.s32 $0xFFFFFFFF, v6;
	v6 =	vadd.f32 v4, v3;
	v4 =	vld [tilespmem:s12+$0x0]  }
0x1ea: {  	s9 =	simm.s32 $0xCC20;
	s10 =	simm.s32 $0xC60;
	v1 =	vld.idx.msk [tilespmem:v1+s30+$0x0], $0xffff;
	v11 =	vand.u32 $0xFFFF0000, v10;
	v12 =	vand.u32 $0xFFFF0000, v13;
	v3 =	vadd.s32 $0xFFFFFFFF, v7  }
0x1eb: {  	s11 =	simm.s32 $0x40;
	v7 =	vadd.s32 $0xFFFFFFFF, v9;
	v9 =	vshll.u32 v10, $0x10;
	s12 =	simm.s32 $0x6CA0;
	v10 =	vshll.u32 v13, $0x10;
	[tilespmem:s9+$0x10] =	vst v6;
	v6 =	vld [tilespmem:s10+$0x10]  }
.LBB2_16:
0x1ec: {  	v13 =	vld [tilespmem:s12+$0x10];
	s11 =	sadd.s32 $0x40, s11;
	v8 =	vmul.f32 v11, v8;
	v11 =	vand.u32 $0xFFFF0000, v2;
	v2 =	vshll.u32 v2, $0x10  }
0x1ed: {  	v14 =	vld [tilespmem:s12+$0xFFFFFFF0];
	p0 =	slt.u32 s11, $0x1FC0;
	v5 =	vmul.f32 v12, v5  }
0x1ee: {  	v12 =	vld [tilespmem:s12+$0x0];
	v8 =	vadd.f32 v9, v8;
	v4 =	vmul.f32 v11, v4  }
0x1ef: {  	v9 =	vld [tilespmem:s12+$0xFFFFFFE0];
	v5 =	vadd.f32 v10, v5  }
0x1f0: {  	v10 =	vld.idx.msk [tilespmem:v7+s30+$0x0], $0xffff;
	v7 =	vand.u32 $0xFFFF0000, v1;
	[tilespmem:s9+$0xFFFFFFE0] =	vst v8;
	v4 =	vadd.f32 v2, v4  }
0x1f1: {  	v11 =	vadd.s32 $0xFFFFFFFF, v13;
	v13 =	vld.idx.msk [tilespmem:v0+s30+$0x0], $0xffff;
	v6 =	vmul.f32 v7, v6;
	[tilespmem:s9+$0xFFFFFFF0] =	vst v5  }
0x1f2: {  	v1 =	vshll.u32 v1, $0x10;
	v0 =	vadd.s32 $0xFFFFFFFF, v14;
	v2 =	vld.idx.msk [tilespmem:v3+s30+$0x0], $0xffff;
	[tilespmem:s9+$0x0] =	vst v4  }
.Ltmp7:
0x1f3: {  	v3 =	vadd.s32 $0xFFFFFFFF, v12;
	v8 =	vld [tilespmem:s10+$0xFFFFFFE0];
	v1 =	vadd.f32 v1, v6;
	(pc) =	sbr.rel @p0 .LBB2_16-.Ltmp7, $4  }
0x1f4: {  	s9 =	sadd.s32 $0x40, s9;
	v7 =	vadd.s32 $0xFFFFFFFF, v9;
	v5 =	vld [tilespmem:s10+$0xFFFFFFF0]  }
0x1f5: {  	v4 =	vld [tilespmem:s10+$0x0];
	[tilespmem:s9+$0x10] =	vst v1  }
0x1f6: {  	v9 =	vshll.u32 v10, $0x10;
	s10 =	sadd.s32 $0x40, s10;
	v1 =	vld.idx.msk [tilespmem:v11+s30+$0x0], $0xffff;
	v11 =	vand.u32 $0xFFFF0000, v10  }
0x1f7: {  	s12 =	sadd.s32 $0x40, s12;
	v12 =	vand.u32 $0xFFFF0000, v13;
	v10 =	vshll.u32 v13, $0x10;
	v6 =	vld [tilespmem:s10+$0x10]  }
0x1f8: {  	_ =	sdelay $0x3  }
0x1f9: {  	v7 =	vld.idx.msk [tilespmem:v7+s30+$0x0], $0xffff  }
0x1fa: {  	v0 =	vld.idx.msk [tilespmem:v0+s30+$0x0], $0xffff  }
0x1fb: {  	v3 =	vld.idx.msk [tilespmem:v3+s30+$0x0], $0xffff  }
0x1fc: {  	v8 =	vmul.f32 v11, v8;
	v11 =	vld [tilespmem:s10+$0xFFFFFFE0]  }
0x1fd: {  	v13 =	vand.u32 $0xFFFF0000, v2;
	v5 =	vmul.f32 v12, v5;
	v12 =	vld [tilespmem:s10+$0xFFFFFFF0]  }
0x1fe: {  	v8 =	vadd.f32 v9, v8;
	v4 =	vmul.f32 v13, v4;
	v13 =	vld [tilespmem:s10+$0x0];
	v9 =	vand.u32 $0xFFFF0000, v1  }
0x1ff: {  	v2 =	vshll.u32 v2, $0x10;
	v5 =	vadd.f32 v10, v5;
	v6 =	vmul.f32 v9, v6  }
0x200: {  	v1 =	vshll.u32 v1, $0x10;
	v2 =	vadd.f32 v2, v4;
	v4 =	vand.u32 $0xFFFF0000, v7  }
0x201: {  	[tilespmem:s9+$0xFFFFFFE0] =	vst v8;
	v1 =	vadd.f32 v1, v6;
	v6 =	vand.u32 $0xFFFF0000, v0;
	v4 =	vmul.f32 v4, v11  }
0x202: {  	[tilespmem:s9+$0xFFFFFFF0] =	vst v5;
	v5 =	vshll.u32 v7, $0x10;
	v7 =	vand.u32 $0xFFFF0000, v3;
	v6 =	vmul.f32 v6, v12  }
0x203: {  	s12 =	sadd.s32 $0x40, s9;
	[tilespmem:s9+$0x0] =	vst v2;
	v0 =	vshll.u32 v0, $0x10;
	v2 =	vadd.f32 v5, v4;
	v4 =	vmul.f32 v7, v13  }
0x204: {  	[tilespmem:s12+$0x10] =	vst v1;
	v1 =	vshll.u32 v3, $0x10;
	v0 =	vadd.f32 v0, v6  }
0x205: {  	[tilespmem:s12+$0xFFFFFFE0] =	vst v2;
	v1 =	vadd.f32 v1, v4  }
0x206: {  	[tilespmem:s12+$0xFFFFFFF0] =	vst v0  }
0x207: {  	[tilespmem:s12+$0x0] =	vst v1  }
0x208: {  	s9 =	rddreg [dreg:$0x17]  }
0x209: {  	[hbm4b:s9+s1] =	stream.linear.scatter [tilespmem:s31], [sflag:$0x4], $0x2000, $0x38;
	[tilespmem:$0x12C00] =	vst v63  }
0x20a: {  	s13 =	rddreg [dreg:$0x1e]  }
0x20b: {  	[tilespmem:s21], [sflag:$0x1] =	stream.linear.gather [hbm4b:s13+s1], $0x2000, $0x38;
	[tilespmem:$0x12C00] =	vst v63  }
0x20c: {  	s10 =	rddreg [dreg:$0x1f]  }
0x20d: {  	[tilespmem:s22], [sflag:$0x1] =	stream.linear.gather [hbm4b:s10+s1], $0x2000, $0x38;
	[tilespmem:$0x12C00] =	vst v63  }
0x20e: {  	_ =	swait.ge [sflag:s0], $0x2000  }
0x20f: {  	[sflag:s0] =	ssyncset.done $0x0  }
0x210: {  	[sflag:s0] =	ssyncadd.s32 $0xFFFFE000  }
0x211: {  	_ =	swait.ge [sflag:s0], $0x2000  }
0x212: {  	[sflag:s0] =	ssyncset.done $0x0  }
0x213: {  	[sflag:s0] =	ssyncadd.s32 $0xFFFFE000  }
0x214: {  	_ =	swait.ge [sflag:s6], $0x2000  }
0x215: {  	[sflag:s6] =	ssyncset.done $0x0  }
0x216: {  	s11 =	simm.s32 $0x8C20;
	[sflag:s6] =	ssyncadd.s32 $0xFFFFE000  }
0x217: {  	v0 =	vld [tilespmem:s11+$0x10];
	_ =	sdelay $0x2  }
0x218: {  	v1 =	vld [tilespmem:s11+$0xFFFFFFE0]  }
0x219: {  	v2 =	vld [tilespmem:s11+$0xFFFFFFF0]  }
0x21a: {  	v0 =	vadd.s32 $0xFFFFFFFF, v0  }
0x21b: {  	s12 =	simm.s32 $0x2C20;
	v3 =	vld [tilespmem:s11+$0x0]  }
0x21c: {  	s13 =	simm.s32 $0x8C60;
	v4 =	vld [tilespmem:s12+$0x10]  }
0x21d: {  	v5 =	vld [tilespmem:s13+$0x10];
	v1 =	vadd.s32 $0xFFFFFFFF, v1  }
0x21e: {  	v6 =	vld [tilespmem:s13+$0xFFFFFFF0];
	v2 =	vadd.s32 $0xFFFFFFFF, v2  }
0x21f: {  	v0 =	vld.idx.msk [tilespmem:v0+s30+$0x0], $0xffff  }
0x220: {  	v7 =	vld [tilespmem:s13+$0x0];
	v3 =	vadd.s32 $0xFFFFFFFF, v3  }
0x221: {  	v9 =	vld [tilespmem:s13+$0xFFFFFFE0]  }
0x222: {  	v10 =	vld.idx.msk [tilespmem:v1+s30+$0x0], $0xffff  }
0x223: {  	v1 =	vadd.s32 $0xFFFFFFFF, v5;
	v13 =	vld.idx.msk [tilespmem:v2+s30+$0x0], $0xffff  }
0x224: {  	v8 =	vld [tilespmem:s12+$0xFFFFFFE0];
	v5 =	vand.u32 $0xFFFF0000, v0  }
0x225: {  	v2 =	vld.idx.msk [tilespmem:v3+s30+$0x0], $0xffff;
	v3 =	vmul.f32 v5, v4  }
0x226: {  	v4 =	vshll.u32 v0, $0x10;
	v5 =	vld [tilespmem:s12+$0xFFFFFFF0]  }
0x227: {  	v0 =	vadd.s32 $0xFFFFFFFF, v6;
	v6 =	vadd.f32 v4, v3;
	v4 =	vld [tilespmem:s12+$0x0]  }
0x228: {  	s9 =	simm.s32 $0xEC20;
	s10 =	simm.s32 $0x2C60;
	v1 =	vld.idx.msk [tilespmem:v1+s30+$0x0], $0xffff;
	v11 =	vand.u32 $0xFFFF0000, v10;
	v12 =	vand.u32 $0xFFFF0000, v13;
	v3 =	vadd.s32 $0xFFFFFFFF, v7  }
0x229: {  	s11 =	simm.s32 $0x40;
	v7 =	vadd.s32 $0xFFFFFFFF, v9;
	v9 =	vshll.u32 v10, $0x10;
	s12 =	simm.s32 $0x8CA0;
	v10 =	vshll.u32 v13, $0x10;
	[tilespmem:s9+$0x10] =	vst v6;
	v6 =	vld [tilespmem:s10+$0x10]  }
.LBB2_18:
0x22a: {  	v13 =	vld [tilespmem:s12+$0x10];
	s11 =	sadd.s32 $0x40, s11;
	v8 =	vmul.f32 v11, v8;
	v11 =	vand.u32 $0xFFFF0000, v2;
	v2 =	vshll.u32 v2, $0x10  }
0x22b: {  	v14 =	vld [tilespmem:s12+$0xFFFFFFF0];
	p0 =	slt.u32 s11, $0x1FC0;
	v5 =	vmul.f32 v12, v5  }
0x22c: {  	v12 =	vld [tilespmem:s12+$0x0];
	v8 =	vadd.f32 v9, v8;
	v4 =	vmul.f32 v11, v4  }
0x22d: {  	v9 =	vld [tilespmem:s12+$0xFFFFFFE0];
	v5 =	vadd.f32 v10, v5  }
0x22e: {  	v10 =	vld.idx.msk [tilespmem:v7+s30+$0x0], $0xffff;
	v7 =	vand.u32 $0xFFFF0000, v1;
	[tilespmem:s9+$0xFFFFFFE0] =	vst v8;
	v4 =	vadd.f32 v2, v4  }
0x22f: {  	v11 =	vadd.s32 $0xFFFFFFFF, v13;
	v13 =	vld.idx.msk [tilespmem:v0+s30+$0x0], $0xffff;
	v6 =	vmul.f32 v7, v6;
	[tilespmem:s9+$0xFFFFFFF0] =	vst v5  }
0x230: {  	v1 =	vshll.u32 v1, $0x10;
	v0 =	vadd.s32 $0xFFFFFFFF, v14;
	v2 =	vld.idx.msk [tilespmem:v3+s30+$0x0], $0xffff;
	[tilespmem:s9+$0x0] =	vst v4  }
.Ltmp8:
0x231: {  	v3 =	vadd.s32 $0xFFFFFFFF, v12;
	v8 =	vld [tilespmem:s10+$0xFFFFFFE0];
	v1 =	vadd.f32 v1, v6;
	(pc) =	sbr.rel @p0 .LBB2_18-.Ltmp8, $4  }
0x232: {  	s9 =	sadd.s32 $0x40, s9;
	v7 =	vadd.s32 $0xFFFFFFFF, v9;
	v5 =	vld [tilespmem:s10+$0xFFFFFFF0]  }
0x233: {  	v4 =	vld [tilespmem:s10+$0x0];
	[tilespmem:s9+$0x10] =	vst v1  }
0x234: {  	v9 =	vshll.u32 v10, $0x10;
	s10 =	sadd.s32 $0x40, s10;
	v1 =	vld.idx.msk [tilespmem:v11+s30+$0x0], $0xffff;
	v11 =	vand.u32 $0xFFFF0000, v10  }
0x235: {  	s12 =	sadd.s32 $0x40, s12;
	v12 =	vand.u32 $0xFFFF0000, v13;
	v10 =	vshll.u32 v13, $0x10;
	v6 =	vld [tilespmem:s10+$0x10]  }
0x236: {  	_ =	sdelay $0x3  }
0x237: {  	v7 =	vld.idx.msk [tilespmem:v7+s30+$0x0], $0xffff  }
0x238: {  	v0 =	vld.idx.msk [tilespmem:v0+s30+$0x0], $0xffff  }
0x239: {  	v3 =	vld.idx.msk [tilespmem:v3+s30+$0x0], $0xffff  }
0x23a: {  	v8 =	vmul.f32 v11, v8;
	v11 =	vld [tilespmem:s10+$0xFFFFFFE0]  }
0x23b: {  	v13 =	vand.u32 $0xFFFF0000, v2;
	v5 =	vmul.f32 v12, v5;
	v12 =	vld [tilespmem:s10+$0xFFFFFFF0]  }
0x23c: {  	v8 =	vadd.f32 v9, v8;
	v4 =	vmul.f32 v13, v4;
	v13 =	vld [tilespmem:s10+$0x0];
	v9 =	vand.u32 $0xFFFF0000, v1  }
0x23d: {  	v2 =	vshll.u32 v2, $0x10;
	v5 =	vadd.f32 v10, v5;
	v6 =	vmul.f32 v9, v6  }
0x23e: {  	v1 =	vshll.u32 v1, $0x10;
	v2 =	vadd.f32 v2, v4;
	v4 =	vand.u32 $0xFFFF0000, v7  }
0x23f: {  	[tilespmem:s9+$0xFFFFFFE0] =	vst v8;
	v1 =	vadd.f32 v1, v6;
	v6 =	vand.u32 $0xFFFF0000, v0;
	v4 =	vmul.f32 v4, v11  }
0x240: {  	[tilespmem:s9+$0xFFFFFFF0] =	vst v5;
	v5 =	vshll.u32 v7, $0x10;
	v7 =	vand.u32 $0xFFFF0000, v3;
	v6 =	vmul.f32 v6, v12  }
0x241: {  	s12 =	sadd.s32 $0x40, s9;
	[tilespmem:s9+$0x0] =	vst v2;
	v0 =	vshll.u32 v0, $0x10;
	v2 =	vadd.f32 v5, v4;
	v4 =	vmul.f32 v7, v13  }
0x242: {  	[tilespmem:s12+$0x10] =	vst v1;
	v1 =	vshll.u32 v3, $0x10;
	v0 =	vadd.f32 v0, v6  }
0x243: {  	[tilespmem:s12+$0xFFFFFFE0] =	vst v2;
	v1 =	vadd.f32 v1, v4  }
0x244: {  	[tilespmem:s12+$0xFFFFFFF0] =	vst v0  }
0x245: {  	[tilespmem:s12+$0x0] =	vst v1  }
0x246: {  	s9 =	rddreg [dreg:$0x1a]  }
0x247: {  	s13 =	sld [smem:$0x7EF]  }
0x248: {  	[hbm4b:s9+s1] =	stream.linear.scatter [tilespmem:s2], [sflag:$0x5], $0x2000, $0x38;
	[tilespmem:$0x12C00] =	vst v63  }
0x249: {  	s10 =	sld [smem:$0x7F0]  }
0x24a: {  	[tilespmem:s23], [sflag:$0x2] =	stream.linear.gather [hbm4b:s13+s1], $0x2000, $0x38;
	[tilespmem:$0x12C00] =	vst v63  }
0x24b: {  	_ = 	snop  }
0x24c: {  	[tilespmem:s24], [sflag:$0x2] =	stream.linear.gather [hbm4b:s10+s1], $0x2000, $0x38;
	[tilespmem:$0x12C00] =	vst v63  }
0x24d: {  	_ =	swait.ge [sflag:s3], $0x2000  }
0x24e: {  	[sflag:s3] =	ssyncset.done $0x0  }
0x24f: {  	[sflag:s3] =	ssyncadd.s32 $0xFFFFE000  }
0x250: {  	_ =	swait.ge [sflag:s3], $0x2000  }
0x251: {  	[sflag:s3] =	ssyncset.done $0x0  }
0x252: {  	[sflag:s3] =	ssyncadd.s32 $0xFFFFE000  }
0x253: {  	_ =	swait.ge [sflag:s7], $0x2000  }
0x254: {  	[sflag:s7] =	ssyncset.done $0x0  }
0x255: {  	s11 =	simm.s32 $0xAC20;
	[sflag:s7] =	ssyncadd.s32 $0xFFFFE000  }
0x256: {  	v0 =	vld [tilespmem:s11+$0x10];
	_ =	sdelay $0x2  }
0x257: {  	v1 =	vld [tilespmem:s11+$0xFFFFFFE0]  }
0x258: {  	v2 =	vld [tilespmem:s11+$0xFFFFFFF0]  }
0x259: {  	v0 =	vadd.s32 $0xFFFFFFFF, v0  }
0x25a: {  	s12 =	simm.s32 $0x4C20;
	v3 =	vld [tilespmem:s11+$0x0]  }
0x25b: {  	s13 =	simm.s32 $0xAC60;
	v4 =	vld [tilespmem:s12+$0x10]  }
0x25c: {  	v5 =	vld [tilespmem:s13+$0x10];
	v1 =	vadd.s32 $0xFFFFFFFF, v1  }
0x25d: {  	v6 =	vld [tilespmem:s13+$0xFFFFFFF0];
	v2 =	vadd.s32 $0xFFFFFFFF, v2  }
0x25e: {  	v0 =	vld.idx.msk [tilespmem:v0+s30+$0x0], $0xffff  }
0x25f: {  	v7 =	vld [tilespmem:s13+$0x0];
	v3 =	vadd.s32 $0xFFFFFFFF, v3  }
0x260: {  	v9 =	vld [tilespmem:s13+$0xFFFFFFE0]  }
0x261: {  	v10 =	vld.idx.msk [tilespmem:v1+s30+$0x0], $0xffff  }
0x262: {  	v1 =	vadd.s32 $0xFFFFFFFF, v5;
	v13 =	vld.idx.msk [tilespmem:v2+s30+$0x0], $0xffff  }
0x263: {  	v8 =	vld [tilespmem:s12+$0xFFFFFFE0];
	v5 =	vand.u32 $0xFFFF0000, v0  }
0x264: {  	v2 =	vld.idx.msk [tilespmem:v3+s30+$0x0], $0xffff;
	v3 =	vmul.f32 v5, v4  }
0x265: {  	v4 =	vshll.u32 v0, $0x10;
	v5 =	vld [tilespmem:s12+$0xFFFFFFF0]  }
0x266: {  	v0 =	vadd.s32 $0xFFFFFFFF, v6;
	v6 =	vadd.f32 v4, v3;
	v4 =	vld [tilespmem:s12+$0x0]  }
0x267: {  	s9 =	simm.s32 $0x10C20;
	s10 =	simm.s32 $0x4C60;
	v1 =	vld.idx.msk [tilespmem:v1+s30+$0x0], $0xffff;
	v11 =	vand.u32 $0xFFFF0000, v10;
	v12 =	vand.u32 $0xFFFF0000, v13;
	v3 =	vadd.s32 $0xFFFFFFFF, v7  }
0x268: {  	s11 =	simm.s32 $0x40;
	v7 =	vadd.s32 $0xFFFFFFFF, v9;
	v9 =	vshll.u32 v10, $0x10;
	s12 =	simm.s32 $0xACA0;
	v10 =	vshll.u32 v13, $0x10;
	[tilespmem:s9+$0x10] =	vst v6;
	v6 =	vld [tilespmem:s10+$0x10]  }
.LBB2_20:
0x269: {  	v13 =	vld [tilespmem:s12+$0x10];
	s11 =	sadd.s32 $0x40, s11;
	v8 =	vmul.f32 v11, v8;
	v11 =	vand.u32 $0xFFFF0000, v2;
	v2 =	vshll.u32 v2, $0x10  }
0x26a: {  	v14 =	vld [tilespmem:s12+$0xFFFFFFF0];
	p0 =	slt.u32 s11, $0x1FC0;
	v5 =	vmul.f32 v12, v5  }
0x26b: {  	v12 =	vld [tilespmem:s12+$0x0];
	v8 =	vadd.f32 v9, v8;
	v4 =	vmul.f32 v11, v4  }
0x26c: {  	v9 =	vld [tilespmem:s12+$0xFFFFFFE0];
	v5 =	vadd.f32 v10, v5  }
0x26d: {  	v10 =	vld.idx.msk [tilespmem:v7+s30+$0x0], $0xffff;
	v7 =	vand.u32 $0xFFFF0000, v1;
	[tilespmem:s9+$0xFFFFFFE0] =	vst v8;
	v4 =	vadd.f32 v2, v4  }
0x26e: {  	v11 =	vadd.s32 $0xFFFFFFFF, v13;
	v13 =	vld.idx.msk [tilespmem:v0+s30+$0x0], $0xffff;
	v6 =	vmul.f32 v7, v6;
	[tilespmem:s9+$0xFFFFFFF0] =	vst v5  }
0x26f: {  	v1 =	vshll.u32 v1, $0x10;
	v0 =	vadd.s32 $0xFFFFFFFF, v14;
	v2 =	vld.idx.msk [tilespmem:v3+s30+$0x0], $0xffff;
	[tilespmem:s9+$0x0] =	vst v4  }
.Ltmp9:
0x270: {  	v3 =	vadd.s32 $0xFFFFFFFF, v12;
	v8 =	vld [tilespmem:s10+$0xFFFFFFE0];
	v1 =	vadd.f32 v1, v6;
	(pc) =	sbr.rel @p0 .LBB2_20-.Ltmp9, $4  }
0x271: {  	s9 =	sadd.s32 $0x40, s9;
	v7 =	vadd.s32 $0xFFFFFFFF, v9;
	v5 =	vld [tilespmem:s10+$0xFFFFFFF0]  }
0x272: {  	v4 =	vld [tilespmem:s10+$0x0];
	[tilespmem:s9+$0x10] =	vst v1  }
0x273: {  	v9 =	vshll.u32 v10, $0x10;
	s10 =	sadd.s32 $0x40, s10;
	v1 =	vld.idx.msk [tilespmem:v11+s30+$0x0], $0xffff;
	v11 =	vand.u32 $0xFFFF0000, v10  }
0x274: {  	s12 =	sadd.s32 $0x40, s12;
	v12 =	vand.u32 $0xFFFF0000, v13;
	v10 =	vshll.u32 v13, $0x10;
	v6 =	vld [tilespmem:s10+$0x10]  }
0x275: {  	_ =	sdelay $0x3  }
0x276: {  	v7 =	vld.idx.msk [tilespmem:v7+s30+$0x0], $0xffff  }
0x277: {  	v0 =	vld.idx.msk [tilespmem:v0+s30+$0x0], $0xffff  }
0x278: {  	v3 =	vld.idx.msk [tilespmem:v3+s30+$0x0], $0xffff  }
0x279: {  	v8 =	vmul.f32 v11, v8;
	v11 =	vld [tilespmem:s10+$0xFFFFFFE0]  }
0x27a: {  	v13 =	vand.u32 $0xFFFF0000, v2;
	v5 =	vmul.f32 v12, v5;
	v12 =	vld [tilespmem:s10+$0xFFFFFFF0]  }
0x27b: {  	v8 =	vadd.f32 v9, v8;
	v4 =	vmul.f32 v13, v4;
	v13 =	vld [tilespmem:s10+$0x0];
	v9 =	vand.u32 $0xFFFF0000, v1  }
0x27c: {  	v2 =	vshll.u32 v2, $0x10;
	v5 =	vadd.f32 v10, v5;
	v6 =	vmul.f32 v9, v6  }
0x27d: {  	v1 =	vshll.u32 v1, $0x10;
	v2 =	vadd.f32 v2, v4;
	v4 =	vand.u32 $0xFFFF0000, v7  }
0x27e: {  	[tilespmem:s9+$0xFFFFFFE0] =	vst v8;
	v1 =	vadd.f32 v1, v6;
	v6 =	vand.u32 $0xFFFF0000, v0;
	v4 =	vmul.f32 v4, v11  }
0x27f: {  	[tilespmem:s9+$0xFFFFFFF0] =	vst v5;
	v5 =	vshll.u32 v7, $0x10;
	v7 =	vand.u32 $0xFFFF0000, v3;
	v6 =	vmul.f32 v6, v12  }
0x280: {  	s12 =	sadd.s32 $0x40, s9;
	[tilespmem:s9+$0x0] =	vst v2;
	v0 =	vshll.u32 v0, $0x10;
	v2 =	vadd.f32 v5, v4;
	v4 =	vmul.f32 v7, v13  }
0x281: {  	[tilespmem:s12+$0x10] =	vst v1;
	v1 =	vshll.u32 v3, $0x10;
	v0 =	vadd.f32 v0, v6  }
0x282: {  	[tilespmem:s12+$0xFFFFFFE0] =	vst v2;
	v1 =	vadd.f32 v1, v4  }
0x283: {  	[tilespmem:s12+$0xFFFFFFF0] =	vst v0  }
0x284: {  	[tilespmem:s12+$0x0] =	vst v1  }
0x285: {  	s9 =	rddreg [dreg:$0x1d]  }
0x286: {  	s13 =	sld [smem:$0x7F2]  }
0x287: {  	[hbm4b:s9+s1] =	stream.linear.scatter [tilespmem:s4], [sflag:$0x6], $0x2000, $0x38;
	[tilespmem:$0x12C00] =	vst v63  }
0x288: {  	s10 =	sld [smem:$0x7F3]  }
0x289: {  	[tilespmem:s26], [sflag:$0x3] =	stream.linear.gather [hbm4b:s13+s1], $0x2000, $0x38;
	[tilespmem:$0x12C00] =	vst v63  }
0x28a: {  	_ = 	snop  }
0x28b: {  	[tilespmem:s28], [sflag:$0x3] =	stream.linear.gather [hbm4b:s10+s1], $0x2000, $0x38;
	[tilespmem:$0x12C00] =	vst v63  }
0x28c: {  	_ =	swait.ge [sflag:s29], $0x2000  }
0x28d: {  	[sflag:s29] =	ssyncset.done $0x0  }
0x28e: {  	[sflag:s29] =	ssyncadd.s32 $0xFFFFE000  }
0x28f: {  	_ =	swait.ge [sflag:s29], $0x2000  }
0x290: {  	[sflag:s29] =	ssyncset.done $0x0  }
0x291: {  	[sflag:s29] =	ssyncadd.s32 $0xFFFFE000  }
0x292: {  	_ =	swait.ge [sflag:s5], $0x2000  }
0x293: {  	[sflag:s5] =	ssyncset.done $0x0  }
0x294: {  	s11 =	simm.s32 $0x6C20;
	[sflag:s5] =	ssyncadd.s32 $0xFFFFE000  }
0x295: {  	v0 =	vld [tilespmem:s11+$0x10];
	_ =	sdelay $0x2  }
0x296: {  	v1 =	vld [tilespmem:s11+$0xFFFFFFE0]  }
0x297: {  	v2 =	vld [tilespmem:s11+$0xFFFFFFF0]  }
0x298: {  	v0 =	vadd.s32 $0xFFFFFFFF, v0  }
0x299: {  	s12 =	simm.s32 $0xC20;
	v3 =	vld [tilespmem:s11+$0x0]  }
0x29a: {  	s13 =	simm.s32 $0x6C60;
	v4 =	vld [tilespmem:s12+$0x10]  }
0x29b: {  	v5 =	vld [tilespmem:s13+$0x10];
	v1 =	vadd.s32 $0xFFFFFFFF, v1  }
0x29c: {  	v6 =	vld [tilespmem:s13+$0xFFFFFFF0];
	v2 =	vadd.s32 $0xFFFFFFFF, v2  }
0x29d: {  	v0 =	vld.idx.msk [tilespmem:v0+s30+$0x0], $0xffff  }
0x29e: {  	v7 =	vld [tilespmem:s13+$0x0];
	v3 =	vadd.s32 $0xFFFFFFFF, v3  }
0x29f: {  	v9 =	vld [tilespmem:s13+$0xFFFFFFE0]  }
0x2a0: {  	v10 =	vld.idx.msk [tilespmem:v1+s30+$0x0], $0xffff  }
0x2a1: {  	v1 =	vadd.s32 $0xFFFFFFFF, v5;
	v13 =	vld.idx.msk [tilespmem:v2+s30+$0x0], $0xffff  }
0x2a2: {  	v8 =	vld [tilespmem:s12+$0xFFFFFFE0];
	v5 =	vand.u32 $0xFFFF0000, v0  }
0x2a3: {  	v2 =	vld.idx.msk [tilespmem:v3+s30+$0x0], $0xffff;
	v3 =	vmul.f32 v5, v4  }
0x2a4: {  	v4 =	vshll.u32 v0, $0x10;
	v5 =	vld [tilespmem:s12+$0xFFFFFFF0]  }
0x2a5: {  	v0 =	vadd.s32 $0xFFFFFFFF, v6;
	v6 =	vadd.f32 v4, v3;
	v4 =	vld [tilespmem:s12+$0x0]  }
0x2a6: {  	s9 =	simm.s32 $0xCC20;
	s10 =	simm.s32 $0xC60;
	v1 =	vld.idx.msk [tilespmem:v1+s30+$0x0], $0xffff;
	v11 =	vand.u32 $0xFFFF0000, v10;
	v12 =	vand.u32 $0xFFFF0000, v13;
	v3 =	vadd.s32 $0xFFFFFFFF, v7  }
0x2a7: {  	s11 =	simm.s32 $0x40;
	v7 =	vadd.s32 $0xFFFFFFFF, v9;
	v9 =	vshll.u32 v10, $0x10;
	s12 =	simm.s32 $0x6CA0;
	v10 =	vshll.u32 v13, $0x10;
	[tilespmem:s9+$0x10] =	vst v6;
	v6 =	vld [tilespmem:s10+$0x10]  }
.LBB2_22:
0x2a8: {  	v13 =	vld [tilespmem:s12+$0x10];
	s11 =	sadd.s32 $0x40, s11;
	v8 =	vmul.f32 v11, v8;
	v11 =	vand.u32 $0xFFFF0000, v2;
	v2 =	vshll.u32 v2, $0x10  }
0x2a9: {  	v14 =	vld [tilespmem:s12+$0xFFFFFFF0];
	p0 =	slt.u32 s11, $0x1FC0;
	v5 =	vmul.f32 v12, v5  }
0x2aa: {  	v12 =	vld [tilespmem:s12+$0x0];
	v8 =	vadd.f32 v9, v8;
	v4 =	vmul.f32 v11, v4  }
0x2ab: {  	v9 =	vld [tilespmem:s12+$0xFFFFFFE0];
	v5 =	vadd.f32 v10, v5  }
0x2ac: {  	v10 =	vld.idx.msk [tilespmem:v7+s30+$0x0], $0xffff;
	v7 =	vand.u32 $0xFFFF0000, v1;
	[tilespmem:s9+$0xFFFFFFE0] =	vst v8;
	v4 =	vadd.f32 v2, v4  }
0x2ad: {  	v11 =	vadd.s32 $0xFFFFFFFF, v13;
	v13 =	vld.idx.msk [tilespmem:v0+s30+$0x0], $0xffff;
	v6 =	vmul.f32 v7, v6;
	[tilespmem:s9+$0xFFFFFFF0] =	vst v5  }
0x2ae: {  	v1 =	vshll.u32 v1, $0x10;
	v0 =	vadd.s32 $0xFFFFFFFF, v14;
	v2 =	vld.idx.msk [tilespmem:v3+s30+$0x0], $0xffff;
	[tilespmem:s9+$0x0] =	vst v4  }
.Ltmp10:
0x2af: {  	v3 =	vadd.s32 $0xFFFFFFFF, v12;
	v8 =	vld [tilespmem:s10+$0xFFFFFFE0];
	v1 =	vadd.f32 v1, v6;
	(pc) =	sbr.rel @p0 .LBB2_22-.Ltmp10, $4  }
0x2b0: {  	s9 =	sadd.s32 $0x40, s9;
	v7 =	vadd.s32 $0xFFFFFFFF, v9;
	v5 =	vld [tilespmem:s10+$0xFFFFFFF0]  }
0x2b1: {  	v4 =	vld [tilespmem:s10+$0x0];
	[tilespmem:s9+$0x10] =	vst v1  }
0x2b2: {  	v9 =	vshll.u32 v10, $0x10;
	s10 =	sadd.s32 $0x40, s10;
	v1 =	vld.idx.msk [tilespmem:v11+s30+$0x0], $0xffff;
	v11 =	vand.u32 $0xFFFF0000, v10  }
0x2b3: {  	s12 =	sadd.s32 $0x40, s12;
	v12 =	vand.u32 $0xFFFF0000, v13;
	v10 =	vshll.u32 v13, $0x10;
	v6 =	vld [tilespmem:s10+$0x10]  }
0x2b4: {  	_ =	sdelay $0x3  }
0x2b5: {  	v7 =	vld.idx.msk [tilespmem:v7+s30+$0x0], $0xffff  }
0x2b6: {  	v0 =	vld.idx.msk [tilespmem:v0+s30+$0x0], $0xffff  }
0x2b7: {  	v3 =	vld.idx.msk [tilespmem:v3+s30+$0x0], $0xffff  }
0x2b8: {  	v8 =	vmul.f32 v11, v8;
	v11 =	vld [tilespmem:s10+$0xFFFFFFE0]  }
0x2b9: {  	v13 =	vand.u32 $0xFFFF0000, v2;
	v5 =	vmul.f32 v12, v5;
	v12 =	vld [tilespmem:s10+$0xFFFFFFF0]  }
0x2ba: {  	v8 =	vadd.f32 v9, v8;
	v4 =	vmul.f32 v13, v4;
	v13 =	vld [tilespmem:s10+$0x0];
	v9 =	vand.u32 $0xFFFF0000, v1  }
0x2bb: {  	v2 =	vshll.u32 v2, $0x10;
	v5 =	vadd.f32 v10, v5;
	v6 =	vmul.f32 v9, v6  }
0x2bc: {  	v1 =	vshll.u32 v1, $0x10;
	v2 =	vadd.f32 v2, v4;
	v4 =	vand.u32 $0xFFFF0000, v7  }
0x2bd: {  	[tilespmem:s9+$0xFFFFFFE0] =	vst v8;
	v1 =	vadd.f32 v1, v6;
	v6 =	vand.u32 $0xFFFF0000, v0;
	v4 =	vmul.f32 v4, v11  }
0x2be: {  	[tilespmem:s9+$0xFFFFFFF0] =	vst v5;
	v5 =	vshll.u32 v7, $0x10;
	v7 =	vand.u32 $0xFFFF0000, v3;
	v6 =	vmul.f32 v6, v12  }
0x2bf: {  	s12 =	sadd.s32 $0x40, s9;
	[tilespmem:s9+$0x0] =	vst v2;
	v0 =	vshll.u32 v0, $0x10;
	v2 =	vadd.f32 v5, v4;
	v4 =	vmul.f32 v7, v13  }
0x2c0: {  	[tilespmem:s12+$0x10] =	vst v1;
	v1 =	vshll.u32 v3, $0x10;
	v0 =	vadd.f32 v0, v6  }
0x2c1: {  	[tilespmem:s12+$0xFFFFFFE0] =	vst v2;
	v1 =	vadd.f32 v1, v4  }
0x2c2: {  	[tilespmem:s12+$0xFFFFFFF0] =	vst v0  }
0x2c3: {  	[tilespmem:s12+$0x0] =	vst v1  }
0x2c4: {  	s9 =	sld [smem:$0x7EE];
	_ =	sdelay $0x1  }
0x2c5: {  	s13 =	sld [smem:$0x7F5]  }
0x2c6: {  	[hbm4b:s9+s1] =	stream.linear.scatter [tilespmem:s31], [sflag:$0x4], $0x2000, $0x38;
	[tilespmem:$0x12C00] =	vst v63  }
0x2c7: {  	s10 =	sld [smem:$0x7F6]  }
0x2c8: {  	[tilespmem:s21], [sflag:$0x1] =	stream.linear.gather [hbm4b:s13+s1], $0x2000, $0x38;
	[tilespmem:$0x12C00] =	vst v63  }
0x2c9: {  	_ = 	snop  }
0x2ca: {  	[tilespmem:s22], [sflag:$0x1] =	stream.linear.gather [hbm4b:s10+s1], $0x2000, $0x38;
	[tilespmem:$0x12C00] =	vst v63  }
0x2cb: {  	_ =	swait.ge [sflag:s0], $0x2000  }
0x2cc: {  	[sflag:s0] =	ssyncset.done $0x0  }
0x2cd: {  	[sflag:s0] =	ssyncadd.s32 $0xFFFFE000  }
0x2ce: {  	_ =	swait.ge [sflag:s0], $0x2000  }
0x2cf: {  	[sflag:s0] =	ssyncset.done $0x0  }
0x2d0: {  	[sflag:s0] =	ssyncadd.s32 $0xFFFFE000  }
0x2d1: {  	_ =	swait.ge [sflag:s6], $0x2000  }
0x2d2: {  	[sflag:s6] =	ssyncset.done $0x0  }
0x2d3: {  	s11 =	simm.s32 $0x8C20;
	[sflag:s6] =	ssyncadd.s32 $0xFFFFE000  }
0x2d4: {  	v0 =	vld [tilespmem:s11+$0x10];
	_ =	sdelay $0x2  }
0x2d5: {  	v1 =	vld [tilespmem:s11+$0xFFFFFFE0]  }
0x2d6: {  	v2 =	vld [tilespmem:s11+$0xFFFFFFF0]  }
0x2d7: {  	v0 =	vadd.s32 $0xFFFFFFFF, v0  }
0x2d8: {  	s12 =	simm.s32 $0x2C20;
	v3 =	vld [tilespmem:s11+$0x0]  }
0x2d9: {  	s13 =	simm.s32 $0x8C60;
	v4 =	vld [tilespmem:s12+$0x10]  }
0x2da: {  	v5 =	vld [tilespmem:s13+$0x10];
	v1 =	vadd.s32 $0xFFFFFFFF, v1  }
0x2db: {  	v6 =	vld [tilespmem:s13+$0xFFFFFFF0];
	v2 =	vadd.s32 $0xFFFFFFFF, v2  }
0x2dc: {  	v0 =	vld.idx.msk [tilespmem:v0+s30+$0x0], $0xffff  }
0x2dd: {  	v7 =	vld [tilespmem:s13+$0x0];
	v3 =	vadd.s32 $0xFFFFFFFF, v3  }
0x2de: {  	v9 =	vld [tilespmem:s13+$0xFFFFFFE0]  }
0x2df: {  	v10 =	vld.idx.msk [tilespmem:v1+s30+$0x0], $0xffff  }
0x2e0: {  	v1 =	vadd.s32 $0xFFFFFFFF, v5;
	v13 =	vld.idx.msk [tilespmem:v2+s30+$0x0], $0xffff  }
0x2e1: {  	v8 =	vld [tilespmem:s12+$0xFFFFFFE0];
	v5 =	vand.u32 $0xFFFF0000, v0  }
0x2e2: {  	v2 =	vld.idx.msk [tilespmem:v3+s30+$0x0], $0xffff;
	v3 =	vmul.f32 v5, v4  }
0x2e3: {  	v4 =	vshll.u32 v0, $0x10;
	v5 =	vld [tilespmem:s12+$0xFFFFFFF0]  }
0x2e4: {  	v0 =	vadd.s32 $0xFFFFFFFF, v6;
	v6 =	vadd.f32 v4, v3;
	v4 =	vld [tilespmem:s12+$0x0]  }
0x2e5: {  	s9 =	simm.s32 $0xEC20;
	s10 =	simm.s32 $0x2C60;
	v1 =	vld.idx.msk [tilespmem:v1+s30+$0x0], $0xffff;
	v11 =	vand.u32 $0xFFFF0000, v10;
	v12 =	vand.u32 $0xFFFF0000, v13;
	v3 =	vadd.s32 $0xFFFFFFFF, v7  }
0x2e6: {  	s11 =	simm.s32 $0x40;
	v7 =	vadd.s32 $0xFFFFFFFF, v9;
	v9 =	vshll.u32 v10, $0x10;
	s12 =	simm.s32 $0x8CA0;
	v10 =	vshll.u32 v13, $0x10;
	[tilespmem:s9+$0x10] =	vst v6;
	v6 =	vld [tilespmem:s10+$0x10]  }
.LBB2_24:
0x2e7: {  	v13 =	vld [tilespmem:s12+$0x10];
	s11 =	sadd.s32 $0x40, s11;
	v8 =	vmul.f32 v11, v8;
	v11 =	vand.u32 $0xFFFF0000, v2;
	v2 =	vshll.u32 v2, $0x10  }
0x2e8: {  	v14 =	vld [tilespmem:s12+$0xFFFFFFF0];
	p0 =	slt.u32 s11, $0x1FC0;
	v5 =	vmul.f32 v12, v5  }
0x2e9: {  	v12 =	vld [tilespmem:s12+$0x0];
	v8 =	vadd.f32 v9, v8;
	v4 =	vmul.f32 v11, v4  }
0x2ea: {  	v9 =	vld [tilespmem:s12+$0xFFFFFFE0];
	v5 =	vadd.f32 v10, v5  }
0x2eb: {  	v10 =	vld.idx.msk [tilespmem:v7+s30+$0x0], $0xffff;
	v7 =	vand.u32 $0xFFFF0000, v1;
	[tilespmem:s9+$0xFFFFFFE0] =	vst v8;
	v4 =	vadd.f32 v2, v4  }
0x2ec: {  	v11 =	vadd.s32 $0xFFFFFFFF, v13;
	v13 =	vld.idx.msk [tilespmem:v0+s30+$0x0], $0xffff;
	v6 =	vmul.f32 v7, v6;
	[tilespmem:s9+$0xFFFFFFF0] =	vst v5  }
0x2ed: {  	v1 =	vshll.u32 v1, $0x10;
	v0 =	vadd.s32 $0xFFFFFFFF, v14;
	v2 =	vld.idx.msk [tilespmem:v3+s30+$0x0], $0xffff;
	[tilespmem:s9+$0x0] =	vst v4  }
.Ltmp11:
0x2ee: {  	v3 =	vadd.s32 $0xFFFFFFFF, v12;
	v8 =	vld [tilespmem:s10+$0xFFFFFFE0];
	v1 =	vadd.f32 v1, v6;
	(pc) =	sbr.rel @p0 .LBB2_24-.Ltmp11, $4  }
0x2ef: {  	s9 =	sadd.s32 $0x40, s9;
	v7 =	vadd.s32 $0xFFFFFFFF, v9;
	v5 =	vld [tilespmem:s10+$0xFFFFFFF0]  }
0x2f0: {  	v4 =	vld [tilespmem:s10+$0x0];
	[tilespmem:s9+$0x10] =	vst v1  }
0x2f1: {  	v9 =	vshll.u32 v10, $0x10;
	s10 =	sadd.s32 $0x40, s10;
	v1 =	vld.idx.msk [tilespmem:v11+s30+$0x0], $0xffff;
	v11 =	vand.u32 $0xFFFF0000, v10  }
0x2f2: {  	s12 =	sadd.s32 $0x40, s12;
	v12 =	vand.u32 $0xFFFF0000, v13;
	v10 =	vshll.u32 v13, $0x10;
	v6 =	vld [tilespmem:s10+$0x10]  }
0x2f3: {  	_ =	sdelay $0x3  }
0x2f4: {  	v7 =	vld.idx.msk [tilespmem:v7+s30+$0x0], $0xffff  }
0x2f5: {  	v0 =	vld.idx.msk [tilespmem:v0+s30+$0x0], $0xffff  }
0x2f6: {  	v3 =	vld.idx.msk [tilespmem:v3+s30+$0x0], $0xffff  }
0x2f7: {  	v8 =	vmul.f32 v11, v8;
	v11 =	vld [tilespmem:s10+$0xFFFFFFE0]  }
0x2f8: {  	v13 =	vand.u32 $0xFFFF0000, v2;
	v5 =	vmul.f32 v12, v5;
	v12 =	vld [tilespmem:s10+$0xFFFFFFF0]  }
0x2f9: {  	v8 =	vadd.f32 v9, v8;
	v4 =	vmul.f32 v13, v4;
	v13 =	vld [tilespmem:s10+$0x0];
	v9 =	vand.u32 $0xFFFF0000, v1  }
0x2fa: {  	v2 =	vshll.u32 v2, $0x10;
	v5 =	vadd.f32 v10, v5;
	v6 =	vmul.f32 v9, v6  }
0x2fb: {  	v1 =	vshll.u32 v1, $0x10;
	v2 =	vadd.f32 v2, v4;
	v4 =	vand.u32 $0xFFFF0000, v7  }
0x2fc: {  	[tilespmem:s9+$0xFFFFFFE0] =	vst v8;
	v1 =	vadd.f32 v1, v6;
	v6 =	vand.u32 $0xFFFF0000, v0;
	v4 =	vmul.f32 v4, v11  }
0x2fd: {  	[tilespmem:s9+$0xFFFFFFF0] =	vst v5;
	v5 =	vshll.u32 v7, $0x10;
	v7 =	vand.u32 $0xFFFF0000, v3;
	v6 =	vmul.f32 v6, v12  }
0x2fe: {  	s13 =	sadd.s32 $0x40, s9;
	[tilespmem:s9+$0x0] =	vst v2;
	v0 =	vshll.u32 v0, $0x10;
	v2 =	vadd.f32 v5, v4;
	v4 =	vmul.f32 v7, v13  }
0x2ff: {  	[tilespmem:s13+$0x10] =	vst v1;
	v1 =	vshll.u32 v3, $0x10;
	v0 =	vadd.f32 v0, v6  }
0x300: {  	[tilespmem:s13+$0xFFFFFFE0] =	vst v2;
	v1 =	vadd.f32 v1, v4  }
0x301: {  	[tilespmem:s13+$0xFFFFFFF0] =	vst v0  }
0x302: {  	[tilespmem:s13+$0x0] =	vst v1  }
0x303: {  	s9 =	sld [smem:$0x7F1];
	_ =	sdelay $0x1  }
0x304: {  	s10 =	sld [smem:$0x7FB]  }
0x305: {  	[hbm4b:s9+s1] =	stream.linear.scatter [tilespmem:s2], [sflag:$0x5], $0x2000, $0x38;
	[tilespmem:$0x12C00] =	vst v63  }
0x306: {  	_ = 	snop  }
0x307: {  	[tilespmem:s23], [sflag:$0x2] =	stream.linear.gather [hbm4b:s10+s1], $0x2000, $0x38;
	[tilespmem:$0x12C00] =	vst v63  }
0x308: {  	_ = 	snop  }
0x309: {  	[tilespmem:s24], [sflag:$0x2] =	stream.linear.gather [hbm4b:s14+s1], $0x2000, $0x38;
	[tilespmem:$0x12C00] =	vst v63  }
0x30a: {  	_ =	swait.ge [sflag:s3], $0x2000  }
0x30b: {  	[sflag:s3] =	ssyncset.done $0x0  }
0x30c: {  	[sflag:s3] =	ssyncadd.s32 $0xFFFFE000  }
0x30d: {  	_ =	swait.ge [sflag:s3], $0x2000  }
0x30e: {  	[sflag:s3] =	ssyncset.done $0x0  }
0x30f: {  	[sflag:s3] =	ssyncadd.s32 $0xFFFFE000  }
0x310: {  	_ =	swait.ge [sflag:s7], $0x2000  }
0x311: {  	[sflag:s7] =	ssyncset.done $0x0  }
0x312: {  	s11 =	simm.s32 $0xAC20;
	[sflag:s7] =	ssyncadd.s32 $0xFFFFE000  }
0x313: {  	v0 =	vld [tilespmem:s11+$0x10];
	_ =	sdelay $0x2  }
0x314: {  	v1 =	vld [tilespmem:s11+$0xFFFFFFE0]  }
0x315: {  	v2 =	vld [tilespmem:s11+$0xFFFFFFF0]  }
0x316: {  	v0 =	vadd.s32 $0xFFFFFFFF, v0  }
0x317: {  	s12 =	simm.s32 $0x4C20;
	v3 =	vld [tilespmem:s11+$0x0]  }
0x318: {  	s13 =	simm.s32 $0xAC60;
	v4 =	vld [tilespmem:s12+$0x10]  }
0x319: {  	v5 =	vld [tilespmem:s13+$0x10];
	v1 =	vadd.s32 $0xFFFFFFFF, v1  }
0x31a: {  	v6 =	vld [tilespmem:s13+$0xFFFFFFF0];
	v2 =	vadd.s32 $0xFFFFFFFF, v2  }
0x31b: {  	v0 =	vld.idx.msk [tilespmem:v0+s30+$0x0], $0xffff  }
0x31c: {  	v7 =	vld [tilespmem:s13+$0x0];
	v3 =	vadd.s32 $0xFFFFFFFF, v3  }
0x31d: {  	v9 =	vld [tilespmem:s13+$0xFFFFFFE0]  }
0x31e: {  	v10 =	vld.idx.msk [tilespmem:v1+s30+$0x0], $0xffff  }
0x31f: {  	v1 =	vadd.s32 $0xFFFFFFFF, v5;
	v13 =	vld.idx.msk [tilespmem:v2+s30+$0x0], $0xffff  }
0x320: {  	v8 =	vld [tilespmem:s12+$0xFFFFFFE0];
	v5 =	vand.u32 $0xFFFF0000, v0  }
0x321: {  	v2 =	vld.idx.msk [tilespmem:v3+s30+$0x0], $0xffff;
	v3 =	vmul.f32 v5, v4  }
0x322: {  	v4 =	vshll.u32 v0, $0x10;
	v5 =	vld [tilespmem:s12+$0xFFFFFFF0]  }
0x323: {  	v0 =	vadd.s32 $0xFFFFFFFF, v6;
	v6 =	vadd.f32 v4, v3;
	v4 =	vld [tilespmem:s12+$0x0]  }
0x324: {  	s9 =	simm.s32 $0x10C20;
	s10 =	simm.s32 $0x4C60;
	v1 =	vld.idx.msk [tilespmem:v1+s30+$0x0], $0xffff;
	v11 =	vand.u32 $0xFFFF0000, v10;
	v12 =	vand.u32 $0xFFFF0000, v13;
	v3 =	vadd.s32 $0xFFFFFFFF, v7  }
0x325: {  	s11 =	simm.s32 $0x40;
	v7 =	vadd.s32 $0xFFFFFFFF, v9;
	v9 =	vshll.u32 v10, $0x10;
	s12 =	simm.s32 $0xACA0;
	v10 =	vshll.u32 v13, $0x10;
	[tilespmem:s9+$0x10] =	vst v6;
	v6 =	vld [tilespmem:s10+$0x10]  }
.LBB2_26:
0x326: {  	v13 =	vld [tilespmem:s12+$0x10];
	s11 =	sadd.s32 $0x40, s11;
	v8 =	vmul.f32 v11, v8;
	v11 =	vand.u32 $0xFFFF0000, v2;
	v2 =	vshll.u32 v2, $0x10  }
0x327: {  	v14 =	vld [tilespmem:s12+$0xFFFFFFF0];
	p0 =	slt.u32 s11, $0x1FC0;
	v5 =	vmul.f32 v12, v5  }
0x328: {  	v12 =	vld [tilespmem:s12+$0x0];
	v8 =	vadd.f32 v9, v8;
	v4 =	vmul.f32 v11, v4  }
0x329: {  	v9 =	vld [tilespmem:s12+$0xFFFFFFE0];
	v5 =	vadd.f32 v10, v5  }
0x32a: {  	v10 =	vld.idx.msk [tilespmem:v7+s30+$0x0], $0xffff;
	v7 =	vand.u32 $0xFFFF0000, v1;
	[tilespmem:s9+$0xFFFFFFE0] =	vst v8;
	v4 =	vadd.f32 v2, v4  }
0x32b: {  	v11 =	vadd.s32 $0xFFFFFFFF, v13;
	v13 =	vld.idx.msk [tilespmem:v0+s30+$0x0], $0xffff;
	v6 =	vmul.f32 v7, v6;
	[tilespmem:s9+$0xFFFFFFF0] =	vst v5  }
0x32c: {  	v1 =	vshll.u32 v1, $0x10;
	v0 =	vadd.s32 $0xFFFFFFFF, v14;
	v2 =	vld.idx.msk [tilespmem:v3+s30+$0x0], $0xffff;
	[tilespmem:s9+$0x0] =	vst v4  }
.Ltmp12:
0x32d: {  	v3 =	vadd.s32 $0xFFFFFFFF, v12;
	v8 =	vld [tilespmem:s10+$0xFFFFFFE0];
	v1 =	vadd.f32 v1, v6;
	(pc) =	sbr.rel @p0 .LBB2_26-.Ltmp12, $4  }
0x32e: {  	s9 =	sadd.s32 $0x40, s9;
	v7 =	vadd.s32 $0xFFFFFFFF, v9;
	v5 =	vld [tilespmem:s10+$0xFFFFFFF0]  }
0x32f: {  	v4 =	vld [tilespmem:s10+$0x0];
	[tilespmem:s9+$0x10] =	vst v1  }
0x330: {  	v9 =	vshll.u32 v10, $0x10;
	s10 =	sadd.s32 $0x40, s10;
	v1 =	vld.idx.msk [tilespmem:v11+s30+$0x0], $0xffff;
	v11 =	vand.u32 $0xFFFF0000, v10  }
0x331: {  	s12 =	sadd.s32 $0x40, s12;
	v12 =	vand.u32 $0xFFFF0000, v13;
	v10 =	vshll.u32 v13, $0x10;
	v6 =	vld [tilespmem:s10+$0x10]  }
0x332: {  	_ =	sdelay $0x3  }
0x333: {  	v7 =	vld.idx.msk [tilespmem:v7+s30+$0x0], $0xffff  }
0x334: {  	v0 =	vld.idx.msk [tilespmem:v0+s30+$0x0], $0xffff  }
0x335: {  	v3 =	vld.idx.msk [tilespmem:v3+s30+$0x0], $0xffff  }
0x336: {  	v8 =	vmul.f32 v11, v8;
	v11 =	vld [tilespmem:s10+$0xFFFFFFE0]  }
0x337: {  	v13 =	vand.u32 $0xFFFF0000, v2;
	v5 =	vmul.f32 v12, v5;
	v12 =	vld [tilespmem:s10+$0xFFFFFFF0]  }
0x338: {  	v8 =	vadd.f32 v9, v8;
	v4 =	vmul.f32 v13, v4;
	v13 =	vld [tilespmem:s10+$0x0];
	v9 =	vand.u32 $0xFFFF0000, v1  }
0x339: {  	v2 =	vshll.u32 v2, $0x10;
	v5 =	vadd.f32 v10, v5;
	v6 =	vmul.f32 v9, v6  }
0x33a: {  	v1 =	vshll.u32 v1, $0x10;
	v2 =	vadd.f32 v2, v4;
	v4 =	vand.u32 $0xFFFF0000, v7  }
0x33b: {  	[tilespmem:s9+$0xFFFFFFE0] =	vst v8;
	v1 =	vadd.f32 v1, v6;
	v6 =	vand.u32 $0xFFFF0000, v0;
	v4 =	vmul.f32 v4, v11  }
0x33c: {  	[tilespmem:s9+$0xFFFFFFF0] =	vst v5;
	v5 =	vshll.u32 v7, $0x10;
	v7 =	vand.u32 $0xFFFF0000, v3;
	v6 =	vmul.f32 v6, v12  }
0x33d: {  	s13 =	sadd.s32 $0x40, s9;
	[tilespmem:s9+$0x0] =	vst v2;
	v0 =	vshll.u32 v0, $0x10;
	v2 =	vadd.f32 v5, v4;
	v4 =	vmul.f32 v7, v13  }
0x33e: {  	[tilespmem:s13+$0x10] =	vst v1;
	v1 =	vshll.u32 v3, $0x10;
	v0 =	vadd.f32 v0, v6  }
0x33f: {  	[tilespmem:s13+$0xFFFFFFE0] =	vst v2;
	v1 =	vadd.f32 v1, v4  }
0x340: {  	[tilespmem:s13+$0xFFFFFFF0] =	vst v0  }
0x341: {  	[tilespmem:s13+$0x0] =	vst v1  }
0x342: {  	s9 =	sld [smem:$0x7F4];
	_ =	sdelay $0x1  }
0x343: {  	s10 =	sld [smem:$0x7FC]  }
0x344: {  	[hbm4b:s9+s1] =	stream.linear.scatter [tilespmem:s4], [sflag:$0x6], $0x2000, $0x38;
	[tilespmem:$0x12C00] =	vst v63  }
0x345: {  	_ = 	snop  }
0x346: {  	[tilespmem:s26], [sflag:$0x3] =	stream.linear.gather [hbm4b:s10+s1], $0x2000, $0x38;
	[tilespmem:$0x12C00] =	vst v63  }
0x347: {  	_ = 	snop  }
0x348: {  	[tilespmem:s28], [sflag:$0x3] =	stream.linear.gather [hbm4b:s15+s1], $0x2000, $0x38;
	[tilespmem:$0x12C00] =	vst v63  }
0x349: {  	_ =	swait.ge [sflag:s29], $0x2000  }
0x34a: {  	[sflag:s29] =	ssyncset.done $0x0  }
0x34b: {  	[sflag:s29] =	ssyncadd.s32 $0xFFFFE000  }
0x34c: {  	_ =	swait.ge [sflag:s29], $0x2000  }
0x34d: {  	[sflag:s29] =	ssyncset.done $0x0  }
0x34e: {  	[sflag:s29] =	ssyncadd.s32 $0xFFFFE000  }
0x34f: {  	_ =	swait.ge [sflag:s5], $0x2000  }
0x350: {  	[sflag:s5] =	ssyncset.done $0x0  }
0x351: {  	s11 =	simm.s32 $0x6C20;
	[sflag:s5] =	ssyncadd.s32 $0xFFFFE000  }
0x352: {  	v0 =	vld [tilespmem:s11+$0x10];
	_ =	sdelay $0x2  }
0x353: {  	v1 =	vld [tilespmem:s11+$0xFFFFFFE0]  }
0x354: {  	v2 =	vld [tilespmem:s11+$0xFFFFFFF0]  }
0x355: {  	v0 =	vadd.s32 $0xFFFFFFFF, v0  }
0x356: {  	s12 =	simm.s32 $0xC20;
	v3 =	vld [tilespmem:s11+$0x0]  }
0x357: {  	s13 =	simm.s32 $0x6C60;
	v4 =	vld [tilespmem:s12+$0x10]  }
0x358: {  	v5 =	vld [tilespmem:s13+$0x10];
	v1 =	vadd.s32 $0xFFFFFFFF, v1  }
0x359: {  	v6 =	vld [tilespmem:s13+$0xFFFFFFF0];
	v2 =	vadd.s32 $0xFFFFFFFF, v2  }
0x35a: {  	v0 =	vld.idx.msk [tilespmem:v0+s30+$0x0], $0xffff  }
0x35b: {  	v7 =	vld [tilespmem:s13+$0x0];
	v3 =	vadd.s32 $0xFFFFFFFF, v3  }
0x35c: {  	v9 =	vld [tilespmem:s13+$0xFFFFFFE0]  }
0x35d: {  	v10 =	vld.idx.msk [tilespmem:v1+s30+$0x0], $0xffff  }
0x35e: {  	v1 =	vadd.s32 $0xFFFFFFFF, v5;
	v13 =	vld.idx.msk [tilespmem:v2+s30+$0x0], $0xffff  }
0x35f: {  	v8 =	vld [tilespmem:s12+$0xFFFFFFE0];
	v5 =	vand.u32 $0xFFFF0000, v0  }
0x360: {  	v2 =	vld.idx.msk [tilespmem:v3+s30+$0x0], $0xffff;
	v3 =	vmul.f32 v5, v4  }
0x361: {  	v4 =	vshll.u32 v0, $0x10;
	v5 =	vld [tilespmem:s12+$0xFFFFFFF0]  }
0x362: {  	v0 =	vadd.s32 $0xFFFFFFFF, v6;
	v6 =	vadd.f32 v4, v3;
	v4 =	vld [tilespmem:s12+$0x0]  }
0x363: {  	s9 =	simm.s32 $0xCC20;
	s10 =	simm.s32 $0xC60;
	v1 =	vld.idx.msk [tilespmem:v1+s30+$0x0], $0xffff;
	v11 =	vand.u32 $0xFFFF0000, v10;
	v12 =	vand.u32 $0xFFFF0000, v13;
	v3 =	vadd.s32 $0xFFFFFFFF, v7  }
0x364: {  	s11 =	simm.s32 $0x40;
	v7 =	vadd.s32 $0xFFFFFFFF, v9;
	v9 =	vshll.u32 v10, $0x10;
	s12 =	simm.s32 $0x6CA0;
	v10 =	vshll.u32 v13, $0x10;
	[tilespmem:s9+$0x10] =	vst v6;
	v6 =	vld [tilespmem:s10+$0x10]  }
.LBB2_28:
0x365: {  	v13 =	vld [tilespmem:s12+$0x10];
	s11 =	sadd.s32 $0x40, s11;
	v8 =	vmul.f32 v11, v8;
	v11 =	vand.u32 $0xFFFF0000, v2;
	v2 =	vshll.u32 v2, $0x10  }
0x366: {  	v14 =	vld [tilespmem:s12+$0xFFFFFFF0];
	p0 =	slt.u32 s11, $0x1FC0;
	v5 =	vmul.f32 v12, v5  }
0x367: {  	v12 =	vld [tilespmem:s12+$0x0];
	v8 =	vadd.f32 v9, v8;
	v4 =	vmul.f32 v11, v4  }
0x368: {  	v9 =	vld [tilespmem:s12+$0xFFFFFFE0];
	v5 =	vadd.f32 v10, v5  }
0x369: {  	v10 =	vld.idx.msk [tilespmem:v7+s30+$0x0], $0xffff;
	v7 =	vand.u32 $0xFFFF0000, v1;
	[tilespmem:s9+$0xFFFFFFE0] =	vst v8;
	v4 =	vadd.f32 v2, v4  }
0x36a: {  	v11 =	vadd.s32 $0xFFFFFFFF, v13;
	v13 =	vld.idx.msk [tilespmem:v0+s30+$0x0], $0xffff;
	v6 =	vmul.f32 v7, v6;
	[tilespmem:s9+$0xFFFFFFF0] =	vst v5  }
0x36b: {  	v1 =	vshll.u32 v1, $0x10;
	v0 =	vadd.s32 $0xFFFFFFFF, v14;
	v2 =	vld.idx.msk [tilespmem:v3+s30+$0x0], $0xffff;
	[tilespmem:s9+$0x0] =	vst v4  }
.Ltmp13:
0x36c: {  	v3 =	vadd.s32 $0xFFFFFFFF, v12;
	v8 =	vld [tilespmem:s10+$0xFFFFFFE0];
	v1 =	vadd.f32 v1, v6;
	(pc) =	sbr.rel @p0 .LBB2_28-.Ltmp13, $4  }
0x36d: {  	s9 =	sadd.s32 $0x40, s9;
	v7 =	vadd.s32 $0xFFFFFFFF, v9;
	v5 =	vld [tilespmem:s10+$0xFFFFFFF0]  }
0x36e: {  	v4 =	vld [tilespmem:s10+$0x0];
	[tilespmem:s9+$0x10] =	vst v1  }
0x36f: {  	v9 =	vshll.u32 v10, $0x10;
	s10 =	sadd.s32 $0x40, s10;
	v1 =	vld.idx.msk [tilespmem:v11+s30+$0x0], $0xffff;
	v11 =	vand.u32 $0xFFFF0000, v10  }
0x370: {  	s12 =	sadd.s32 $0x40, s12;
	v12 =	vand.u32 $0xFFFF0000, v13;
	v10 =	vshll.u32 v13, $0x10;
	v6 =	vld [tilespmem:s10+$0x10]  }
0x371: {  	_ =	sdelay $0x3  }
0x372: {  	v7 =	vld.idx.msk [tilespmem:v7+s30+$0x0], $0xffff  }
0x373: {  	v0 =	vld.idx.msk [tilespmem:v0+s30+$0x0], $0xffff  }
0x374: {  	v3 =	vld.idx.msk [tilespmem:v3+s30+$0x0], $0xffff  }
0x375: {  	v8 =	vmul.f32 v11, v8;
	v11 =	vld [tilespmem:s10+$0xFFFFFFE0]  }
0x376: {  	v13 =	vand.u32 $0xFFFF0000, v2;
	v5 =	vmul.f32 v12, v5;
	v12 =	vld [tilespmem:s10+$0xFFFFFFF0]  }
0x377: {  	v8 =	vadd.f32 v9, v8;
	v4 =	vmul.f32 v13, v4;
	v13 =	vld [tilespmem:s10+$0x0];
	v9 =	vand.u32 $0xFFFF0000, v1  }
0x378: {  	v2 =	vshll.u32 v2, $0x10;
	v5 =	vadd.f32 v10, v5;
	v6 =	vmul.f32 v9, v6  }
0x379: {  	v1 =	vshll.u32 v1, $0x10;
	v2 =	vadd.f32 v2, v4;
	v4 =	vand.u32 $0xFFFF0000, v7  }
0x37a: {  	[tilespmem:s9+$0xFFFFFFE0] =	vst v8;
	v1 =	vadd.f32 v1, v6;
	v6 =	vand.u32 $0xFFFF0000, v0;
	v4 =	vmul.f32 v4, v11  }
0x37b: {  	[tilespmem:s9+$0xFFFFFFF0] =	vst v5;
	v5 =	vshll.u32 v7, $0x10;
	v7 =	vand.u32 $0xFFFF0000, v3;
	v6 =	vmul.f32 v6, v12  }
0x37c: {  	s13 =	sadd.s32 $0x40, s9;
	[tilespmem:s9+$0x0] =	vst v2;
	v0 =	vshll.u32 v0, $0x10;
	v2 =	vadd.f32 v5, v4;
	v4 =	vmul.f32 v7, v13  }
0x37d: {  	[tilespmem:s13+$0x10] =	vst v1;
	v1 =	vshll.u32 v3, $0x10;
	v0 =	vadd.f32 v0, v6  }
0x37e: {  	[tilespmem:s13+$0xFFFFFFE0] =	vst v2;
	v1 =	vadd.f32 v1, v4  }
0x37f: {  	[tilespmem:s13+$0xFFFFFFF0] =	vst v0  }
0x380: {  	[tilespmem:s13+$0x0] =	vst v1  }
0x381: {  	s9 =	sld [smem:$0x7F7];
	_ =	sdelay $0x1  }
0x382: {  	s10 =	sld [smem:$0x7FD]  }
0x383: {  	[hbm4b:s9+s1] =	stream.linear.scatter [tilespmem:s31], [sflag:$0x4], $0x2000, $0x38;
	[tilespmem:$0x12C00] =	vst v63  }
0x384: {  	_ = 	snop  }
0x385: {  	[tilespmem:s21], [sflag:$0x1] =	stream.linear.gather [hbm4b:s10+s1], $0x2000, $0x38;
	[tilespmem:$0x12C00] =	vst v63  }
0x386: {  	_ = 	snop  }
0x387: {  	[tilespmem:s22], [sflag:$0x1] =	stream.linear.gather [hbm4b:s16+s1], $0x2000, $0x38;
	[tilespmem:$0x12C00] =	vst v63  }
0x388: {  	_ =	swait.ge [sflag:s0], $0x2000  }
0x389: {  	[sflag:s0] =	ssyncset.done $0x0  }
0x38a: {  	[sflag:s0] =	ssyncadd.s32 $0xFFFFE000  }
0x38b: {  	_ =	swait.ge [sflag:s0], $0x2000  }
0x38c: {  	[sflag:s0] =	ssyncset.done $0x0  }
0x38d: {  	[sflag:s0] =	ssyncadd.s32 $0xFFFFE000  }
0x38e: {  	_ =	swait.ge [sflag:s6], $0x2000  }
0x38f: {  	[sflag:s6] =	ssyncset.done $0x0  }
0x390: {  	s11 =	simm.s32 $0x8C20;
	[sflag:s6] =	ssyncadd.s32 $0xFFFFE000  }
0x391: {  	v0 =	vld [tilespmem:s11+$0x10];
	_ =	sdelay $0x2  }
0x392: {  	v1 =	vld [tilespmem:s11+$0xFFFFFFE0]  }
0x393: {  	v2 =	vld [tilespmem:s11+$0xFFFFFFF0]  }
0x394: {  	v0 =	vadd.s32 $0xFFFFFFFF, v0  }
0x395: {  	s12 =	simm.s32 $0x2C20;
	v3 =	vld [tilespmem:s11+$0x0]  }
0x396: {  	s13 =	simm.s32 $0x8C60;
	v4 =	vld [tilespmem:s12+$0x10]  }
0x397: {  	v5 =	vld [tilespmem:s13+$0x10];
	v1 =	vadd.s32 $0xFFFFFFFF, v1  }
0x398: {  	v6 =	vld [tilespmem:s13+$0xFFFFFFF0];
	v2 =	vadd.s32 $0xFFFFFFFF, v2  }
0x399: {  	v0 =	vld.idx.msk [tilespmem:v0+s30+$0x0], $0xffff  }
0x39a: {  	v7 =	vld [tilespmem:s13+$0x0];
	v3 =	vadd.s32 $0xFFFFFFFF, v3  }
0x39b: {  	v9 =	vld [tilespmem:s13+$0xFFFFFFE0]  }
0x39c: {  	v10 =	vld.idx.msk [tilespmem:v1+s30+$0x0], $0xffff  }
0x39d: {  	v1 =	vadd.s32 $0xFFFFFFFF, v5;
	v13 =	vld.idx.msk [tilespmem:v2+s30+$0x0], $0xffff  }
0x39e: {  	v8 =	vld [tilespmem:s12+$0xFFFFFFE0];
	v5 =	vand.u32 $0xFFFF0000, v0  }
0x39f: {  	v2 =	vld.idx.msk [tilespmem:v3+s30+$0x0], $0xffff;
	v3 =	vmul.f32 v5, v4  }
0x3a0: {  	v4 =	vshll.u32 v0, $0x10;
	v5 =	vld [tilespmem:s12+$0xFFFFFFF0]  }
0x3a1: {  	v0 =	vadd.s32 $0xFFFFFFFF, v6;
	v6 =	vadd.f32 v4, v3;
	v4 =	vld [tilespmem:s12+$0x0]  }
0x3a2: {  	s9 =	simm.s32 $0xEC20;
	s10 =	simm.s32 $0x2C60;
	v1 =	vld.idx.msk [tilespmem:v1+s30+$0x0], $0xffff;
	v11 =	vand.u32 $0xFFFF0000, v10;
	v12 =	vand.u32 $0xFFFF0000, v13;
	v3 =	vadd.s32 $0xFFFFFFFF, v7  }
0x3a3: {  	s11 =	simm.s32 $0x40;
	v7 =	vadd.s32 $0xFFFFFFFF, v9;
	v9 =	vshll.u32 v10, $0x10;
	s12 =	simm.s32 $0x8CA0;
	v10 =	vshll.u32 v13, $0x10;
	[tilespmem:s9+$0x10] =	vst v6;
	v6 =	vld [tilespmem:s10+$0x10]  }
.LBB2_30:
0x3a4: {  	v13 =	vld [tilespmem:s12+$0x10];
	s11 =	sadd.s32 $0x40, s11;
	v8 =	vmul.f32 v11, v8;
	v11 =	vand.u32 $0xFFFF0000, v2;
	v2 =	vshll.u32 v2, $0x10  }
0x3a5: {  	v14 =	vld [tilespmem:s12+$0xFFFFFFF0];
	p0 =	slt.u32 s11, $0x1FC0;
	v5 =	vmul.f32 v12, v5  }
0x3a6: {  	v12 =	vld [tilespmem:s12+$0x0];
	v8 =	vadd.f32 v9, v8;
	v4 =	vmul.f32 v11, v4  }
0x3a7: {  	v9 =	vld [tilespmem:s12+$0xFFFFFFE0];
	v5 =	vadd.f32 v10, v5  }
0x3a8: {  	v10 =	vld.idx.msk [tilespmem:v7+s30+$0x0], $0xffff;
	v7 =	vand.u32 $0xFFFF0000, v1;
	[tilespmem:s9+$0xFFFFFFE0] =	vst v8;
	v4 =	vadd.f32 v2, v4  }
0x3a9: {  	v11 =	vadd.s32 $0xFFFFFFFF, v13;
	v13 =	vld.idx.msk [tilespmem:v0+s30+$0x0], $0xffff;
	v6 =	vmul.f32 v7, v6;
	[tilespmem:s9+$0xFFFFFFF0] =	vst v5  }
0x3aa: {  	v1 =	vshll.u32 v1, $0x10;
	v0 =	vadd.s32 $0xFFFFFFFF, v14;
	v2 =	vld.idx.msk [tilespmem:v3+s30+$0x0], $0xffff;
	[tilespmem:s9+$0x0] =	vst v4  }
.Ltmp14:
0x3ab: {  	v3 =	vadd.s32 $0xFFFFFFFF, v12;
	v8 =	vld [tilespmem:s10+$0xFFFFFFE0];
	v1 =	vadd.f32 v1, v6;
	(pc) =	sbr.rel @p0 .LBB2_30-.Ltmp14, $4  }
0x3ac: {  	s9 =	sadd.s32 $0x40, s9;
	v7 =	vadd.s32 $0xFFFFFFFF, v9;
	v5 =	vld [tilespmem:s10+$0xFFFFFFF0]  }
0x3ad: {  	v4 =	vld [tilespmem:s10+$0x0];
	[tilespmem:s9+$0x10] =	vst v1  }
0x3ae: {  	v9 =	vshll.u32 v10, $0x10;
	s10 =	sadd.s32 $0x40, s10;
	v1 =	vld.idx.msk [tilespmem:v11+s30+$0x0], $0xffff;
	v11 =	vand.u32 $0xFFFF0000, v10  }
0x3af: {  	s12 =	sadd.s32 $0x40, s12;
	v12 =	vand.u32 $0xFFFF0000, v13;
	v10 =	vshll.u32 v13, $0x10;
	v6 =	vld [tilespmem:s10+$0x10]  }
0x3b0: {  	_ =	sdelay $0x3  }
0x3b1: {  	v7 =	vld.idx.msk [tilespmem:v7+s30+$0x0], $0xffff  }
0x3b2: {  	v0 =	vld.idx.msk [tilespmem:v0+s30+$0x0], $0xffff  }
0x3b3: {  	v3 =	vld.idx.msk [tilespmem:v3+s30+$0x0], $0xffff  }
0x3b4: {  	v8 =	vmul.f32 v11, v8;
	v11 =	vld [tilespmem:s10+$0xFFFFFFE0]  }
0x3b5: {  	v13 =	vand.u32 $0xFFFF0000, v2;
	v5 =	vmul.f32 v12, v5;
	v12 =	vld [tilespmem:s10+$0xFFFFFFF0]  }
0x3b6: {  	v8 =	vadd.f32 v9, v8;
	v4 =	vmul.f32 v13, v4;
	v13 =	vld [tilespmem:s10+$0x0];
	v9 =	vand.u32 $0xFFFF0000, v1  }
0x3b7: {  	v2 =	vshll.u32 v2, $0x10;
	v5 =	vadd.f32 v10, v5;
	v6 =	vmul.f32 v9, v6  }
0x3b8: {  	v1 =	vshll.u32 v1, $0x10;
	v2 =	vadd.f32 v2, v4;
	v4 =	vand.u32 $0xFFFF0000, v7  }
0x3b9: {  	[tilespmem:s9+$0xFFFFFFE0] =	vst v8;
	v1 =	vadd.f32 v1, v6;
	v6 =	vand.u32 $0xFFFF0000, v0;
	v4 =	vmul.f32 v4, v11  }
0x3ba: {  	[tilespmem:s9+$0xFFFFFFF0] =	vst v5;
	v5 =	vshll.u32 v7, $0x10;
	v7 =	vand.u32 $0xFFFF0000, v3;
	v6 =	vmul.f32 v6, v12  }
0x3bb: {  	s10 =	sadd.s32 $0x40, s9;
	[tilespmem:s9+$0x0] =	vst v2;
	v0 =	vshll.u32 v0, $0x10;
	v2 =	vadd.f32 v5, v4;
	v4 =	vmul.f32 v7, v13  }
0x3bc: {  	[tilespmem:s10+$0x10] =	vst v1;
	v1 =	vshll.u32 v3, $0x10;
	v0 =	vadd.f32 v0, v6  }
0x3bd: {  	[tilespmem:s10+$0xFFFFFFE0] =	vst v2;
	v1 =	vadd.f32 v1, v4  }
0x3be: {  	[tilespmem:s10+$0xFFFFFFF0] =	vst v0  }
0x3bf: {  	[tilespmem:s10+$0x0] =	vst v1  }
0x3c0: {  	[hbm4b:s17+s1] =	stream.linear.scatter [tilespmem:s2], [sflag:$0x5], $0x2000, $0x38;
	[tilespmem:$0x12C00] =	vst v63  }
0x3c1: {  	_ =	swait.ge [sflag:s3], $0x2000  }
0x3c2: {  	[sflag:s3] =	ssyncset.done $0x0  }
0x3c3: {  	[sflag:s3] =	ssyncadd.s32 $0xFFFFE000  }
0x3c4: {  	_ =	swait.ge [sflag:s3], $0x2000  }
0x3c5: {  	[sflag:s3] =	ssyncset.done $0x0  }
0x3c6: {  	[sflag:s3] =	ssyncadd.s32 $0xFFFFE000  }
0x3c7: {  	_ =	swait.ge [sflag:s7], $0x2000  }
0x3c8: {  	[sflag:s7] =	ssyncset.done $0x0  }
0x3c9: {  	s11 =	simm.s32 $0xAC20;
	[sflag:s7] =	ssyncadd.s32 $0xFFFFE000  }
0x3ca: {  	v0 =	vld [tilespmem:s11+$0x10];
	_ =	sdelay $0x2  }
0x3cb: {  	v1 =	vld [tilespmem:s11+$0xFFFFFFE0]  }
0x3cc: {  	v2 =	vld [tilespmem:s11+$0xFFFFFFF0]  }
0x3cd: {  	v0 =	vadd.s32 $0xFFFFFFFF, v0  }
0x3ce: {  	s12 =	simm.s32 $0x4C20;
	v3 =	vld [tilespmem:s11+$0x0]  }
0x3cf: {  	s13 =	simm.s32 $0xAC60;
	v4 =	vld [tilespmem:s12+$0x10]  }
0x3d0: {  	v5 =	vld [tilespmem:s13+$0x10];
	v1 =	vadd.s32 $0xFFFFFFFF, v1  }
0x3d1: {  	v6 =	vld [tilespmem:s13+$0xFFFFFFF0];
	v2 =	vadd.s32 $0xFFFFFFFF, v2  }
0x3d2: {  	v0 =	vld.idx.msk [tilespmem:v0+s30+$0x0], $0xffff  }
0x3d3: {  	v7 =	vld [tilespmem:s13+$0x0];
	v3 =	vadd.s32 $0xFFFFFFFF, v3  }
0x3d4: {  	v9 =	vld [tilespmem:s13+$0xFFFFFFE0]  }
0x3d5: {  	v10 =	vld.idx.msk [tilespmem:v1+s30+$0x0], $0xffff  }
0x3d6: {  	v1 =	vadd.s32 $0xFFFFFFFF, v5;
	v13 =	vld.idx.msk [tilespmem:v2+s30+$0x0], $0xffff  }
0x3d7: {  	v8 =	vld [tilespmem:s12+$0xFFFFFFE0];
	v5 =	vand.u32 $0xFFFF0000, v0  }
0x3d8: {  	v2 =	vld.idx.msk [tilespmem:v3+s30+$0x0], $0xffff;
	v3 =	vmul.f32 v5, v4  }
0x3d9: {  	v4 =	vshll.u32 v0, $0x10;
	v5 =	vld [tilespmem:s12+$0xFFFFFFF0]  }
0x3da: {  	v0 =	vadd.s32 $0xFFFFFFFF, v6;
	v6 =	vadd.f32 v4, v3;
	v4 =	vld [tilespmem:s12+$0x0]  }
0x3db: {  	s9 =	simm.s32 $0x10C20;
	s10 =	simm.s32 $0x4C60;
	v1 =	vld.idx.msk [tilespmem:v1+s30+$0x0], $0xffff;
	v11 =	vand.u32 $0xFFFF0000, v10;
	v12 =	vand.u32 $0xFFFF0000, v13;
	v3 =	vadd.s32 $0xFFFFFFFF, v7  }
0x3dc: {  	s11 =	simm.s32 $0x40;
	v7 =	vadd.s32 $0xFFFFFFFF, v9;
	v9 =	vshll.u32 v10, $0x10;
	s12 =	simm.s32 $0xACA0;
	v10 =	vshll.u32 v13, $0x10;
	[tilespmem:s9+$0x10] =	vst v6;
	v6 =	vld [tilespmem:s10+$0x10]  }
.LBB2_32:
0x3dd: {  	v13 =	vld [tilespmem:s12+$0x10];
	s11 =	sadd.s32 $0x40, s11;
	v8 =	vmul.f32 v11, v8;
	v11 =	vand.u32 $0xFFFF0000, v2;
	v2 =	vshll.u32 v2, $0x10  }
0x3de: {  	v14 =	vld [tilespmem:s12+$0xFFFFFFF0];
	p0 =	slt.u32 s11, $0x1FC0;
	v5 =	vmul.f32 v12, v5  }
0x3df: {  	v12 =	vld [tilespmem:s12+$0x0];
	v8 =	vadd.f32 v9, v8;
	v4 =	vmul.f32 v11, v4  }
0x3e0: {  	v9 =	vld [tilespmem:s12+$0xFFFFFFE0];
	v5 =	vadd.f32 v10, v5  }
0x3e1: {  	v10 =	vld.idx.msk [tilespmem:v7+s30+$0x0], $0xffff;
	v7 =	vand.u32 $0xFFFF0000, v1;
	[tilespmem:s9+$0xFFFFFFE0] =	vst v8;
	v4 =	vadd.f32 v2, v4  }
0x3e2: {  	v11 =	vadd.s32 $0xFFFFFFFF, v13;
	v13 =	vld.idx.msk [tilespmem:v0+s30+$0x0], $0xffff;
	v6 =	vmul.f32 v7, v6;
	[tilespmem:s9+$0xFFFFFFF0] =	vst v5  }
0x3e3: {  	v1 =	vshll.u32 v1, $0x10;
	v0 =	vadd.s32 $0xFFFFFFFF, v14;
	v2 =	vld.idx.msk [tilespmem:v3+s30+$0x0], $0xffff;
	[tilespmem:s9+$0x0] =	vst v4  }
.Ltmp15:
0x3e4: {  	v3 =	vadd.s32 $0xFFFFFFFF, v12;
	v8 =	vld [tilespmem:s10+$0xFFFFFFE0];
	v1 =	vadd.f32 v1, v6;
	(pc) =	sbr.rel @p0 .LBB2_32-.Ltmp15, $4  }
0x3e5: {  	s9 =	sadd.s32 $0x40, s9;
	v7 =	vadd.s32 $0xFFFFFFFF, v9;
	v5 =	vld [tilespmem:s10+$0xFFFFFFF0]  }
0x3e6: {  	v4 =	vld [tilespmem:s10+$0x0];
	[tilespmem:s9+$0x10] =	vst v1  }
0x3e7: {  	v9 =	vshll.u32 v10, $0x10;
	s10 =	sadd.s32 $0x40, s10;
	v1 =	vld.idx.msk [tilespmem:v11+s30+$0x0], $0xffff;
	v11 =	vand.u32 $0xFFFF0000, v10  }
0x3e8: {  	s12 =	sadd.s32 $0x40, s12;
	v12 =	vand.u32 $0xFFFF0000, v13;
	v10 =	vshll.u32 v13, $0x10;
	v6 =	vld [tilespmem:s10+$0x10]  }
0x3e9: {  	_ =	sdelay $0x3  }
0x3ea: {  	v7 =	vld.idx.msk [tilespmem:v7+s30+$0x0], $0xffff  }
0x3eb: {  	v0 =	vld.idx.msk [tilespmem:v0+s30+$0x0], $0xffff  }
0x3ec: {  	v3 =	vld.idx.msk [tilespmem:v3+s30+$0x0], $0xffff  }
0x3ed: {  	v8 =	vmul.f32 v11, v8;
	v11 =	vld [tilespmem:s10+$0xFFFFFFE0]  }
0x3ee: {  	v13 =	vand.u32 $0xFFFF0000, v2;
	v5 =	vmul.f32 v12, v5;
	v12 =	vld [tilespmem:s10+$0xFFFFFFF0]  }
0x3ef: {  	v8 =	vadd.f32 v9, v8;
	v4 =	vmul.f32 v13, v4;
	v13 =	vld [tilespmem:s10+$0x0];
	v9 =	vand.u32 $0xFFFF0000, v1  }
0x3f0: {  	v2 =	vshll.u32 v2, $0x10;
	v5 =	vadd.f32 v10, v5;
	v6 =	vmul.f32 v9, v6  }
0x3f1: {  	v1 =	vshll.u32 v1, $0x10;
	v2 =	vadd.f32 v2, v4;
	v4 =	vand.u32 $0xFFFF0000, v7  }
0x3f2: {  	[tilespmem:s9+$0xFFFFFFE0] =	vst v8;
	v1 =	vadd.f32 v1, v6;
	v6 =	vand.u32 $0xFFFF0000, v0;
	v4 =	vmul.f32 v4, v11  }
0x3f3: {  	[tilespmem:s9+$0xFFFFFFF0] =	vst v5;
	v5 =	vshll.u32 v7, $0x10;
	v7 =	vand.u32 $0xFFFF0000, v3;
	v6 =	vmul.f32 v6, v12  }
0x3f4: {  	s10 =	sadd.s32 $0x40, s9;
	[tilespmem:s9+$0x0] =	vst v2;
	v0 =	vshll.u32 v0, $0x10;
	v2 =	vadd.f32 v5, v4;
	v4 =	vmul.f32 v7, v13  }
0x3f5: {  	[tilespmem:s10+$0x10] =	vst v1;
	v1 =	vshll.u32 v3, $0x10;
	v0 =	vadd.f32 v0, v6  }
0x3f6: {  	[tilespmem:s10+$0xFFFFFFE0] =	vst v2;
	v1 =	vadd.f32 v1, v4  }
0x3f7: {  	[tilespmem:s10+$0xFFFFFFF0] =	vst v0  }
0x3f8: {  	[tilespmem:s10+$0x0] =	vst v1  }
0x3f9: {  	[hbm4b:s18+s1] =	stream.linear.scatter [tilespmem:s4], [sflag:$0x6], $0x2000, $0x38;
	[tilespmem:$0x12C00] =	vst v63  }
0x3fa: {  	_ =	swait.ge [sflag:s29], $0x2000  }
0x3fb: {  	[sflag:s29] =	ssyncset.done $0x0  }
0x3fc: {  	[sflag:s29] =	ssyncadd.s32 $0xFFFFE000  }
0x3fd: {  	_ =	swait.ge [sflag:s29], $0x2000  }
0x3fe: {  	[sflag:s29] =	ssyncset.done $0x0  }
0x3ff: {  	[sflag:s29] =	ssyncadd.s32 $0xFFFFE000  }
0x400: {  	_ =	swait.ge [sflag:s5], $0x2000  }
0x401: {  	[sflag:s5] =	ssyncset.done $0x0  }
0x402: {  	s11 =	simm.s32 $0x6C20;
	[sflag:s5] =	ssyncadd.s32 $0xFFFFE000  }
0x403: {  	v0 =	vld [tilespmem:s11+$0x10];
	_ =	sdelay $0x2  }
0x404: {  	v1 =	vld [tilespmem:s11+$0xFFFFFFE0]  }
0x405: {  	v2 =	vld [tilespmem:s11+$0xFFFFFFF0]  }
0x406: {  	v0 =	vadd.s32 $0xFFFFFFFF, v0  }
0x407: {  	s12 =	simm.s32 $0xC20;
	v3 =	vld [tilespmem:s11+$0x0]  }
0x408: {  	s13 =	simm.s32 $0x6C60;
	v4 =	vld [tilespmem:s12+$0x10]  }
0x409: {  	v5 =	vld [tilespmem:s13+$0x10];
	v1 =	vadd.s32 $0xFFFFFFFF, v1  }
0x40a: {  	v6 =	vld [tilespmem:s13+$0xFFFFFFF0];
	v2 =	vadd.s32 $0xFFFFFFFF, v2  }
0x40b: {  	v0 =	vld.idx.msk [tilespmem:v0+s30+$0x0], $0xffff  }
0x40c: {  	v7 =	vld [tilespmem:s13+$0x0];
	v3 =	vadd.s32 $0xFFFFFFFF, v3  }
0x40d: {  	v9 =	vld [tilespmem:s13+$0xFFFFFFE0]  }
0x40e: {  	v10 =	vld.idx.msk [tilespmem:v1+s30+$0x0], $0xffff  }
0x40f: {  	v1 =	vadd.s32 $0xFFFFFFFF, v5;
	v13 =	vld.idx.msk [tilespmem:v2+s30+$0x0], $0xffff  }
0x410: {  	v8 =	vld [tilespmem:s12+$0xFFFFFFE0];
	v5 =	vand.u32 $0xFFFF0000, v0  }
0x411: {  	v2 =	vld.idx.msk [tilespmem:v3+s30+$0x0], $0xffff;
	v3 =	vmul.f32 v5, v4  }
0x412: {  	v4 =	vshll.u32 v0, $0x10;
	v5 =	vld [tilespmem:s12+$0xFFFFFFF0]  }
0x413: {  	v0 =	vadd.s32 $0xFFFFFFFF, v6;
	v6 =	vadd.f32 v4, v3;
	v4 =	vld [tilespmem:s12+$0x0]  }
0x414: {  	s9 =	simm.s32 $0xCC20;
	s10 =	simm.s32 $0xC60;
	v1 =	vld.idx.msk [tilespmem:v1+s30+$0x0], $0xffff;
	v11 =	vand.u32 $0xFFFF0000, v10;
	v12 =	vand.u32 $0xFFFF0000, v13;
	v3 =	vadd.s32 $0xFFFFFFFF, v7  }
0x415: {  	s11 =	simm.s32 $0x40;
	v7 =	vadd.s32 $0xFFFFFFFF, v9;
	v9 =	vshll.u32 v10, $0x10;
	s12 =	simm.s32 $0x6CA0;
	v10 =	vshll.u32 v13, $0x10;
	[tilespmem:s9+$0x10] =	vst v6;
	v6 =	vld [tilespmem:s10+$0x10]  }
.LBB2_34:
0x416: {  	v13 =	vld [tilespmem:s12+$0x10];
	s11 =	sadd.s32 $0x40, s11;
	v8 =	vmul.f32 v11, v8;
	v11 =	vand.u32 $0xFFFF0000, v2;
	v2 =	vshll.u32 v2, $0x10  }
0x417: {  	v14 =	vld [tilespmem:s12+$0xFFFFFFF0];
	p0 =	slt.u32 s11, $0x1FC0;
	v5 =	vmul.f32 v12, v5  }
0x418: {  	v12 =	vld [tilespmem:s12+$0x0];
	v8 =	vadd.f32 v9, v8;
	v4 =	vmul.f32 v11, v4  }
0x419: {  	v9 =	vld [tilespmem:s12+$0xFFFFFFE0];
	v5 =	vadd.f32 v10, v5  }
0x41a: {  	v10 =	vld.idx.msk [tilespmem:v7+s30+$0x0], $0xffff;
	v7 =	vand.u32 $0xFFFF0000, v1;
	[tilespmem:s9+$0xFFFFFFE0] =	vst v8;
	v4 =	vadd.f32 v2, v4  }
0x41b: {  	v11 =	vadd.s32 $0xFFFFFFFF, v13;
	v13 =	vld.idx.msk [tilespmem:v0+s30+$0x0], $0xffff;
	v6 =	vmul.f32 v7, v6;
	[tilespmem:s9+$0xFFFFFFF0] =	vst v5  }
0x41c: {  	v1 =	vshll.u32 v1, $0x10;
	v0 =	vadd.s32 $0xFFFFFFFF, v14;
	v2 =	vld.idx.msk [tilespmem:v3+s30+$0x0], $0xffff;
	[tilespmem:s9+$0x0] =	vst v4  }
.Ltmp16:
0x41d: {  	v3 =	vadd.s32 $0xFFFFFFFF, v12;
	v8 =	vld [tilespmem:s10+$0xFFFFFFE0];
	v1 =	vadd.f32 v1, v6;
	(pc) =	sbr.rel @p0 .LBB2_34-.Ltmp16, $4  }
0x41e: {  	s9 =	sadd.s32 $0x40, s9;
	v7 =	vadd.s32 $0xFFFFFFFF, v9;
	v5 =	vld [tilespmem:s10+$0xFFFFFFF0]  }
0x41f: {  	v4 =	vld [tilespmem:s10+$0x0];
	[tilespmem:s9+$0x10] =	vst v1  }
0x420: {  	v9 =	vshll.u32 v10, $0x10;
	s10 =	sadd.s32 $0x40, s10;
	v1 =	vld.idx.msk [tilespmem:v11+s30+$0x0], $0xffff;
	v11 =	vand.u32 $0xFFFF0000, v10  }
0x421: {  	s12 =	sadd.s32 $0x40, s12;
	v12 =	vand.u32 $0xFFFF0000, v13;
	v10 =	vshll.u32 v13, $0x10;
	v6 =	vld [tilespmem:s10+$0x10]  }
0x422: {  	_ =	sdelay $0x3  }
0x423: {  	v7 =	vld.idx.msk [tilespmem:v7+s30+$0x0], $0xffff  }
0x424: {  	v0 =	vld.idx.msk [tilespmem:v0+s30+$0x0], $0xffff  }
0x425: {  	v3 =	vld.idx.msk [tilespmem:v3+s30+$0x0], $0xffff  }
0x426: {  	v8 =	vmul.f32 v11, v8;
	v51 =	vld [tilespmem:s10+$0xFFFFFFE0]  }
0x427: {  	v13 =	vand.u32 $0xFFFF0000, v2;
	v52 =	vld [tilespmem:s10+$0xFFFFFFF0];
	v5 =	vmul.f32 v12, v5  }
0x428: {  	v54 =	vld [tilespmem:s10+$0x0];
	v55 =	vshll.u32 v2, $0x10;
	v8 =	vadd.f32 v9, v8;
	v4 =	vmul.f32 v13, v4  }
0x429: {  	v53 =	vand.u32 $0xFFFF0000, v1;
	v5 =	vadd.f32 v10, v5;
	v56 =	vshll.u32 v1, $0x10  }
0x42a: {  	v6 =	vmul.f32 v53, v6;
	v2 =	vadd.f32 v55, v4;
	v57 =	vand.u32 $0xFFFF0000, v7  }
0x42b: {  	[tilespmem:s9+$0xFFFFFFE0] =	vst v8;
	v58 =	vand.u32 $0xFFFF0000, v0;
	v59 =	vshll.u32 v7, $0x10;
	v4 =	vmul.f32 v57, v51  }
0x42c: {  	[tilespmem:s9+$0xFFFFFFF0] =	vst v5;
	v60 =	vand.u32 $0xFFFF0000, v3;
	v1 =	vadd.f32 v56, v6;
	v6 =	vmul.f32 v58, v52  }
0x42d: {  	s13 =	sadd.s32 $0x40, s9;
	v0 =	vshll.u32 v0, $0x10;
	[tilespmem:s9+$0x0] =	vst v2;
	v62 =	vmul.f32 v60, v54;
	v61 =	vadd.f32 v59, v4  }
0x42e: {  	v63 =	vshll.u32 v3, $0x10;
	[tilespmem:s13+$0x10] =	vst v1;
	v0 =	vadd.f32 v0, v6  }
0x42f: {  	v1 =	vadd.f32 v63, v62;
	[tilespmem:s13+$0xFFFFFFE0] =	vst v61  }
0x430: {  	[tilespmem:s13+$0xFFFFFFF0] =	vst v0  }
0x431: {  	[tilespmem:s13+$0x0] =	vst v1  }
0x432: {  	[hbm4b:s19+s1] =	stream.linear.scatter [tilespmem:s31], [sflag:$0x4], $0x2000, $0x38;
	[tilespmem:$0x12C00] =	vst v63  }
0x433: {  	_ =	swait.ge [sflag:s6], $0x2000  }
0x434: {  	[sflag:s6] =	ssyncset.done $0x0  }
0x435: {  	s8 =	sadd.s32 $0x1, s8;
	[sflag:s6] =	ssyncadd.s32 $0xFFFFE000  }
0x436: {  	p0 =	sne.s32 s8, s20;
	_ =	swait.ge [sflag:s7], $0x2000  }
.Ltmp17:
0x437: {  	[sflag:s7] =	ssyncset.done $0x0;
	(pc) =	sbr.rel @p0 .LBB2_1-.Ltmp17, $4  }
0x438: {  	[sflag:s7] =	ssyncadd.s32 $0xFFFFE000  }
0x439: {  	_ =	swait.ge [sflag:s5], $0x2000  }
0x43a: {  	[sflag:s5] =	ssyncset.done $0x0  }
0x43b: {  	[sflag:s5] =	ssyncadd.s32 $0xFFFFE000  }
0x43c: {  	_ =	sfence.sel $0x180000  }
0x43d: {  	[bflag:$0x0] =	sbarrier.arrive $0xFFFF  }
0x43e: {  	_ =	strace $0x90000047  }
0x43f: {  	s0 =	stileid.u32;
	[bflag:$0x2] =	sbarrier.arrive $0xFFFF  }
0x440: {  	p0 =	sne.s32 s0, $0x0;
	s0 =	rddreg [dreg:$0x5]  }
0x441: {  	s0 =	sadd.s32 @!p0 $0x100000, s0  }
0x442: {  	[sflag:s0] =	ssyncadd.tile.s32 @!p0 $0x1;
	_ =	shalt  }
.Lfunc_end2:
_tile_overlayer_lowered:
.L_overlay_start_2:
0x443: {  	(tag) =	ssettag $0x2  }
0x444: {  	s0 =	rddreg [dreg:$0x0];
	s2 =	stileid.u32  }
0x445: {  	s1 =	rddreg [dreg:$0x1];
	p0 =	sne.s32 s2, $0x0  }
0x446: {  	s3 =	rddreg [dreg:$0x2];
	[bflag:$0x3] =	sbarrier.arrive $0xFFFF;
	s2 =	simm.s32 @!p0 $0x1C08  }
0x447: {  	[timem:s3], [sflag:s2] =	dma.local @!p0 [hbm:s0], s1  }
0x448: {  	s0 =	simm.s32 @!p0 $0x8  }
0x449: {  	_ =	swait.ge @!p0 [sflag:s0], s1  }
0x44a: {  	s1 =	ssub.s32 @!p0 $0x0, s1;
	[sflag:s0] =	ssyncset.done @!p0 $0x0  }
0x44b: {  	[sflag:s0] =	ssyncadd.s32 @!p0 s1  }
0x44c: {  	[bflag:$0x3] =	sbarrier.arrive $0xFFFF  }
0x44d: {  	_ =	shalt  }

</sc_bundles>
